<compile_context>
chip_gen: v7x
topology: tpu7x:2x2x1
jax: 0.10.2.dev20260603
libtpu: 0.0.44.dev20260713+nightly
codegen_flags: <defaults>
</compile_context>

<pallas_src>
import jax
import jax.numpy as jnp
from jax import lax
from jax.experimental import pallas as pl
from jax.experimental.pallas import tpu as pltpu
from jax.experimental.pallas import tpu_sc as plsc

N = 10000
E = 320000
D = 128
H = 256

NC = 2
NS = 16
NW = NC * NS
EH = E // 2
EPT = EH // NW
CH = 40
NCHUNK = EPT // CH
ROWS_PER_TILE = N // NS
ZROWS = 125

_vector_mesh = plsc.VectorSubcoreMesh(core_axis_name="c", subcore_axis_name="s")
_sc_linear = pltpu.CompilerParams(use_tc_tiling_on_sc=False)


def _sc_gather(features, aug16, idx_self, idx_nbr):

    @pl.kernel(
        out_type=[
            jax.ShapeDtypeStruct((EH, D), jnp.float32),
            jax.ShapeDtypeStruct((EH, D), jnp.int32),
        ],
        mesh=_vector_mesh,
        scratch_types=[
            pltpu.VMEM((EPT,), jnp.int32),
            pltpu.VMEM((EPT,), jnp.int32),
            pltpu.VMEM((80, D), jnp.float32),
            pltpu.VMEM((80, D), jnp.float32),
            pltpu.VMEM((80, D), jnp.int32),
            pltpu.VMEM((80, D), jnp.int32),
            pltpu.SemaphoreType.DMA,
            pltpu.SemaphoreType.DMA,
            pltpu.SemaphoreType.DMA,
            pltpu.SemaphoreType.DMA,
        ],
    )
    def kern(feat_hbm, aug_hbm, idxs_hbm, idxn_hbm, outs_hbm, outn_hbm,
             idxs_v, idxn_v, bufs0, bufs1, bufn0, bufn1,
             gsem0, gsem1, wsem0, wsem1):
        c = lax.axis_index("c")
        s = lax.axis_index("s")
        base = (c * NS + s) * EPT

        i1 = pltpu.async_copy(idxs_hbm.at[pl.ds(base, EPT)], idxs_v, gsem0)
        i2 = pltpu.async_copy(idxn_hbm.at[pl.ds(base, EPT)], idxn_v, gsem1)
        i1.wait()
        i2.wait()

        bufs = (bufs0, bufs1)
        bufn = (bufn0, bufn1)
        gsem = (gsem0, gsem1)
        wsem = (wsem0, wsem1)

        GCH = 80
        NFULL = 62

        def start_gather(k, slot):
            pltpu.async_copy(
                feat_hbm.at[idxs_v.at[pl.ds(k * GCH, GCH)]], bufs[slot], gsem[slot])
            pltpu.async_copy(
                aug_hbm.at[idxn_v.at[pl.ds(k * GCH, GCH)]], bufn[slot], gsem[slot])

        def wait_gather(slot):
            pltpu.make_async_copy(feat_hbm.at[pl.ds(0, GCH)], bufs[slot], gsem[slot]).wait()
            pltpu.make_async_copy(aug_hbm.at[pl.ds(0, GCH)], bufn[slot], gsem[slot]).wait()

        def start_write(k, slot):
            off = base + k * GCH
            pltpu.async_copy(bufs[slot], outs_hbm.at[pl.ds(off, GCH)], wsem[slot])
            pltpu.async_copy(bufn[slot], outn_hbm.at[pl.ds(off, GCH)], wsem[slot])

        def wait_write(slot):
            pltpu.make_async_copy(feat_hbm.at[pl.ds(0, GCH)], bufs[slot], wsem[slot]).wait()
            pltpu.make_async_copy(aug_hbm.at[pl.ds(0, GCH)], bufn[slot], wsem[slot]).wait()

        start_gather(0, 0)
        start_gather(1, 1)

        @pl.loop(0, NFULL // 2)
        def _(j):
            k = j * 2
            wait_gather(0)
            start_write(k, 0)
            wait_gather(1)
            start_write(k + 1, 1)
            wait_write(0)

            @pl.when(k + 2 < NFULL)
            def _():
                start_gather(k + 2, 0)

            wait_write(1)

            @pl.when(k + 3 < NFULL)
            def _():
                start_gather(k + 3, 1)

        toff = NFULL * GCH
        pltpu.async_copy(
            feat_hbm.at[idxs_v.at[pl.ds(toff, 40)]],
            bufs0.at[pl.ds(0, 40)], gsem0)
        pltpu.async_copy(
            aug_hbm.at[idxn_v.at[pl.ds(toff, 40)]],
            bufn0.at[pl.ds(0, 40)], gsem0)
        pltpu.make_async_copy(feat_hbm.at[pl.ds(0, 40)],
                              bufs0.at[pl.ds(0, 40)], gsem0).wait()
        pltpu.make_async_copy(aug_hbm.at[pl.ds(0, 40)],
                              bufn0.at[pl.ds(0, 40)], gsem0).wait()
        pltpu.sync_copy(bufs0.at[pl.ds(0, 40)],
                        outs_hbm.at[pl.ds(base + toff, 40)])
        pltpu.sync_copy(bufn0.at[pl.ds(0, 40)],
                        outn_hbm.at[pl.ds(base + toff, 40)])

    return kern(features, aug16, idx_self, idx_nbr)


def _tc_dense(rows_self, rows_nbr, W1cat, b1cat, W2blk, b2cat, powp):
    BB = 640
    grid = EH // BB

    def body(self_ref, nbr_ref, w1_ref, b1_ref, w2_ref, b2_ref, p_ref,
             em_ref, den_ref):
        packed = nbr_ref[...]
        lo = jax.lax.bitcast_convert_type(
            jnp.left_shift(packed, 16), jnp.float32)
        hi = jax.lax.bitcast_convert_type(
            jnp.bitwise_and(packed, jnp.int32(-65536)), jnp.float32)
        x = jnp.concatenate(
            [self_ref[...].astype(jnp.bfloat16),
             lo.astype(jnp.bfloat16), hi.astype(jnp.bfloat16)], axis=1)
        h = jnp.dot(x, w1_ref[...], preferred_element_type=jnp.float32)
        h = h + b1_ref[...]
        h = jnp.where(h > 0, h, 0.01 * h)
        gm = jnp.dot(h.astype(jnp.bfloat16), w2_ref[...],
                     preferred_element_type=jnp.float32)
        gm = gm + b2_ref[...]
        g = gm[:, 0:1]
        m = gm[:, 1:129]
        w = lo[:, 64:65] + hi[:, 64:65]
        p = p_ref[0, 0]
        e = (w ** p) * jnp.exp(g)
        em_ref[...] = e * m
        den_ref[...] = jnp.concatenate(
            [e, jnp.zeros((BB, 15), jnp.float32)], axis=1)

    return pl.pallas_call(
        body,
        grid=(grid,),
        in_specs=[
            pl.BlockSpec((BB, D), lambda i: (i, 0)),
            pl.BlockSpec((BB, D), lambda i: (i, 0)),
            pl.BlockSpec((3 * D, 2 * H), lambda i: (0, 0)),
            pl.BlockSpec((1, 2 * H), lambda i: (0, 0)),
            pl.BlockSpec((2 * H, D + 1), lambda i: (0, 0)),
            pl.BlockSpec((1, D + 1), lambda i: (0, 0)),
            pl.BlockSpec((1, 1), lambda i: (0, 0)),
        ],
        out_specs=[
            pl.BlockSpec((BB, D), lambda i: (i, 0)),
            pl.BlockSpec((BB, 16), lambda i: (i, 0)),
        ],
        out_shape=[
            jax.ShapeDtypeStruct((EH, D), jnp.float32),
            jax.ShapeDtypeStruct((EH, 16), jnp.float32),
        ],
    )(rows_self, rows_nbr, W1cat, b1cat, W2blk, b2cat, powp)


def _sc_scatter(em, e16, idx3):

    @pl.kernel(
        out_type=[
            jax.ShapeDtypeStruct((NC, N, D), jnp.float32),
            jax.ShapeDtypeStruct((NC, N, 16), jnp.float32),
        ],
        mesh=_vector_mesh,
        scratch_types=[
            pltpu.VMEM_SHARED((N, D), jnp.float32),
            pltpu.VMEM_SHARED((N, 16), jnp.float32),
            pltpu.VMEM((ZROWS, D), jnp.float32),
            pltpu.VMEM((ZROWS, 16), jnp.float32),
            pltpu.VMEM((NCHUNK, CH), jnp.int32),
            pltpu.VMEM((CH, D), jnp.float32),
            pltpu.VMEM((CH, D), jnp.float32),
            pltpu.VMEM((CH, 16), jnp.float32),
            pltpu.VMEM((CH, 16), jnp.float32),
            pltpu.SemaphoreType.DMA,
            pltpu.SemaphoreType.DMA,
        ],
        compiler_params=_sc_linear,
    )
    def kern(em_hbm, e16_hbm, idx_hbm, out_em, out_den,
             shared_em, shared_den, zbuf, zbuf16, idx_v,
             cbuf0, cbuf1, dbuf0, dbuf1, lsem0, lsem1):
        c = lax.axis_index("c")
        s = lax.axis_index("s")
        wid = c * NS + s

        pltpu.async_copy(idx_hbm.at[wid], idx_v, lsem0).wait()

        @pl.loop(0, ZROWS)
        def _(r):
            @pl.loop(0, D // 16)
            def _(ct):
                zbuf[r, pl.ds(ct * 16, 16)] = jnp.zeros((16,), jnp.float32)
            zbuf16[r, :] = jnp.zeros((16,), jnp.float32)

        @pl.loop(0, ROWS_PER_TILE // ZROWS)
        def _(j):
            row = s * ROWS_PER_TILE + j * ZROWS
            pltpu.sync_copy(zbuf, shared_em.at[pl.ds(row, ZROWS)])
            pltpu.sync_copy(zbuf16, shared_den.at[pl.ds(row, ZROWS)])

        plsc.subcore_barrier()

        base = wid * EPT
        cbuf = (cbuf0, cbuf1)
        dbuf = (dbuf0, dbuf1)
        lsem = (lsem0, lsem1)

        def start_load(k, slot):
            off = base + k * CH
            pltpu.async_copy(em_hbm.at[pl.ds(off, CH)], cbuf[slot], lsem[slot])
            pltpu.async_copy(e16_hbm.at[pl.ds(off, CH)], dbuf[slot], lsem[slot])

        def wait_load(slot):
            pltpu.make_async_copy(em_hbm.at[pl.ds(0, CH)], cbuf[slot], lsem[slot]).wait()
            pltpu.make_async_copy(e16_hbm.at[pl.ds(0, CH)], dbuf[slot], lsem[slot]).wait()

        def add_streams(k, slot):
            pltpu.sync_copy(cbuf[slot], shared_em.at[idx_v.at[k]], add=True)
            pltpu.sync_copy(dbuf[slot], shared_den.at[idx_v.at[k]], add=True)

        start_load(0, 0)
        start_load(1, 1)

        @pl.loop(0, (NCHUNK - 1) // 2)
        def _(j):
            k = j * 2
            wait_load(0)
            add_streams(k, 0)
            start_load(k + 2, 0)
            wait_load(1)
            add_streams(k + 1, 1)

            @pl.when(k + 3 < NCHUNK)
            def _():
                start_load(k + 3, 1)

        wait_load(0)
        add_streams(NCHUNK - 1, 0)

        plsc.subcore_barrier()

        @pl.loop(0, ROWS_PER_TILE // ZROWS)
        def _(j):
            row = s * ROWS_PER_TILE + j * ZROWS
            pltpu.sync_copy(shared_em.at[pl.ds(row, ZROWS)],
                            out_em.at[c].at[pl.ds(row, ZROWS)])
            pltpu.sync_copy(shared_den.at[pl.ds(row, ZROWS)],
                            out_den.at[c].at[pl.ds(row, ZROWS)])

    return kern(em, e16, idx3)


def _tc_finalize(em1, den1, em2, den2, features):
    BN = 2000

    def body(e1_ref, d1_ref, e2_ref, d2_ref, f_ref, o_ref):
        num = (e1_ref[0] + e1_ref[1] + e2_ref[0] + e2_ref[1])
        den = (d1_ref[0, :, 0:1] + d1_ref[1, :, 0:1]
               + d2_ref[0, :, 0:1] + d2_ref[1, :, 0:1])
        o_ref[...] = num / (den + 1e-10) + f_ref[...]

    return pl.pallas_call(
        body,
        grid=(N // BN,),
        in_specs=[
            pl.BlockSpec((NC, BN, D), lambda i: (0, i, 0)),
            pl.BlockSpec((NC, BN, 16), lambda i: (0, i, 0)),
            pl.BlockSpec((NC, BN, D), lambda i: (0, i, 0)),
            pl.BlockSpec((NC, BN, 16), lambda i: (0, i, 0)),
            pl.BlockSpec((BN, D), lambda i: (i, 0)),
        ],
        out_specs=pl.BlockSpec((BN, D), lambda i: (i, 0)),
        out_shape=jax.ShapeDtypeStruct((N, D), jnp.float32),
    )(em1, den1, em2, den2, features)


def kernel(node_weights, node_prev_features, self_idx, neighbor_idx,
           gate_W1, gate_b1, gate_W2, gate_b2,
           msg_W1, msg_b1, msg_W2, msg_b2, pow_param):
    idx_self = self_idx.astype(jnp.int32)
    idx_nbr = neighbor_idx.astype(jnp.int32)
    feats = node_prev_features.astype(jnp.float32)

    w32 = node_weights.astype(jnp.float32)
    w_hi = w32.astype(jnp.bfloat16)
    w_lo = (w32 - w_hi.astype(jnp.float32)).astype(jnp.bfloat16)
    feats16 = feats.astype(jnp.bfloat16)
    ev = jax.lax.bitcast_convert_type(feats16[:, 0::2], jnp.uint16).astype(jnp.uint32)
    od = jax.lax.bitcast_convert_type(feats16[:, 1::2], jnp.uint16).astype(jnp.uint32)
    wword = (jax.lax.bitcast_convert_type(w_hi, jnp.uint16).astype(jnp.uint32)
             | (jax.lax.bitcast_convert_type(w_lo, jnp.uint16).astype(jnp.uint32) << 16))
    packed = jnp.concatenate(
        [ev | (od << 16), wword, jnp.zeros((N, D - 65), jnp.uint32)], axis=1)
    nbr_packed = jax.lax.bitcast_convert_type(packed, jnp.int32)

    base = jnp.concatenate([gate_W1, msg_W1], axis=1)
    nbr_rows = base[D:]
    W1cat = jnp.concatenate(
        [base[:D],
         nbr_rows[0::2], jnp.zeros((64, 2 * H), jnp.float32),
         nbr_rows[1::2], jnp.zeros((64, 2 * H), jnp.float32)],
        axis=0).astype(jnp.bfloat16)
    b1cat = jnp.concatenate([gate_b1, msg_b1])[None, :].astype(jnp.float32)
    W2blk = jnp.zeros((2 * H, D + 1), jnp.float32)
    W2blk = W2blk.at[:H, 0:1].set(gate_W2)
    W2blk = W2blk.at[H:, 1:].set(msg_W2)
    W2blk = W2blk.astype(jnp.bfloat16)
    b2cat = jnp.concatenate([gate_b2, msg_b2])[None, :].astype(jnp.float32)
    powp = pow_param.reshape(1, 1).astype(jnp.float32)

    partials = []
    for lo_e in (0, EH):
        ids = lax.dynamic_slice_in_dim(idx_self, lo_e, EH)
        idn = lax.dynamic_slice_in_dim(idx_nbr, lo_e, EH)
        rows_self, rows_nbr = _sc_gather(feats, nbr_packed, ids, idn)
        em, e16 = _tc_dense(rows_self, rows_nbr, W1cat, b1cat, W2blk, b2cat, powp)
        partials.append(_sc_scatter(em, e16, ids.reshape(NW, NCHUNK, CH)))
    return _tc_finalize(partials[0][0], partials[0][1],
                        partials[1][0], partials[1][1], feats)

# --- scband reference (transcript-rebuilt; emitter-appended) ---
"""Pipeline reference for scband-message-layer-73134703116342 (READ-ONLY COPY).

The authoritative reference and input builder live on the scoring server;
editing this copy changes nothing except your own understanding.
"""

import jax, jax.numpy as jnp
import numpy as np

N = 10000
E = 320000
D = 128
H = 256

def leaky_relu(x):
    return jax.nn.leaky_relu(x, negative_slope=0.01)

def setup_inputs(seed: int = 0) -> dict:
    key = jax.random.key(seed)
    ks = jax.random.split(key, 12)
    inp = {
        "node_weights": jax.random.uniform(ks[0], (N, 1), dtype=jnp.float32) + 1e-3,
        "node_prev_features": jax.random.normal(ks[1], (N, D), dtype=jnp.float32),
        "self_idx": jnp.sort(jax.random.randint(ks[2], (E,), 0, N, dtype=jnp.int64)),
        "neighbor_idx": jax.random.randint(ks[3], (E,), 0, N, dtype=jnp.int64),
        # WeightedAttentionPooling head params (SimpleNetwork = Linear->LeakyReLU->Linear)
        "gate_W1": jax.random.normal(ks[4], (2 * D, H), dtype=jnp.float32) * 0.05,
        "gate_b1": jnp.zeros((H,), dtype=jnp.float32),
        "gate_W2": jax.random.normal(ks[5], (H, 1), dtype=jnp.float32) * 0.05,
        "gate_b2": jnp.zeros((1,), dtype=jnp.float32),
        "msg_W1": jax.random.normal(ks[6], (2 * D, H), dtype=jnp.float32) * 0.05,
        "msg_b1": jnp.zeros((H,), dtype=jnp.float32),
        "msg_W2": jax.random.normal(ks[7], (H, D), dtype=jnp.float32) * 0.05,
        "msg_b2": jnp.zeros((D,), dtype=jnp.float32),
        "pow_param": jax.random.normal(ks[8], (1,), dtype=jnp.float32),
    }
    return inp

def reference(node_weights, node_prev_features, self_idx, neighbor_idx,
              gate_W1, gate_b1, gate_W2, gate_b2,
              msg_W1, msg_b1, msg_W2, msg_b2, pow_param):
    # gather node pair features (memory-bound gathers)
    node_nbr_weights = node_weights[neighbor_idx, :]
    msg_nbr_fea = node_prev_features[neighbor_idx, :]
    msg_self_fea = node_prev_features[self_idx, :]
    message = jnp.concatenate([msg_self_fea, msg_nbr_fea], axis=1)
    # single attention head (num_msg_heads=1)
    gate = leaky_relu(message @ gate_W1 + gate_b1) @ gate_W2 + gate_b2
    gmax = jax.ops.segment_max(gate, self_idx, num_segments=N)
    gate = gate - gmax[self_idx]
    gate = (node_nbr_weights ** pow_param) * jnp.exp(gate)
    gsum = jax.ops.segment_sum(gate, self_idx, num_segments=N)
    gate = gate / (gsum[self_idx] + 1e-10)
    msg = leaky_relu(message @ msg_W1 + msg_b1) @ msg_W2 + msg_b2
    pooled = jax.ops.segment_sum(gate * msg, self_idx, num_segments=N)
    # mean over 1 head is identity
    node_update = pooled
    return node_update + node_prev_features

if __name__ == "__main__":
    import jax
    _d = setup_inputs()
    print(jax.jit(kernel)(*tuple(_d.values())))

</pallas_src>

<mosaic_0001>
#map = affine_map<(d0, d1) -> (0, 0)>
#map1 = affine_map<(d0, d1) -> (0, 0, 0)>
module attributes {stable_mosaic.version = 14 : i64} {
  func.func @kern(%arg0: i32, %arg1: i32, %arg2: memref<160000x128xf32, #tpu.memory_space<hbm>>, %arg3: memref<160000x16xf32, #tpu.memory_space<hbm>>, %arg4: memref<32x125x40xi32, #tpu.memory_space<hbm>>, %arg5: memref<2x10000x128xf32, #tpu.memory_space<hbm>>, %arg6: memref<2x10000x16xf32, #tpu.memory_space<hbm>>, %arg7: memref<10000x128xf32, #tpu.memory_space<vmem_shared>>, %arg8: memref<10000x16xf32, #tpu.memory_space<vmem_shared>>, %arg9: memref<125x128xf32, #tpu.memory_space<vmem>>, %arg10: memref<125x16xf32, #tpu.memory_space<vmem>>, %arg11: memref<125x40xi32, #tpu.memory_space<vmem>>, %arg12: memref<40x128xf32, #tpu.memory_space<vmem>>, %arg13: memref<40x128xf32, #tpu.memory_space<vmem>>, %arg14: memref<40x16xf32, #tpu.memory_space<vmem>>, %arg15: memref<40x16xf32, #tpu.memory_space<vmem>>, %arg16: memref<!tpu.dma_semaphore, #tpu.memory_space<semaphore_mem>>, %arg17: memref<!tpu.dma_semaphore, #tpu.memory_space<semaphore_mem>>) attributes {dimension_semantics = [#tpu.dimension_semantics<core_parallel>, #tpu.dimension_semantics<subcore_parallel>], iteration_bounds = array<i64: 2, 16>, scalar_prefetch = 0 : i64, scratch_operands = 11 : i64, tpu.core_type = #tpu.core_type<sc_vector_subcore>, window_params = [{transform_indices = #map}, {transform_indices = #map}, {transform_indices = #map1}, {transform_indices = #map1}, {transform_indices = #map1}]} {
    %mul3A = arith.constant 16 : i32
    %mul3A_0 = arith.muli %arg0, %mul3A : i32
    %add3A = arith.addi %mul3A_0, %arg1 : i32
    %dma_start3A = arith.constant 0 : i32
    %dma_start3A_1 = arith.constant 0 : i32
    %dma_start3A_2 = tpu.memref_slice %arg4[%add3A, %dma_start3A, %dma_start3A_1] : memref<32x125x40xi32, #tpu.memory_space<hbm>> -> memref<1x125x40xi32, #tpu.memory_space<hbm>>
    %dma_start3A_3 = tpu.memref_squeeze %dma_start3A_2 : memref<1x125x40xi32, #tpu.memory_space<hbm>> -> memref<125x40xi32, #tpu.memory_space<hbm>>
    %dma_start3A_4 = arith.constant 0 : i32
    %dma_start3A_5 = arith.constant 0 : i32
    %dma_start3A_6 = tpu.memref_slice %arg4[%add3A, %dma_start3A_4, %dma_start3A_5] : memref<32x125x40xi32, #tpu.memory_space<hbm>> -> memref<1x125x40xi32, #tpu.memory_space<hbm>>
    %dma_start3A_7 = tpu.memref_squeeze %dma_start3A_6 : memref<1x125x40xi32, #tpu.memory_space<hbm>> -> memref<125x40xi32, #tpu.memory_space<hbm>>
    tpu.enqueue_dma source(%dma_start3A_7 : memref<125x40xi32, #tpu.memory_space<hbm>>) target(%arg11 : memref<125x40xi32, #tpu.memory_space<vmem>>) target_semaphore(%arg16 : memref<!tpu.dma_semaphore, #tpu.memory_space<semaphore_mem>>)
    %dma_wait3A = arith.constant 0 : i32
    %dma_wait3A_8 = arith.constant 0 : i32
    %dma_wait3A_9 = tpu.memref_slice %arg4[%add3A, %dma_wait3A, %dma_wait3A_8] : memref<32x125x40xi32, #tpu.memory_space<hbm>> -> memref<1x125x40xi32, #tpu.memory_space<hbm>>
    %dma_wait3A_10 = tpu.memref_squeeze %dma_wait3A_9 : memref<1x125x40xi32, #tpu.memory_space<hbm>> -> memref<125x40xi32, #tpu.memory_space<hbm>>
    %dma_wait3A_11 = arith.constant 0 : i32
    %dma_wait3A_12 = arith.constant 0 : i32
    %dma_wait3A_13 = tpu.memref_slice %arg4[%add3A, %dma_wait3A_11, %dma_wait3A_12] : memref<32x125x40xi32, #tpu.memory_space<hbm>> -> memref<1x125x40xi32, #tpu.memory_space<hbm>>
    %dma_wait3A_14 = tpu.memref_squeeze %dma_wait3A_13 : memref<1x125x40xi32, #tpu.memory_space<hbm>> -> memref<125x40xi32, #tpu.memory_space<hbm>>
    tpu.wait_dma2 semaphore(%arg16 : memref<!tpu.dma_semaphore, #tpu.memory_space<semaphore_mem>>) src(%dma_wait3A_14 : memref<125x40xi32, #tpu.memory_space<hbm>>) dst(%arg11 : memref<125x40xi32, #tpu.memory_space<vmem>>)
    %scan3A = arith.constant 0 : i32
    %scan3A_15 = arith.constant 125 : i32
    %scan3A_16 = arith.addi %scan3A, %scan3A_15 : i32
    %scan3A_17 = arith.constant 1 : i32
    scf.for %scan3A_70 = %scan3A to %scan3A_16 step %scan3A_17  : i32 {
      %mul3A_71 = arith.constant 1 : i32
      %mul3A_72 = arith.muli %scan3A_70, %mul3A_71 : i32
      %add3A_73 = arith.constant 0 : i32
      %add3A_74 = arith.addi %add3A_73, %mul3A_72 : i32
      %scan3A_75 = arith.constant 0 : i32
      %scan3A_76 = arith.constant 8 : i32
      %scan3A_77 = arith.addi %scan3A_75, %scan3A_76 : i32
      %scan3A_78 = arith.constant 1 : i32
      scf.for %scan3A_85 = %scan3A_75 to %scan3A_77 step %scan3A_78  : i32 {
        %mul3A_86 = arith.constant 1 : i32
        %mul3A_87 = arith.muli %scan3A_85, %mul3A_86 : i32
        %add3A_88 = arith.constant 0 : i32
        %add3A_89 = arith.addi %add3A_88, %mul3A_87 : i32
        %broadcast_in_dim3A_90 = arith.constant 0.000000e+00 : f32
        %broadcast_in_dim3A_91 = vector.broadcast %broadcast_in_dim3A_90 : f32 to vector<16xf32>
        %mul3A_92 = arith.constant 16 : i32
        %mul3A_93 = arith.muli %add3A_89, %mul3A_92 : i32
        %swap3A_94 = arith.index_cast %add3A_74 : i32 to index
        %swap3A_95 = arith.index_cast %mul3A_93 : i32 to index
        %swap3A_96 = tpu.vector_load %arg9[%swap3A_94, %swap3A_95] {strides = array<i32>} : memref<125x128xf32, #tpu.memory_space<vmem>>, vector<1x16xf32>,
        %swap3A_97 = vector.shape_cast %swap3A_96 : vector<1x16xf32> to vector<16xf32>
        %swap3A_98 = vector.shape_cast %broadcast_in_dim3A_91 : vector<16xf32> to vector<1x16xf32>
        tpu.vector_store %arg9[%swap3A_94, %swap3A_95], %swap3A_98 {strides = array<i32>} : memref<125x128xf32, #tpu.memory_space<vmem>>, vector<1x16xf32>,
      }
      %scan3A_79 = arith.constant 8 : i32
      %broadcast_in_dim3A = arith.constant 0.000000e+00 : f32
      %broadcast_in_dim3A_80 = vector.broadcast %broadcast_in_dim3A : f32 to vector<16xf32>
      %swap3A = arith.index_cast %add3A_74 : i32 to index
      %swap3A_81 = arith.constant 0 : index
      %swap3A_82 = tpu.vector_load %arg10[%swap3A, %swap3A_81] {strides = array<i32>} : memref<125x16xf32, #tpu.memory_space<vmem>>, vector<1x16xf32>,
      %swap3A_83 = vector.shape_cast %swap3A_82 : vector<1x16xf32> to vector<16xf32>
      %swap3A_84 = vector.shape_cast %broadcast_in_dim3A_80 : vector<16xf32> to vector<1x16xf32>
      tpu.vector_store %arg10[%swap3A, %swap3A_81], %swap3A_84 {strides = array<i32>} : memref<125x16xf32, #tpu.memory_space<vmem>>, vector<1x16xf32>,
    }
    %scan3A_18 = arith.constant 125 : i32
    %scan3A_19 = arith.constant 0 : i32
    %scan3A_20 = arith.constant 5 : i32
    %scan3A_21 = arith.addi %scan3A_19, %scan3A_20 : i32
    %scan3A_22 = arith.constant 1 : i32
    scf.for %scan3A_70 = %scan3A_19 to %scan3A_21 step %scan3A_22  : i32 {
      %mul3A_71 = arith.constant 1 : i32
      %mul3A_72 = arith.muli %scan3A_70, %mul3A_71 : i32
      %add3A_73 = arith.constant 0 : i32
      %add3A_74 = arith.addi %add3A_73, %mul3A_72 : i32
      %mul3A_75 = arith.constant 625 : i32
      %mul3A_76 = arith.muli %arg1, %mul3A_75 : i32
      %mul3A_77 = arith.constant 125 : i32
      %mul3A_78 = arith.muli %add3A_74, %mul3A_77 : i32
      %add3A_79 = arith.addi %mul3A_76, %mul3A_78 : i32
      "tpu.region"() ({
        %run_scoped3A_80 = tpu.sem_alloc : memref<!tpu.dma_semaphore, #tpu.memory_space<semaphore_mem>>
        %dma_start3A_81 = arith.constant 0 : i32
        %dma_start3A_82 = tpu.memref_slice %arg7[%add3A_79, %dma_start3A_81] : memref<10000x128xf32, #tpu.memory_space<vmem_shared>> -> memref<125x128xf32, #tpu.memory_space<vmem_shared>>
        %dma_start3A_83 = arith.constant 0 : i32
        %dma_start3A_84 = tpu.memref_slice %arg7[%add3A_79, %dma_start3A_83] : memref<10000x128xf32, #tpu.memory_space<vmem_shared>> -> memref<125x128xf32, #tpu.memory_space<vmem_shared>>
        tpu.enqueue_dma source(%arg9 : memref<125x128xf32, #tpu.memory_space<vmem>>) target(%dma_start3A_84 : memref<125x128xf32, #tpu.memory_space<vmem_shared>>) target_semaphore(%run_scoped3A_80 : memref<!tpu.dma_semaphore, #tpu.memory_space<semaphore_mem>>)
        %dma_wait3A_85 = arith.constant 0 : i32
        %dma_wait3A_86 = tpu.memref_slice %arg7[%add3A_79, %dma_wait3A_85] : memref<10000x128xf32, #tpu.memory_space<vmem_shared>> -> memref<125x128xf32, #tpu.memory_space<vmem_shared>>
        %dma_wait3A_87 = arith.constant 0 : i32
        %dma_wait3A_88 = tpu.memref_slice %arg7[%add3A_79, %dma_wait3A_87] : memref<10000x128xf32, #tpu.memory_space<vmem_shared>> -> memref<125x128xf32, #tpu.memory_space<vmem_shared>>
        tpu.wait_dma2 semaphore(%run_scoped3A_80 : memref<!tpu.dma_semaphore, #tpu.memory_space<semaphore_mem>>) src(%arg9 : memref<125x128xf32, #tpu.memory_space<vmem>>) dst(%dma_wait3A_88 : memref<125x128xf32, #tpu.memory_space<vmem_shared>>)
        tpu.yield
      }) : () -> ()
      "tpu.region"() ({
        %run_scoped3A_80 = tpu.sem_alloc : memref<!tpu.dma_semaphore, #tpu.memory_space<semaphore_mem>>
        %dma_start3A_81 = arith.constant 0 : i32
        %dma_start3A_82 = tpu.memref_slice %arg8[%add3A_79, %dma_start3A_81] : memref<10000x16xf32, #tpu.memory_space<vmem_shared>> -> memref<125x16xf32, #tpu.memory_space<vmem_shared>>
        %dma_start3A_83 = arith.constant 0 : i32
        %dma_start3A_84 = tpu.memref_slice %arg8[%add3A_79, %dma_start3A_83] : memref<10000x16xf32, #tpu.memory_space<vmem_shared>> -> memref<125x16xf32, #tpu.memory_space<vmem_shared>>
        tpu.enqueue_dma source(%arg10 : memref<125x16xf32, #tpu.memory_space<vmem>>) target(%dma_start3A_84 : memref<125x16xf32, #tpu.memory_space<vmem_shared>>) target_semaphore(%run_scoped3A_80 : memref<!tpu.dma_semaphore, #tpu.memory_space<semaphore_mem>>)
        %dma_wait3A_85 = arith.constant 0 : i32
        %dma_wait3A_86 = tpu.memref_slice %arg8[%add3A_79, %dma_wait3A_85] : memref<10000x16xf32, #tpu.memory_space<vmem_shared>> -> memref<125x16xf32, #tpu.memory_space<vmem_shared>>
        %dma_wait3A_87 = arith.constant 0 : i32
        %dma_wait3A_88 = tpu.memref_slice %arg8[%add3A_79, %dma_wait3A_87] : memref<10000x16xf32, #tpu.memory_space<vmem_shared>> -> memref<125x16xf32, #tpu.memory_space<vmem_shared>>
        tpu.wait_dma2 semaphore(%run_scoped3A_80 : memref<!tpu.dma_semaphore, #tpu.memory_space<semaphore_mem>>) src(%arg10 : memref<125x16xf32, #tpu.memory_space<vmem>>) dst(%dma_wait3A_88 : memref<125x16xf32, #tpu.memory_space<vmem_shared>>)
        tpu.yield
      }) : () -> ()
    }
    %scan3A_23 = arith.constant 5 : i32
    %barrier3A = arith.constant 0 : index
    tpu.barrier barrier_id(%barrier3A)
    %mul3A_24 = arith.constant 5000 : i32
    %mul3A_25 = arith.muli %add3A, %mul3A_24 : i32
    %add3A_26 = arith.constant 0 : i32
    %add3A_27 = arith.addi %mul3A_25, %add3A_26 : i32
    %dma_start3A_28 = arith.constant 0 : i32
    %dma_start3A_29 = tpu.memref_slice %arg2[%add3A_27, %dma_start3A_28] : memref<160000x128xf32, #tpu.memory_space<hbm>> -> memref<40x128xf32, #tpu.memory_space<hbm>>
    %dma_start3A_30 = arith.constant 0 : i32
    %dma_start3A_31 = tpu.memref_slice %arg2[%add3A_27, %dma_start3A_30] : memref<160000x128xf32, #tpu.memory_space<hbm>> -> memref<40x128xf32, #tpu.memory_space<hbm>>
    tpu.enqueue_dma source(%dma_start3A_31 : memref<40x128xf32, #tpu.memory_space<hbm>>) target(%arg12 : memref<40x128xf32, #tpu.memory_space<vmem>>) target_semaphore(%arg16 : memref<!tpu.dma_semaphore, #tpu.memory_space<semaphore_mem>>)
    %dma_start3A_32 = arith.constant 0 : i32
    %dma_start3A_33 = tpu.memref_slice %arg3[%add3A_27, %dma_start3A_32] : memref<160000x16xf32, #tpu.memory_space<hbm>> -> memref<40x16xf32, #tpu.memory_space<hbm>>
    %dma_start3A_34 = arith.constant 0 : i32
    %dma_start3A_35 = tpu.memref_slice %arg3[%add3A_27, %dma_start3A_34] : memref<160000x16xf32, #tpu.memory_space<hbm>> -> memref<40x16xf32, #tpu.memory_space<hbm>>
    tpu.enqueue_dma source(%dma_start3A_35 : memref<40x16xf32, #tpu.memory_space<hbm>>) target(%arg14 : memref<40x16xf32, #tpu.memory_space<vmem>>) target_semaphore(%arg16 : memref<!tpu.dma_semaphore, #tpu.memory_space<semaphore_mem>>)
    %add3A_36 = arith.constant 40 : i32
    %add3A_37 = arith.addi %mul3A_25, %add3A_36 : i32
    %dma_start3A_38 = arith.constant 0 : i32
    %dma_start3A_39 = tpu.memref_slice %arg2[%add3A_37, %dma_start3A_38] : memref<160000x128xf32, #tpu.memory_space<hbm>> -> memref<40x128xf32, #tpu.memory_space<hbm>>
    %dma_start3A_40 = arith.constant 0 : i32
    %dma_start3A_41 = tpu.memref_slice %arg2[%add3A_37, %dma_start3A_40] : memref<160000x128xf32, #tpu.memory_space<hbm>> -> memref<40x128xf32, #tpu.memory_space<hbm>>
    tpu.enqueue_dma source(%dma_start3A_41 : memref<40x128xf32, #tpu.memory_space<hbm>>) target(%arg13 : memref<40x128xf32, #tpu.memory_space<vmem>>) target_semaphore(%arg17 : memref<!tpu.dma_semaphore, #tpu.memory_space<semaphore_mem>>)
    %dma_start3A_42 = arith.constant 0 : i32
    %dma_start3A_43 = tpu.memref_slice %arg3[%add3A_37, %dma_start3A_42] : memref<160000x16xf32, #tpu.memory_space<hbm>> -> memref<40x16xf32, #tpu.memory_space<hbm>>
    %dma_start3A_44 = arith.constant 0 : i32
    %dma_start3A_45 = tpu.memref_slice %arg3[%add3A_37, %dma_start3A_44] : memref<160000x16xf32, #tpu.memory_space<hbm>> -> memref<40x16xf32, #tpu.memory_space<hbm>>
    tpu.enqueue_dma source(%dma_start3A_45 : memref<40x16xf32, #tpu.memory_space<hbm>>) target(%arg15 : memref<40x16xf32, #tpu.memory_space<vmem>>) target_semaphore(%arg17 : memref<!tpu.dma_semaphore, #tpu.memory_space<semaphore_mem>>)
    %scan3A_46 = arith.constant 0 : i32
    %scan3A_47 = arith.constant 62 : i32
    %scan3A_48 = arith.addi %scan3A_46, %scan3A_47 : i32
    %scan3A_49 = arith.constant 1 : i32
    scf.for %scan3A_70 = %scan3A_46 to %scan3A_48 step %scan3A_49  : i32 {
      %mul3A_71 = arith.constant 1 : i32
      %mul3A_72 = arith.muli %scan3A_70, %mul3A_71 : i32
      %add3A_73 = arith.constant 0 : i32
      %add3A_74 = arith.addi %add3A_73, %mul3A_72 : i32
      %mul3A_75 = arith.constant 2 : i32
      %mul3A_76 = arith.muli %add3A_74, %mul3A_75 : i32
      %dma_wait3A_77 = arith.constant 0 : i32
      %dma_wait3A_78 = arith.constant 0 : i32
      %dma_wait3A_79 = tpu.memref_slice %arg2[%dma_wait3A_77, %dma_wait3A_78] : memref<160000x128xf32, #tpu.memory_space<hbm>> -> memref<40x128xf32, #tpu.memory_space<hbm>>
      %dma_wait3A_80 = arith.constant 0 : i32
      %dma_wait3A_81 = arith.constant 0 : i32
      %dma_wait3A_82 = tpu.memref_slice %arg2[%dma_wait3A_80, %dma_wait3A_81] : memref<160000x128xf32, #tpu.memory_space<hbm>> -> memref<40x128xf32, #tpu.memory_space<hbm>>
      tpu.wait_dma2 semaphore(%arg16 : memref<!tpu.dma_semaphore, #tpu.memory_space<semaphore_mem>>) src(%dma_wait3A_82 : memref<40x128xf32, #tpu.memory_space<hbm>>) dst(%arg12 : memref<40x128xf32, #tpu.memory_space<vmem>>)
      %dma_wait3A_83 = arith.constant 0 : i32
      %dma_wait3A_84 = arith.constant 0 : i32
      %dma_wait3A_85 = tpu.memref_slice %arg3[%dma_wait3A_83, %dma_wait3A_84] : memref<160000x16xf32, #tpu.memory_space<hbm>> -> memref<40x16xf32, #tpu.memory_space<hbm>>
      %dma_wait3A_86 = arith.constant 0 : i32
      %dma_wait3A_87 = arith.constant 0 : i32
      %dma_wait3A_88 = tpu.memref_slice %arg3[%dma_wait3A_86, %dma_wait3A_87] : memref<160000x16xf32, #tpu.memory_space<hbm>> -> memref<40x16xf32, #tpu.memory_space<hbm>>
      tpu.wait_dma2 semaphore(%arg16 : memref<!tpu.dma_semaphore, #tpu.memory_space<semaphore_mem>>) src(%dma_wait3A_88 : memref<40x16xf32, #tpu.memory_space<hbm>>) dst(%arg14 : memref<40x16xf32, #tpu.memory_space<vmem>>)
      "tpu.region"() ({
        %run_scoped3A_120 = tpu.sem_alloc : memref<!tpu.dma_semaphore, #tpu.memory_space<semaphore_mem>>
        %dma_start3A_121 = arith.constant 0 : i32
        %dma_start3A_122 = tpu.memref_slice %arg11[%mul3A_76, %dma_start3A_121] : memref<125x40xi32, #tpu.memory_space<vmem>> -> memref<1x40xi32, #tpu.memory_space<vmem>>
        %dma_start3A_123 = tpu.memref_squeeze %dma_start3A_122 : memref<1x40xi32, #tpu.memory_space<vmem>> -> memref<40xi32, #tpu.memory_space<vmem>>
        %dma_start3A_124 = arith.constant 0 : i32
        %dma_start3A_125 = arith.constant 0 : i32
        %dma_start3A_126 = tpu.memref_slice %arg7[%dma_start3A_124, %dma_start3A_125] : memref<10000x128xf32, #tpu.memory_space<vmem_shared>> -> memref<10000x128xf32, #tpu.memory_space<vmem_shared>>
        tpu.enqueue_indirect_dma source(%arg12 : memref<40x128xf32, #tpu.memory_space<vmem>>) target(%dma_start3A_126 : memref<10000x128xf32, #tpu.memory_space<vmem_shared>>) offsets(%dma_start3A_123 : memref<40xi32, #tpu.memory_space<vmem>>) semaphore(%run_scoped3A_120 : memref<!tpu.dma_semaphore, #tpu.memory_space<semaphore_mem>>) {add = true}
        %dma_wait3A_127 = arith.constant 0 : i32
        %dma_wait3A_128 = tpu.memref_slice %arg11[%mul3A_76, %dma_wait3A_127] : memref<125x40xi32, #tpu.memory_space<vmem>> -> memref<1x40xi32, #tpu.memory_space<vmem>>
        %dma_wait3A_129 = tpu.memref_squeeze %dma_wait3A_128 : memref<1x40xi32, #tpu.memory_space<vmem>> -> memref<40xi32, #tpu.memory_space<vmem>>
        %dma_wait3A_130 = arith.constant 0 : i32
        %dma_wait3A_131 = arith.constant 0 : i32
        %dma_wait3A_132 = tpu.memref_slice %arg7[%dma_wait3A_130, %dma_wait3A_131] : memref<10000x128xf32, #tpu.memory_space<vmem_shared>> -> memref<10000x128xf32, #tpu.memory_space<vmem_shared>>
        tpu.wait_indirect_dma semaphore(%run_scoped3A_120 : memref<!tpu.dma_semaphore, #tpu.memory_space<semaphore_mem>>) src(%arg12 : memref<40x128xf32, #tpu.memory_space<vmem>>) dst(%dma_wait3A_132 : memref<10000x128xf32, #tpu.memory_space<vmem_shared>>)
        tpu.yield
      }) : () -> ()
      "tpu.region"() ({
        %run_scoped3A_120 = tpu.sem_alloc : memref<!tpu.dma_semaphore, #tpu.memory_space<semaphore_mem>>
        %dma_start3A_121 = arith.constant 0 : i32
        %dma_start3A_122 = tpu.memref_slice %arg11[%mul3A_76, %dma_start3A_121] : memref<125x40xi32, #tpu.memory_space<vmem>> -> memref<1x40xi32, #tpu.memory_space<vmem>>
        %dma_start3A_123 = tpu.memref_squeeze %dma_start3A_122 : memref<1x40xi32, #tpu.memory_space<vmem>> -> memref<40xi32, #tpu.memory_space<vmem>>
        %dma_start3A_124 = arith.constant 0 : i32
        %dma_start3A_125 = arith.constant 0 : i32
        %dma_start3A_126 = tpu.memref_slice %arg8[%dma_start3A_124, %dma_start3A_125] : memref<10000x16xf32, #tpu.memory_space<vmem_shared>> -> memref<10000x16xf32, #tpu.memory_space<vmem_shared>>
        tpu.enqueue_indirect_dma source(%arg14 : memref<40x16xf32, #tpu.memory_space<vmem>>) target(%dma_start3A_126 : memref<10000x16xf32, #tpu.memory_space<vmem_shared>>) offsets(%dma_start3A_123 : memref<40xi32, #tpu.memory_space<vmem>>) semaphore(%run_scoped3A_120 : memref<!tpu.dma_semaphore, #tpu.memory_space<semaphore_mem>>) {add = true}
        %dma_wait3A_127 = arith.constant 0 : i32
        %dma_wait3A_128 = tpu.memref_slice %arg11[%mul3A_76, %dma_wait3A_127] : memref<125x40xi32, #tpu.memory_space<vmem>> -> memref<1x40xi32, #tpu.memory_space<vmem>>
        %dma_wait3A_129 = tpu.memref_squeeze %dma_wait3A_128 : memref<1x40xi32, #tpu.memory_space<vmem>> -> memref<40xi32, #tpu.memory_space<vmem>>
        %dma_wait3A_130 = arith.constant 0 : i32
        %dma_wait3A_131 = arith.constant 0 : i32
        %dma_wait3A_132 = tpu.memref_slice %arg8[%dma_wait3A_130, %dma_wait3A_131] : memref<10000x16xf32, #tpu.memory_space<vmem_shared>> -> memref<10000x16xf32, #tpu.memory_space<vmem_shared>>
        tpu.wait_indirect_dma semaphore(%run_scoped3A_120 : memref<!tpu.dma_semaphore, #tpu.memory_space<semaphore_mem>>) src(%arg14 : memref<40x16xf32, #tpu.memory_space<vmem>>) dst(%dma_wait3A_132 : memref<10000x16xf32, #tpu.memory_space<vmem_shared>>)
        tpu.yield
      }) : () -> ()
      %add3A_89 = arith.constant 2 : i32
      %add3A_90 = arith.addi %mul3A_76, %add3A_89 : i32
      %mul3A_91 = arith.constant 40 : i32
      %mul3A_92 = arith.muli %add3A_90, %mul3A_91 : i32
      %add3A_93 = arith.addi %mul3A_25, %mul3A_92 : i32
      %dma_start3A_94 = arith.constant 0 : i32
      %dma_start3A_95 = tpu.memref_slice %arg2[%add3A_93, %dma_start3A_94] : memref<160000x128xf32, #tpu.memory_space<hbm>> -> memref<40x128xf32, #tpu.memory_space<hbm>>
      %dma_start3A_96 = arith.constant 0 : i32
      %dma_start3A_97 = tpu.memref_slice %arg2[%add3A_93, %dma_start3A_96] : memref<160000x128xf32, #tpu.memory_space<hbm>> -> memref<40x128xf32, #tpu.memory_space<hbm>>
      tpu.enqueue_dma source(%dma_start3A_97 : memref<40x128xf32, #tpu.memory_space<hbm>>) target(%arg12 : memref<40x128xf32, #tpu.memory_space<vmem>>) target_semaphore(%arg16 : memref<!tpu.dma_semaphore, #tpu.memory_space<semaphore_mem>>)
      %dma_start3A_98 = arith.constant 0 : i32
      %dma_start3A_99 = tpu.memref_slice %arg3[%add3A_93, %dma_start3A_98] : memref<160000x16xf32, #tpu.memory_space<hbm>> -> memref<40x16xf32, #tpu.memory_space<hbm>>
      %dma_start3A_100 = arith.constant 0 : i32
      %dma_start3A_101 = tpu.memref_slice %arg3[%add3A_93, %dma_start3A_100] : memref<160000x16xf32, #tpu.memory_space<hbm>> -> memref<40x16xf32, #tpu.memory_space<hbm>>
      tpu.enqueue_dma source(%dma_start3A_101 : memref<40x16xf32, #tpu.memory_space<hbm>>) target(%arg14 : memref<40x16xf32, #tpu.memory_space<vmem>>) target_semaphore(%arg16 : memref<!tpu.dma_semaphore, #tpu.memory_space<semaphore_mem>>)
      %dma_wait3A_102 = arith.constant 0 : i32
      %dma_wait3A_103 = arith.constant 0 : i32
      %dma_wait3A_104 = tpu.memref_slice %arg2[%dma_wait3A_102, %dma_wait3A_103] : memref<160000x128xf32, #tpu.memory_space<hbm>> -> memref<40x128xf32, #tpu.memory_space<hbm>>
      %dma_wait3A_105 = arith.constant 0 : i32
      %dma_wait3A_106 = arith.constant 0 : i32
      %dma_wait3A_107 = tpu.memref_slice %arg2[%dma_wait3A_105, %dma_wait3A_106] : memref<160000x128xf32, #tpu.memory_space<hbm>> -> memref<40x128xf32, #tpu.memory_space<hbm>>
      tpu.wait_dma2 semaphore(%arg17 : memref<!tpu.dma_semaphore, #tpu.memory_space<semaphore_mem>>) src(%dma_wait3A_107 : memref<40x128xf32, #tpu.memory_space<hbm>>) dst(%arg13 : memref<40x128xf32, #tpu.memory_space<vmem>>)
      %dma_wait3A_108 = arith.constant 0 : i32
      %dma_wait3A_109 = arith.constant 0 : i32
      %dma_wait3A_110 = tpu.memref_slice %arg3[%dma_wait3A_108, %dma_wait3A_109] : memref<160000x16xf32, #tpu.memory_space<hbm>> -> memref<40x16xf32, #tpu.memory_space<hbm>>
      %dma_wait3A_111 = arith.constant 0 : i32
      %dma_wait3A_112 = arith.constant 0 : i32
      %dma_wait3A_113 = tpu.memref_slice %arg3[%dma_wait3A_111, %dma_wait3A_112] : memref<160000x16xf32, #tpu.memory_space<hbm>> -> memref<40x16xf32, #tpu.memory_space<hbm>>
      tpu.wait_dma2 semaphore(%arg17 : memref<!tpu.dma_semaphore, #tpu.memory_space<semaphore_mem>>) src(%dma_wait3A_113 : memref<40x16xf32, #tpu.memory_space<hbm>>) dst(%arg15 : memref<40x16xf32, #tpu.memory_space<vmem>>)
      %add3A_114 = arith.constant 1 : i32
      %add3A_115 = arith.addi %mul3A_76, %add3A_114 : i32
      "tpu.region"() ({
        %run_scoped3A_120 = tpu.sem_alloc : memref<!tpu.dma_semaphore, #tpu.memory_space<semaphore_mem>>
        %dma_start3A_121 = arith.constant 0 : i32
        %dma_start3A_122 = tpu.memref_slice %arg11[%add3A_115, %dma_start3A_121] : memref<125x40xi32, #tpu.memory_space<vmem>> -> memref<1x40xi32, #tpu.memory_space<vmem>>
        %dma_start3A_123 = tpu.memref_squeeze %dma_start3A_122 : memref<1x40xi32, #tpu.memory_space<vmem>> -> memref<40xi32, #tpu.memory_space<vmem>>
        %dma_start3A_124 = arith.constant 0 : i32
        %dma_start3A_125 = arith.constant 0 : i32
        %dma_start3A_126 = tpu.memref_slice %arg7[%dma_start3A_124, %dma_start3A_125] : memref<10000x128xf32, #tpu.memory_space<vmem_shared>> -> memref<10000x128xf32, #tpu.memory_space<vmem_shared>>
        tpu.enqueue_indirect_dma source(%arg13 : memref<40x128xf32, #tpu.memory_space<vmem>>) target(%dma_start3A_126 : memref<10000x128xf32, #tpu.memory_space<vmem_shared>>) offsets(%dma_start3A_123 : memref<40xi32, #tpu.memory_space<vmem>>) semaphore(%run_scoped3A_120 : memref<!tpu.dma_semaphore, #tpu.memory_space<semaphore_mem>>) {add = true}
        %dma_wait3A_127 = arith.constant 0 : i32
        %dma_wait3A_128 = tpu.memref_slice %arg11[%add3A_115, %dma_wait3A_127] : memref<125x40xi32, #tpu.memory_space<vmem>> -> memref<1x40xi32, #tpu.memory_space<vmem>>
        %dma_wait3A_129 = tpu.memref_squeeze %dma_wait3A_128 : memref<1x40xi32, #tpu.memory_space<vmem>> -> memref<40xi32, #tpu.memory_space<vmem>>
        %dma_wait3A_130 = arith.constant 0 : i32
        %dma_wait3A_131 = arith.constant 0 : i32
        %dma_wait3A_132 = tpu.memref_slice %arg7[%dma_wait3A_130, %dma_wait3A_131] : memref<10000x128xf32, #tpu.memory_space<vmem_shared>> -> memref<10000x128xf32, #tpu.memory_space<vmem_shared>>
        tpu.wait_indirect_dma semaphore(%run_scoped3A_120 : memref<!tpu.dma_semaphore, #tpu.memory_space<semaphore_mem>>) src(%arg13 : memref<40x128xf32, #tpu.memory_space<vmem>>) dst(%dma_wait3A_132 : memref<10000x128xf32, #tpu.memory_space<vmem_shared>>)
        tpu.yield
      }) : () -> ()
      "tpu.region"() ({
        %run_scoped3A_120 = tpu.sem_alloc : memref<!tpu.dma_semaphore, #tpu.memory_space<semaphore_mem>>
        %dma_start3A_121 = arith.constant 0 : i32
        %dma_start3A_122 = tpu.memref_slice %arg11[%add3A_115, %dma_start3A_121] : memref<125x40xi32, #tpu.memory_space<vmem>> -> memref<1x40xi32, #tpu.memory_space<vmem>>
        %dma_start3A_123 = tpu.memref_squeeze %dma_start3A_122 : memref<1x40xi32, #tpu.memory_space<vmem>> -> memref<40xi32, #tpu.memory_space<vmem>>
        %dma_start3A_124 = arith.constant 0 : i32
        %dma_start3A_125 = arith.constant 0 : i32
        %dma_start3A_126 = tpu.memref_slice %arg8[%dma_start3A_124, %dma_start3A_125] : memref<10000x16xf32, #tpu.memory_space<vmem_shared>> -> memref<10000x16xf32, #tpu.memory_space<vmem_shared>>
        tpu.enqueue_indirect_dma source(%arg15 : memref<40x16xf32, #tpu.memory_space<vmem>>) target(%dma_start3A_126 : memref<10000x16xf32, #tpu.memory_space<vmem_shared>>) offsets(%dma_start3A_123 : memref<40xi32, #tpu.memory_space<vmem>>) semaphore(%run_scoped3A_120 : memref<!tpu.dma_semaphore, #tpu.memory_space<semaphore_mem>>) {add = true}
        %dma_wait3A_127 = arith.constant 0 : i32
        %dma_wait3A_128 = tpu.memref_slice %arg11[%add3A_115, %dma_wait3A_127] : memref<125x40xi32, #tpu.memory_space<vmem>> -> memref<1x40xi32, #tpu.memory_space<vmem>>
        %dma_wait3A_129 = tpu.memref_squeeze %dma_wait3A_128 : memref<1x40xi32, #tpu.memory_space<vmem>> -> memref<40xi32, #tpu.memory_space<vmem>>
        %dma_wait3A_130 = arith.constant 0 : i32
        %dma_wait3A_131 = arith.constant 0 : i32
        %dma_wait3A_132 = tpu.memref_slice %arg8[%dma_wait3A_130, %dma_wait3A_131] : memref<10000x16xf32, #tpu.memory_space<vmem_shared>> -> memref<10000x16xf32, #tpu.memory_space<vmem_shared>>
        tpu.wait_indirect_dma semaphore(%run_scoped3A_120 : memref<!tpu.dma_semaphore, #tpu.memory_space<semaphore_mem>>) src(%arg15 : memref<40x16xf32, #tpu.memory_space<vmem>>) dst(%dma_wait3A_132 : memref<10000x16xf32, #tpu.memory_space<vmem_shared>>)
        tpu.yield
      }) : () -> ()
      %add3A_116 = arith.constant 3 : i32
      %add3A_117 = arith.addi %mul3A_76, %add3A_116 : i32
      %lt3A = arith.constant 125 : i32
      %lt3A_118 = arith.cmpi slt, %add3A_117, %lt3A : i32
      %convert_element_type3A = arith.extui %lt3A_118 : i1 to i32
      %cond3A = arith.constant 0 : i32
      %cond3A_119 = arith.cmpi ne, %convert_element_type3A, %cond3A : i32
      scf.if %cond3A_119 {
        %add3A_120 = arith.constant 3 : i32
        %add3A_121 = arith.addi %mul3A_76, %add3A_120 : i32
        %mul3A_122 = arith.constant 40 : i32
        %mul3A_123 = arith.muli %add3A_121, %mul3A_122 : i32
        %add3A_124 = arith.addi %mul3A_25, %mul3A_123 : i32
        %dma_start3A_125 = arith.constant 0 : i32
        %dma_start3A_126 = tpu.memref_slice %arg2[%add3A_124, %dma_start3A_125] : memref<160000x128xf32, #tpu.memory_space<hbm>> -> memref<40x128xf32, #tpu.memory_space<hbm>>
        %dma_start3A_127 = arith.constant 0 : i32
        %dma_start3A_128 = tpu.memref_slice %arg2[%add3A_124, %dma_start3A_127] : memref<160000x128xf32, #tpu.memory_space<hbm>> -> memref<40x128xf32, #tpu.memory_space<hbm>>
        tpu.enqueue_dma source(%dma_start3A_128 : memref<40x128xf32, #tpu.memory_space<hbm>>) target(%arg13 : memref<40x128xf32, #tpu.memory_space<vmem>>) target_semaphore(%arg17 : memref<!tpu.dma_semaphore, #tpu.memory_space<semaphore_mem>>)
        %dma_start3A_129 = arith.constant 0 : i32
        %dma_start3A_130 = tpu.memref_slice %arg3[%add3A_124, %dma_start3A_129] : memref<160000x16xf32, #tpu.memory_space<hbm>> -> memref<40x16xf32, #tpu.memory_space<hbm>>
        %dma_start3A_131 = arith.constant 0 : i32
        %dma_start3A_132 = tpu.memref_slice %arg3[%add3A_124, %dma_start3A_131] : memref<160000x16xf32, #tpu.memory_space<hbm>> -> memref<40x16xf32, #tpu.memory_space<hbm>>
        tpu.enqueue_dma source(%dma_start3A_132 : memref<40x16xf32, #tpu.memory_space<hbm>>) target(%arg15 : memref<40x16xf32, #tpu.memory_space<vmem>>) target_semaphore(%arg17 : memref<!tpu.dma_semaphore, #tpu.memory_space<semaphore_mem>>)
      } else {
      }
    }
    %scan3A_50 = arith.constant 62 : i32
    %dma_wait3A_51 = arith.constant 0 : i32
    %dma_wait3A_52 = arith.constant 0 : i32
    %dma_wait3A_53 = tpu.memref_slice %arg2[%dma_wait3A_51, %dma_wait3A_52] : memref<160000x128xf32, #tpu.memory_space<hbm>> -> memref<40x128xf32, #tpu.memory_space<hbm>>
    %dma_wait3A_54 = arith.constant 0 : i32
    %dma_wait3A_55 = arith.constant 0 : i32
    %dma_wait3A_56 = tpu.memref_slice %arg2[%dma_wait3A_54, %dma_wait3A_55] : memref<160000x128xf32, #tpu.memory_space<hbm>> -> memref<40x128xf32, #tpu.memory_space<hbm>>
    tpu.wait_dma2 semaphore(%arg16 : memref<!tpu.dma_semaphore, #tpu.memory_space<semaphore_mem>>) src(%dma_wait3A_56 : memref<40x128xf32, #tpu.memory_space<hbm>>) dst(%arg12 : memref<40x128xf32, #tpu.memory_space<vmem>>)
    %dma_wait3A_57 = arith.constant 0 : i32
    %dma_wait3A_58 = arith.constant 0 : i32
    %dma_wait3A_59 = tpu.memref_slice %arg3[%dma_wait3A_57, %dma_wait3A_58] : memref<160000x16xf32, #tpu.memory_space<hbm>> -> memref<40x16xf32, #tpu.memory_space<hbm>>
    %dma_wait3A_60 = arith.constant 0 : i32
    %dma_wait3A_61 = arith.constant 0 : i32
    %dma_wait3A_62 = tpu.memref_slice %arg3[%dma_wait3A_60, %dma_wait3A_61] : memref<160000x16xf32, #tpu.memory_space<hbm>> -> memref<40x16xf32, #tpu.memory_space<hbm>>
    tpu.wait_dma2 semaphore(%arg16 : memref<!tpu.dma_semaphore, #tpu.memory_space<semaphore_mem>>) src(%dma_wait3A_62 : memref<40x16xf32, #tpu.memory_space<hbm>>) dst(%arg14 : memref<40x16xf32, #tpu.memory_space<vmem>>)
    %run_scoped3A = arith.constant 124 : i32
    "tpu.region"() ({
      %run_scoped3A_70 = tpu.sem_alloc : memref<!tpu.dma_semaphore, #tpu.memory_space<semaphore_mem>>
      %dma_start3A_71 = arith.constant 0 : i32
      %dma_start3A_72 = tpu.memref_slice %arg11[%run_scoped3A, %dma_start3A_71] : memref<125x40xi32, #tpu.memory_space<vmem>> -> memref<1x40xi32, #tpu.memory_space<vmem>>
      %dma_start3A_73 = tpu.memref_squeeze %dma_start3A_72 : memref<1x40xi32, #tpu.memory_space<vmem>> -> memref<40xi32, #tpu.memory_space<vmem>>
      %dma_start3A_74 = arith.constant 0 : i32
      %dma_start3A_75 = arith.constant 0 : i32
      %dma_start3A_76 = tpu.memref_slice %arg7[%dma_start3A_74, %dma_start3A_75] : memref<10000x128xf32, #tpu.memory_space<vmem_shared>> -> memref<10000x128xf32, #tpu.memory_space<vmem_shared>>
      tpu.enqueue_indirect_dma source(%arg12 : memref<40x128xf32, #tpu.memory_space<vmem>>) target(%dma_start3A_76 : memref<10000x128xf32, #tpu.memory_space<vmem_shared>>) offsets(%dma_start3A_73 : memref<40xi32, #tpu.memory_space<vmem>>) semaphore(%run_scoped3A_70 : memref<!tpu.dma_semaphore, #tpu.memory_space<semaphore_mem>>) {add = true}
      %dma_wait3A_77 = arith.constant 0 : i32
      %dma_wait3A_78 = tpu.memref_slice %arg11[%run_scoped3A, %dma_wait3A_77] : memref<125x40xi32, #tpu.memory_space<vmem>> -> memref<1x40xi32, #tpu.memory_space<vmem>>
      %dma_wait3A_79 = tpu.memref_squeeze %dma_wait3A_78 : memref<1x40xi32, #tpu.memory_space<vmem>> -> memref<40xi32, #tpu.memory_space<vmem>>
      %dma_wait3A_80 = arith.constant 0 : i32
      %dma_wait3A_81 = arith.constant 0 : i32
      %dma_wait3A_82 = tpu.memref_slice %arg7[%dma_wait3A_80, %dma_wait3A_81] : memref<10000x128xf32, #tpu.memory_space<vmem_shared>> -> memref<10000x128xf32, #tpu.memory_space<vmem_shared>>
      tpu.wait_indirect_dma semaphore(%run_scoped3A_70 : memref<!tpu.dma_semaphore, #tpu.memory_space<semaphore_mem>>) src(%arg12 : memref<40x128xf32, #tpu.memory_space<vmem>>) dst(%dma_wait3A_82 : memref<10000x128xf32, #tpu.memory_space<vmem_shared>>)
      tpu.yield
    }) : () -> ()
    %run_scoped3A_63 = arith.constant 124 : i32
    "tpu.region"() ({
      %run_scoped3A_70 = tpu.sem_alloc : memref<!tpu.dma_semaphore, #tpu.memory_space<semaphore_mem>>
      %dma_start3A_71 = arith.constant 0 : i32
      %dma_start3A_72 = tpu.memref_slice %arg11[%run_scoped3A_63, %dma_start3A_71] : memref<125x40xi32, #tpu.memory_space<vmem>> -> memref<1x40xi32, #tpu.memory_space<vmem>>
      %dma_start3A_73 = tpu.memref_squeeze %dma_start3A_72 : memref<1x40xi32, #tpu.memory_space<vmem>> -> memref<40xi32, #tpu.memory_space<vmem>>
      %dma_start3A_74 = arith.constant 0 : i32
      %dma_start3A_75 = arith.constant 0 : i32
      %dma_start3A_76 = tpu.memref_slice %arg8[%dma_start3A_74, %dma_start3A_75] : memref<10000x16xf32, #tpu.memory_space<vmem_shared>> -> memref<10000x16xf32, #tpu.memory_space<vmem_shared>>
      tpu.enqueue_indirect_dma source(%arg14 : memref<40x16xf32, #tpu.memory_space<vmem>>) target(%dma_start3A_76 : memref<10000x16xf32, #tpu.memory_space<vmem_shared>>) offsets(%dma_start3A_73 : memref<40xi32, #tpu.memory_space<vmem>>) semaphore(%run_scoped3A_70 : memref<!tpu.dma_semaphore, #tpu.memory_space<semaphore_mem>>) {add = true}
      %dma_wait3A_77 = arith.constant 0 : i32
      %dma_wait3A_78 = tpu.memref_slice %arg11[%run_scoped3A_63, %dma_wait3A_77] : memref<125x40xi32, #tpu.memory_space<vmem>> -> memref<1x40xi32, #tpu.memory_space<vmem>>
      %dma_wait3A_79 = tpu.memref_squeeze %dma_wait3A_78 : memref<1x40xi32, #tpu.memory_space<vmem>> -> memref<40xi32, #tpu.memory_space<vmem>>
      %dma_wait3A_80 = arith.constant 0 : i32
      %dma_wait3A_81 = arith.constant 0 : i32
      %dma_wait3A_82 = tpu.memref_slice %arg8[%dma_wait3A_80, %dma_wait3A_81] : memref<10000x16xf32, #tpu.memory_space<vmem_shared>> -> memref<10000x16xf32, #tpu.memory_space<vmem_shared>>
      tpu.wait_indirect_dma semaphore(%run_scoped3A_70 : memref<!tpu.dma_semaphore, #tpu.memory_space<semaphore_mem>>) src(%arg14 : memref<40x16xf32, #tpu.memory_space<vmem>>) dst(%dma_wait3A_82 : memref<10000x16xf32, #tpu.memory_space<vmem_shared>>)
      tpu.yield
    }) : () -> ()
    %barrier3A_64 = arith.constant 0 : index
    tpu.barrier barrier_id(%barrier3A_64)
    %scan3A_65 = arith.constant 0 : i32
    %scan3A_66 = arith.constant 5 : i32
    %scan3A_67 = arith.addi %scan3A_65, %scan3A_66 : i32
    %scan3A_68 = arith.constant 1 : i32
    scf.for %scan3A_70 = %scan3A_65 to %scan3A_67 step %scan3A_68  : i32 {
      %mul3A_71 = arith.constant 1 : i32
      %mul3A_72 = arith.muli %scan3A_70, %mul3A_71 : i32
      %add3A_73 = arith.constant 0 : i32
      %add3A_74 = arith.addi %add3A_73, %mul3A_72 : i32
      %mul3A_75 = arith.constant 625 : i32
      %mul3A_76 = arith.muli %arg1, %mul3A_75 : i32
      %mul3A_77 = arith.constant 125 : i32
      %mul3A_78 = arith.muli %add3A_74, %mul3A_77 : i32
      %add3A_79 = arith.addi %mul3A_76, %mul3A_78 : i32
      "tpu.region"() ({
        %run_scoped3A_80 = tpu.sem_alloc : memref<!tpu.dma_semaphore, #tpu.memory_space<semaphore_mem>>
        %dma_start3A_81 = arith.constant 0 : i32
        %dma_start3A_82 = arith.constant 0 : i32
        %dma_start3A_83 = tpu.memref_slice %arg5[%arg0, %dma_start3A_81, %dma_start3A_82] : memref<2x10000x128xf32, #tpu.memory_space<hbm>> -> memref<1x10000x128xf32, #tpu.memory_space<hbm>>
        %dma_start3A_84 = tpu.memref_squeeze %dma_start3A_83 : memref<1x10000x128xf32, #tpu.memory_space<hbm>> -> memref<10000x128xf32, #tpu.memory_space<hbm>>
        %dma_start3A_85 = arith.constant 0 : i32
        %dma_start3A_86 = tpu.memref_slice %dma_start3A_84[%add3A_79, %dma_start3A_85] : memref<10000x128xf32, #tpu.memory_space<hbm>> -> memref<125x128xf32, #tpu.memory_space<hbm>>
        %dma_start3A_87 = arith.constant 0 : i32
        %dma_start3A_88 = tpu.memref_slice %arg7[%add3A_79, %dma_start3A_87] : memref<10000x128xf32, #tpu.memory_space<vmem_shared>> -> memref<125x128xf32, #tpu.memory_space<vmem_shared>>
        tpu.enqueue_dma source(%dma_start3A_88 : memref<125x128xf32, #tpu.memory_space<vmem_shared>>) target(%dma_start3A_86 : memref<125x128xf32, #tpu.memory_space<hbm>>) target_semaphore(%run_scoped3A_80 : memref<!tpu.dma_semaphore, #tpu.memory_space<semaphore_mem>>)
        %dma_wait3A_89 = arith.constant 0 : i32
        %dma_wait3A_90 = arith.constant 0 : i32
        %dma_wait3A_91 = tpu.memref_slice %arg5[%arg0, %dma_wait3A_89, %dma_wait3A_90] : memref<2x10000x128xf32, #tpu.memory_space<hbm>> -> memref<1x10000x128xf32, #tpu.memory_space<hbm>>
        %dma_wait3A_92 = tpu.memref_squeeze %dma_wait3A_91 : memref<1x10000x128xf32, #tpu.memory_space<hbm>> -> memref<10000x128xf32, #tpu.memory_space<hbm>>
        %dma_wait3A_93 = arith.constant 0 : i32
        %dma_wait3A_94 = tpu.memref_slice %dma_wait3A_92[%add3A_79, %dma_wait3A_93] : memref<10000x128xf32, #tpu.memory_space<hbm>> -> memref<125x128xf32, #tpu.memory_space<hbm>>
        %dma_wait3A_95 = arith.constant 0 : i32
        %dma_wait3A_96 = tpu.memref_slice %arg7[%add3A_79, %dma_wait3A_95] : memref<10000x128xf32, #tpu.memory_space<vmem_shared>> -> memref<125x128xf32, #tpu.memory_space<vmem_shared>>
        tpu.wait_dma2 semaphore(%run_scoped3A_80 : memref<!tpu.dma_semaphore, #tpu.memory_space<semaphore_mem>>) src(%dma_wait3A_96 : memref<125x128xf32, #tpu.memory_space<vmem_shared>>) dst(%dma_wait3A_94 : memref<125x128xf32, #tpu.memory_space<hbm>>)
        tpu.yield
      }) : () -> ()
      "tpu.region"() ({
        %run_scoped3A_80 = tpu.sem_alloc : memref<!tpu.dma_semaphore, #tpu.memory_space<semaphore_mem>>
        %dma_start3A_81 = arith.constant 0 : i32
        %dma_start3A_82 = arith.constant 0 : i32
        %dma_start3A_83 = tpu.memref_slice %arg6[%arg0, %dma_start3A_81, %dma_start3A_82] : memref<2x10000x16xf32, #tpu.memory_space<hbm>> -> memref<1x10000x16xf32, #tpu.memory_space<hbm>>
        %dma_start3A_84 = tpu.memref_squeeze %dma_start3A_83 : memref<1x10000x16xf32, #tpu.memory_space<hbm>> -> memref<10000x16xf32, #tpu.memory_space<hbm>>
        %dma_start3A_85 = arith.constant 0 : i32
        %dma_start3A_86 = tpu.memref_slice %dma_start3A_84[%add3A_79, %dma_start3A_85] : memref<10000x16xf32, #tpu.memory_space<hbm>> -> memref<125x16xf32, #tpu.memory_space<hbm>>
        %dma_start3A_87 = arith.constant 0 : i32
        %dma_start3A_88 = tpu.memref_slice %arg8[%add3A_79, %dma_start3A_87] : memref<10000x16xf32, #tpu.memory_space<vmem_shared>> -> memref<125x16xf32, #tpu.memory_space<vmem_shared>>
        tpu.enqueue_dma source(%dma_start3A_88 : memref<125x16xf32, #tpu.memory_space<vmem_shared>>) target(%dma_start3A_86 : memref<125x16xf32, #tpu.memory_space<hbm>>) target_semaphore(%run_scoped3A_80 : memref<!tpu.dma_semaphore, #tpu.memory_space<semaphore_mem>>)
        %dma_wait3A_89 = arith.constant 0 : i32
        %dma_wait3A_90 = arith.constant 0 : i32
        %dma_wait3A_91 = tpu.memref_slice %arg6[%arg0, %dma_wait3A_89, %dma_wait3A_90] : memref<2x10000x16xf32, #tpu.memory_space<hbm>> -> memref<1x10000x16xf32, #tpu.memory_space<hbm>>
        %dma_wait3A_92 = tpu.memref_squeeze %dma_wait3A_91 : memref<1x10000x16xf32, #tpu.memory_space<hbm>> -> memref<10000x16xf32, #tpu.memory_space<hbm>>
        %dma_wait3A_93 = arith.constant 0 : i32
        %dma_wait3A_94 = tpu.memref_slice %dma_wait3A_92[%add3A_79, %dma_wait3A_93] : memref<10000x16xf32, #tpu.memory_space<hbm>> -> memref<125x16xf32, #tpu.memory_space<hbm>>
        %dma_wait3A_95 = arith.constant 0 : i32
        %dma_wait3A_96 = tpu.memref_slice %arg8[%add3A_79, %dma_wait3A_95] : memref<10000x16xf32, #tpu.memory_space<vmem_shared>> -> memref<125x16xf32, #tpu.memory_space<vmem_shared>>
        tpu.wait_dma2 semaphore(%run_scoped3A_80 : memref<!tpu.dma_semaphore, #tpu.memory_space<semaphore_mem>>) src(%dma_wait3A_96 : memref<125x16xf32, #tpu.memory_space<vmem_shared>>) dst(%dma_wait3A_94 : memref<125x16xf32, #tpu.memory_space<hbm>>)
        tpu.yield
      }) : () -> ()
    }
    %scan3A_69 = arith.constant 5 : i32
    return
  }
}

#map = affine_map<(d0, d1) -> (0, 0)>
#map1 = affine_map<(d0, d1) -> (0)>
module attributes {stable_mosaic.version = 14 : i64} {
  func.func @kern(%arg0: i32, %arg1: i32, %arg2: memref<10000x128xf32, #tpu.memory_space<hbm>>, %arg3: memref<10000x128xi32, #tpu.memory_space<hbm>>, %arg4: memref<160000xi32, #tpu.memory_space<hbm>>, %arg5: memref<160000xi32, #tpu.memory_space<hbm>>, %arg6: memref<160000x128xf32, #tpu.memory_space<hbm>>, %arg7: memref<160000x128xi32, #tpu.memory_space<hbm>>, %arg8: memref<5000xi32, #tpu.memory_space<vmem>>, %arg9: memref<5000xi32, #tpu.memory_space<vmem>>, %arg10: memref<80x128xf32, #tpu.memory_space<vmem>>, %arg11: memref<80x128xf32, #tpu.memory_space<vmem>>, %arg12: memref<80x128xi32, #tpu.memory_space<vmem>>, %arg13: memref<80x128xi32, #tpu.memory_space<vmem>>, %arg14: memref<!tpu.dma_semaphore, #tpu.memory_space<semaphore_mem>>, %arg15: memref<!tpu.dma_semaphore, #tpu.memory_space<semaphore_mem>>, %arg16: memref<!tpu.dma_semaphore, #tpu.memory_space<semaphore_mem>>, %arg17: memref<!tpu.dma_semaphore, #tpu.memory_space<semaphore_mem>>) attributes {dimension_semantics = [#tpu.dimension_semantics<core_parallel>, #tpu.dimension_semantics<subcore_parallel>], iteration_bounds = array<i64: 2, 16>, scalar_prefetch = 0 : i64, scratch_operands = 10 : i64, tpu.core_type = #tpu.core_type<sc_vector_subcore>, window_params = [{transform_indices = #map}, {transform_indices = #map}, {transform_indices = #map1}, {transform_indices = #map1}, {transform_indices = #map}, {transform_indices = #map}]} {
    %mul3A = arith.constant 16 : i32
    %mul3A_0 = arith.muli %arg0, %mul3A : i32
    %add3A = arith.addi %mul3A_0, %arg1 : i32
    %mul3A_1 = arith.constant 5000 : i32
    %mul3A_2 = arith.muli %add3A, %mul3A_1 : i32
    %dma_start3A = tpu.memref_slice %arg4[%mul3A_2] : memref<160000xi32, #tpu.memory_space<hbm>> -> memref<5000xi32, #tpu.memory_space<hbm>>
    %dma_start3A_3 = tpu.memref_slice %arg4[%mul3A_2] : memref<160000xi32, #tpu.memory_space<hbm>> -> memref<5000xi32, #tpu.memory_space<hbm>>
    tpu.enqueue_dma source(%dma_start3A_3 : memref<5000xi32, #tpu.memory_space<hbm>>) target(%arg8 : memref<5000xi32, #tpu.memory_space<vmem>>) target_semaphore(%arg14 : memref<!tpu.dma_semaphore, #tpu.memory_space<semaphore_mem>>)
    %dma_start3A_4 = tpu.memref_slice %arg5[%mul3A_2] : memref<160000xi32, #tpu.memory_space<hbm>> -> memref<5000xi32, #tpu.memory_space<hbm>>
    %dma_start3A_5 = tpu.memref_slice %arg5[%mul3A_2] : memref<160000xi32, #tpu.memory_space<hbm>> -> memref<5000xi32, #tpu.memory_space<hbm>>
    tpu.enqueue_dma source(%dma_start3A_5 : memref<5000xi32, #tpu.memory_space<hbm>>) target(%arg9 : memref<5000xi32, #tpu.memory_space<vmem>>) target_semaphore(%arg15 : memref<!tpu.dma_semaphore, #tpu.memory_space<semaphore_mem>>)
    %dma_wait3A = tpu.memref_slice %arg4[%mul3A_2] : memref<160000xi32, #tpu.memory_space<hbm>> -> memref<5000xi32, #tpu.memory_space<hbm>>
    %dma_wait3A_6 = tpu.memref_slice %arg4[%mul3A_2] : memref<160000xi32, #tpu.memory_space<hbm>> -> memref<5000xi32, #tpu.memory_space<hbm>>
    tpu.wait_dma2 semaphore(%arg14 : memref<!tpu.dma_semaphore, #tpu.memory_space<semaphore_mem>>) src(%dma_wait3A_6 : memref<5000xi32, #tpu.memory_space<hbm>>) dst(%arg8 : memref<5000xi32, #tpu.memory_space<vmem>>)
    %dma_wait3A_7 = tpu.memref_slice %arg5[%mul3A_2] : memref<160000xi32, #tpu.memory_space<hbm>> -> memref<5000xi32, #tpu.memory_space<hbm>>
    %dma_wait3A_8 = tpu.memref_slice %arg5[%mul3A_2] : memref<160000xi32, #tpu.memory_space<hbm>> -> memref<5000xi32, #tpu.memory_space<hbm>>
    tpu.wait_dma2 semaphore(%arg15 : memref<!tpu.dma_semaphore, #tpu.memory_space<semaphore_mem>>) src(%dma_wait3A_8 : memref<5000xi32, #tpu.memory_space<hbm>>) dst(%arg9 : memref<5000xi32, #tpu.memory_space<vmem>>)
    %dma_start3A_9 = arith.constant 0 : i32
    %dma_start3A_10 = tpu.memref_slice %arg8[%dma_start3A_9] : memref<5000xi32, #tpu.memory_space<vmem>> -> memref<80xi32, #tpu.memory_space<vmem>>
    %dma_start3A_11 = arith.constant 0 : i32
    %dma_start3A_12 = arith.constant 0 : i32
    %dma_start3A_13 = tpu.memref_slice %arg2[%dma_start3A_11, %dma_start3A_12] : memref<10000x128xf32, #tpu.memory_space<hbm>> -> memref<10000x128xf32, #tpu.memory_space<hbm>>
    tpu.enqueue_indirect_dma source(%dma_start3A_13 : memref<10000x128xf32, #tpu.memory_space<hbm>>) target(%arg10 : memref<80x128xf32, #tpu.memory_space<vmem>>) offsets(%dma_start3A_10 : memref<80xi32, #tpu.memory_space<vmem>>) semaphore(%arg14 : memref<!tpu.dma_semaphore, #tpu.memory_space<semaphore_mem>>)
    %dma_start3A_14 = arith.constant 0 : i32
    %dma_start3A_15 = tpu.memref_slice %arg9[%dma_start3A_14] : memref<5000xi32, #tpu.memory_space<vmem>> -> memref<80xi32, #tpu.memory_space<vmem>>
    %dma_start3A_16 = arith.constant 0 : i32
    %dma_start3A_17 = arith.constant 0 : i32
    %dma_start3A_18 = tpu.memref_slice %arg3[%dma_start3A_16, %dma_start3A_17] : memref<10000x128xi32, #tpu.memory_space<hbm>> -> memref<10000x128xi32, #tpu.memory_space<hbm>>
    tpu.enqueue_indirect_dma source(%dma_start3A_18 : memref<10000x128xi32, #tpu.memory_space<hbm>>) target(%arg12 : memref<80x128xi32, #tpu.memory_space<vmem>>) offsets(%dma_start3A_15 : memref<80xi32, #tpu.memory_space<vmem>>) semaphore(%arg14 : memref<!tpu.dma_semaphore, #tpu.memory_space<semaphore_mem>>)
    %dma_start3A_19 = arith.constant 80 : i32
    %dma_start3A_20 = tpu.memref_slice %arg8[%dma_start3A_19] : memref<5000xi32, #tpu.memory_space<vmem>> -> memref<80xi32, #tpu.memory_space<vmem>>
    %dma_start3A_21 = arith.constant 0 : i32
    %dma_start3A_22 = arith.constant 0 : i32
    %dma_start3A_23 = tpu.memref_slice %arg2[%dma_start3A_21, %dma_start3A_22] : memref<10000x128xf32, #tpu.memory_space<hbm>> -> memref<10000x128xf32, #tpu.memory_space<hbm>>
    tpu.enqueue_indirect_dma source(%dma_start3A_23 : memref<10000x128xf32, #tpu.memory_space<hbm>>) target(%arg11 : memref<80x128xf32, #tpu.memory_space<vmem>>) offsets(%dma_start3A_20 : memref<80xi32, #tpu.memory_space<vmem>>) semaphore(%arg15 : memref<!tpu.dma_semaphore, #tpu.memory_space<semaphore_mem>>)
    %dma_start3A_24 = arith.constant 80 : i32
    %dma_start3A_25 = tpu.memref_slice %arg9[%dma_start3A_24] : memref<5000xi32, #tpu.memory_space<vmem>> -> memref<80xi32, #tpu.memory_space<vmem>>
    %dma_start3A_26 = arith.constant 0 : i32
    %dma_start3A_27 = arith.constant 0 : i32
    %dma_start3A_28 = tpu.memref_slice %arg3[%dma_start3A_26, %dma_start3A_27] : memref<10000x128xi32, #tpu.memory_space<hbm>> -> memref<10000x128xi32, #tpu.memory_space<hbm>>
    tpu.enqueue_indirect_dma source(%dma_start3A_28 : memref<10000x128xi32, #tpu.memory_space<hbm>>) target(%arg13 : memref<80x128xi32, #tpu.memory_space<vmem>>) offsets(%dma_start3A_25 : memref<80xi32, #tpu.memory_space<vmem>>) semaphore(%arg15 : memref<!tpu.dma_semaphore, #tpu.memory_space<semaphore_mem>>)
    %scan3A = arith.constant 0 : i32
    %scan3A_29 = arith.constant 31 : i32
    %scan3A_30 = arith.addi %scan3A, %scan3A_29 : i32
    %scan3A_31 = arith.constant 1 : i32
    scf.for %scan3A_77 = %scan3A to %scan3A_30 step %scan3A_31  : i32 {
      %mul3A_78 = arith.constant 1 : i32
      %mul3A_79 = arith.muli %scan3A_77, %mul3A_78 : i32
      %add3A_80 = arith.constant 0 : i32
      %add3A_81 = arith.addi %add3A_80, %mul3A_79 : i32
      %mul3A_82 = arith.constant 2 : i32
      %mul3A_83 = arith.muli %add3A_81, %mul3A_82 : i32
      %dma_wait3A_84 = arith.constant 0 : i32
      %dma_wait3A_85 = arith.constant 0 : i32
      %dma_wait3A_86 = tpu.memref_slice %arg2[%dma_wait3A_84, %dma_wait3A_85] : memref<10000x128xf32, #tpu.memory_space<hbm>> -> memref<80x128xf32, #tpu.memory_space<hbm>>
      %dma_wait3A_87 = arith.constant 0 : i32
      %dma_wait3A_88 = arith.constant 0 : i32
      %dma_wait3A_89 = tpu.memref_slice %arg2[%dma_wait3A_87, %dma_wait3A_88] : memref<10000x128xf32, #tpu.memory_space<hbm>> -> memref<80x128xf32, #tpu.memory_space<hbm>>
      tpu.wait_dma2 semaphore(%arg14 : memref<!tpu.dma_semaphore, #tpu.memory_space<semaphore_mem>>) src(%dma_wait3A_89 : memref<80x128xf32, #tpu.memory_space<hbm>>) dst(%arg10 : memref<80x128xf32, #tpu.memory_space<vmem>>)
      %dma_wait3A_90 = arith.constant 0 : i32
      %dma_wait3A_91 = arith.constant 0 : i32
      %dma_wait3A_92 = tpu.memref_slice %arg3[%dma_wait3A_90, %dma_wait3A_91] : memref<10000x128xi32, #tpu.memory_space<hbm>> -> memref<80x128xi32, #tpu.memory_space<hbm>>
      %dma_wait3A_93 = arith.constant 0 : i32
      %dma_wait3A_94 = arith.constant 0 : i32
      %dma_wait3A_95 = tpu.memref_slice %arg3[%dma_wait3A_93, %dma_wait3A_94] : memref<10000x128xi32, #tpu.memory_space<hbm>> -> memref<80x128xi32, #tpu.memory_space<hbm>>
      tpu.wait_dma2 semaphore(%arg14 : memref<!tpu.dma_semaphore, #tpu.memory_space<semaphore_mem>>) src(%dma_wait3A_95 : memref<80x128xi32, #tpu.memory_space<hbm>>) dst(%arg12 : memref<80x128xi32, #tpu.memory_space<vmem>>)
      %mul3A_96 = arith.constant 80 : i32
      %mul3A_97 = arith.muli %mul3A_83, %mul3A_96 : i32
      %add3A_98 = arith.addi %mul3A_2, %mul3A_97 : i32
      %dma_start3A_99 = arith.constant 0 : i32
      %dma_start3A_100 = tpu.memref_slice %arg6[%add3A_98, %dma_start3A_99] : memref<160000x128xf32, #tpu.memory_space<hbm>> -> memref<80x128xf32, #tpu.memory_space<hbm>>
      %dma_start3A_101 = arith.constant 0 : i32
      %dma_start3A_102 = tpu.memref_slice %arg6[%add3A_98, %dma_start3A_101] : memref<160000x128xf32, #tpu.memory_space<hbm>> -> memref<80x128xf32, #tpu.memory_space<hbm>>
      tpu.enqueue_dma source(%arg10 : memref<80x128xf32, #tpu.memory_space<vmem>>) target(%dma_start3A_102 : memref<80x128xf32, #tpu.memory_space<hbm>>) target_semaphore(%arg16 : memref<!tpu.dma_semaphore, #tpu.memory_space<semaphore_mem>>)
      %dma_start3A_103 = arith.constant 0 : i32
      %dma_start3A_104 = tpu.memref_slice %arg7[%add3A_98, %dma_start3A_103] : memref<160000x128xi32, #tpu.memory_space<hbm>> -> memref<80x128xi32, #tpu.memory_space<hbm>>
      %dma_start3A_105 = arith.constant 0 : i32
      %dma_start3A_106 = tpu.memref_slice %arg7[%add3A_98, %dma_start3A_105] : memref<160000x128xi32, #tpu.memory_space<hbm>> -> memref<80x128xi32, #tpu.memory_space<hbm>>
      tpu.enqueue_dma source(%arg12 : memref<80x128xi32, #tpu.memory_space<vmem>>) target(%dma_start3A_106 : memref<80x128xi32, #tpu.memory_space<hbm>>) target_semaphore(%arg16 : memref<!tpu.dma_semaphore, #tpu.memory_space<semaphore_mem>>)
      %dma_wait3A_107 = arith.constant 0 : i32
      %dma_wait3A_108 = arith.constant 0 : i32
      %dma_wait3A_109 = tpu.memref_slice %arg2[%dma_wait3A_107, %dma_wait3A_108] : memref<10000x128xf32, #tpu.memory_space<hbm>> -> memref<80x128xf32, #tpu.memory_space<hbm>>
      %dma_wait3A_110 = arith.constant 0 : i32
      %dma_wait3A_111 = arith.constant 0 : i32
      %dma_wait3A_112 = tpu.memref_slice %arg2[%dma_wait3A_110, %dma_wait3A_111] : memref<10000x128xf32, #tpu.memory_space<hbm>> -> memref<80x128xf32, #tpu.memory_space<hbm>>
      tpu.wait_dma2 semaphore(%arg15 : memref<!tpu.dma_semaphore, #tpu.memory_space<semaphore_mem>>) src(%dma_wait3A_112 : memref<80x128xf32, #tpu.memory_space<hbm>>) dst(%arg11 : memref<80x128xf32, #tpu.memory_space<vmem>>)
      %dma_wait3A_113 = arith.constant 0 : i32
      %dma_wait3A_114 = arith.constant 0 : i32
      %dma_wait3A_115 = tpu.memref_slice %arg3[%dma_wait3A_113, %dma_wait3A_114] : memref<10000x128xi32, #tpu.memory_space<hbm>> -> memref<80x128xi32, #tpu.memory_space<hbm>>
      %dma_wait3A_116 = arith.constant 0 : i32
      %dma_wait3A_117 = arith.constant 0 : i32
      %dma_wait3A_118 = tpu.memref_slice %arg3[%dma_wait3A_116, %dma_wait3A_117] : memref<10000x128xi32, #tpu.memory_space<hbm>> -> memref<80x128xi32, #tpu.memory_space<hbm>>
      tpu.wait_dma2 semaphore(%arg15 : memref<!tpu.dma_semaphore, #tpu.memory_space<semaphore_mem>>) src(%dma_wait3A_118 : memref<80x128xi32, #tpu.memory_space<hbm>>) dst(%arg13 : memref<80x128xi32, #tpu.memory_space<vmem>>)
      %add3A_119 = arith.constant 1 : i32
      %add3A_120 = arith.addi %mul3A_83, %add3A_119 : i32
      %mul3A_121 = arith.constant 80 : i32
      %mul3A_122 = arith.muli %add3A_120, %mul3A_121 : i32
      %add3A_123 = arith.addi %mul3A_2, %mul3A_122 : i32
      %dma_start3A_124 = arith.constant 0 : i32
      %dma_start3A_125 = tpu.memref_slice %arg6[%add3A_123, %dma_start3A_124] : memref<160000x128xf32, #tpu.memory_space<hbm>> -> memref<80x128xf32, #tpu.memory_space<hbm>>
      %dma_start3A_126 = arith.constant 0 : i32
      %dma_start3A_127 = tpu.memref_slice %arg6[%add3A_123, %dma_start3A_126] : memref<160000x128xf32, #tpu.memory_space<hbm>> -> memref<80x128xf32, #tpu.memory_space<hbm>>
      tpu.enqueue_dma source(%arg11 : memref<80x128xf32, #tpu.memory_space<vmem>>) target(%dma_start3A_127 : memref<80x128xf32, #tpu.memory_space<hbm>>) target_semaphore(%arg17 : memref<!tpu.dma_semaphore, #tpu.memory_space<semaphore_mem>>)
      %dma_start3A_128 = arith.constant 0 : i32
      %dma_start3A_129 = tpu.memref_slice %arg7[%add3A_123, %dma_start3A_128] : memref<160000x128xi32, #tpu.memory_space<hbm>> -> memref<80x128xi32, #tpu.memory_space<hbm>>
      %dma_start3A_130 = arith.constant 0 : i32
      %dma_start3A_131 = tpu.memref_slice %arg7[%add3A_123, %dma_start3A_130] : memref<160000x128xi32, #tpu.memory_space<hbm>> -> memref<80x128xi32, #tpu.memory_space<hbm>>
      tpu.enqueue_dma source(%arg13 : memref<80x128xi32, #tpu.memory_space<vmem>>) target(%dma_start3A_131 : memref<80x128xi32, #tpu.memory_space<hbm>>) target_semaphore(%arg17 : memref<!tpu.dma_semaphore, #tpu.memory_space<semaphore_mem>>)
      %dma_wait3A_132 = arith.constant 0 : i32
      %dma_wait3A_133 = arith.constant 0 : i32
      %dma_wait3A_134 = tpu.memref_slice %arg2[%dma_wait3A_132, %dma_wait3A_133] : memref<10000x128xf32, #tpu.memory_space<hbm>> -> memref<80x128xf32, #tpu.memory_space<hbm>>
      %dma_wait3A_135 = arith.constant 0 : i32
      %dma_wait3A_136 = arith.constant 0 : i32
      %dma_wait3A_137 = tpu.memref_slice %arg2[%dma_wait3A_135, %dma_wait3A_136] : memref<10000x128xf32, #tpu.memory_space<hbm>> -> memref<80x128xf32, #tpu.memory_space<hbm>>
      tpu.wait_dma2 semaphore(%arg16 : memref<!tpu.dma_semaphore, #tpu.memory_space<semaphore_mem>>) src(%dma_wait3A_137 : memref<80x128xf32, #tpu.memory_space<hbm>>) dst(%arg10 : memref<80x128xf32, #tpu.memory_space<vmem>>)
      %dma_wait3A_138 = arith.constant 0 : i32
      %dma_wait3A_139 = arith.constant 0 : i32
      %dma_wait3A_140 = tpu.memref_slice %arg3[%dma_wait3A_138, %dma_wait3A_139] : memref<10000x128xi32, #tpu.memory_space<hbm>> -> memref<80x128xi32, #tpu.memory_space<hbm>>
      %dma_wait3A_141 = arith.constant 0 : i32
      %dma_wait3A_142 = arith.constant 0 : i32
      %dma_wait3A_143 = tpu.memref_slice %arg3[%dma_wait3A_141, %dma_wait3A_142] : memref<10000x128xi32, #tpu.memory_space<hbm>> -> memref<80x128xi32, #tpu.memory_space<hbm>>
      tpu.wait_dma2 semaphore(%arg16 : memref<!tpu.dma_semaphore, #tpu.memory_space<semaphore_mem>>) src(%dma_wait3A_143 : memref<80x128xi32, #tpu.memory_space<hbm>>) dst(%arg12 : memref<80x128xi32, #tpu.memory_space<vmem>>)
      %add3A_144 = arith.constant 2 : i32
      %add3A_145 = arith.addi %mul3A_83, %add3A_144 : i32
      %lt3A = arith.constant 62 : i32
      %lt3A_146 = arith.cmpi slt, %add3A_145, %lt3A : i32
      %convert_element_type3A = arith.extui %lt3A_146 : i1 to i32
      %cond3A = arith.constant 0 : i32
      %cond3A_147 = arith.cmpi ne, %convert_element_type3A, %cond3A : i32
      scf.if %cond3A_147 {
        %add3A_167 = arith.constant 2 : i32
        %add3A_168 = arith.addi %mul3A_83, %add3A_167 : i32
        %mul3A_169 = arith.constant 80 : i32
        %mul3A_170 = arith.muli %add3A_168, %mul3A_169 : i32
        %dma_start3A_171 = tpu.memref_slice %arg8[%mul3A_170] : memref<5000xi32, #tpu.memory_space<vmem>> -> memref<80xi32, #tpu.memory_space<vmem>>
        %dma_start3A_172 = arith.constant 0 : i32
        %dma_start3A_173 = arith.constant 0 : i32
        %dma_start3A_174 = tpu.memref_slice %arg2[%dma_start3A_172, %dma_start3A_173] : memref<10000x128xf32, #tpu.memory_space<hbm>> -> memref<10000x128xf32, #tpu.memory_space<hbm>>
        tpu.enqueue_indirect_dma source(%dma_start3A_174 : memref<10000x128xf32, #tpu.memory_space<hbm>>) target(%arg10 : memref<80x128xf32, #tpu.memory_space<vmem>>) offsets(%dma_start3A_171 : memref<80xi32, #tpu.memory_space<vmem>>) semaphore(%arg14 : memref<!tpu.dma_semaphore, #tpu.memory_space<semaphore_mem>>)
        %mul3A_175 = arith.constant 80 : i32
        %mul3A_176 = arith.muli %add3A_168, %mul3A_175 : i32
        %dma_start3A_177 = tpu.memref_slice %arg9[%mul3A_176] : memref<5000xi32, #tpu.memory_space<vmem>> -> memref<80xi32, #tpu.memory_space<vmem>>
        %dma_start3A_178 = arith.constant 0 : i32
        %dma_start3A_179 = arith.constant 0 : i32
        %dma_start3A_180 = tpu.memref_slice %arg3[%dma_start3A_178, %dma_start3A_179] : memref<10000x128xi32, #tpu.memory_space<hbm>> -> memref<10000x128xi32, #tpu.memory_space<hbm>>
        tpu.enqueue_indirect_dma source(%dma_start3A_180 : memref<10000x128xi32, #tpu.memory_space<hbm>>) target(%arg12 : memref<80x128xi32, #tpu.memory_space<vmem>>) offsets(%dma_start3A_177 : memref<80xi32, #tpu.memory_space<vmem>>) semaphore(%arg14 : memref<!tpu.dma_semaphore, #tpu.memory_space<semaphore_mem>>)
      } else {
      }
      %dma_wait3A_148 = arith.constant 0 : i32
      %dma_wait3A_149 = arith.constant 0 : i32
      %dma_wait3A_150 = tpu.memref_slice %arg2[%dma_wait3A_148, %dma_wait3A_149] : memref<10000x128xf32, #tpu.memory_space<hbm>> -> memref<80x128xf32, #tpu.memory_space<hbm>>
      %dma_wait3A_151 = arith.constant 0 : i32
      %dma_wait3A_152 = arith.constant 0 : i32
      %dma_wait3A_153 = tpu.memref_slice %arg2[%dma_wait3A_151, %dma_wait3A_152] : memref<10000x128xf32, #tpu.memory_space<hbm>> -> memref<80x128xf32, #tpu.memory_space<hbm>>
      tpu.wait_dma2 semaphore(%arg17 : memref<!tpu.dma_semaphore, #tpu.memory_space<semaphore_mem>>) src(%dma_wait3A_153 : memref<80x128xf32, #tpu.memory_space<hbm>>) dst(%arg11 : memref<80x128xf32, #tpu.memory_space<vmem>>)
      %dma_wait3A_154 = arith.constant 0 : i32
      %dma_wait3A_155 = arith.constant 0 : i32
      %dma_wait3A_156 = tpu.memref_slice %arg3[%dma_wait3A_154, %dma_wait3A_155] : memref<10000x128xi32, #tpu.memory_space<hbm>> -> memref<80x128xi32, #tpu.memory_space<hbm>>
      %dma_wait3A_157 = arith.constant 0 : i32
      %dma_wait3A_158 = arith.constant 0 : i32
      %dma_wait3A_159 = tpu.memref_slice %arg3[%dma_wait3A_157, %dma_wait3A_158] : memref<10000x128xi32, #tpu.memory_space<hbm>> -> memref<80x128xi32, #tpu.memory_space<hbm>>
      tpu.wait_dma2 semaphore(%arg17 : memref<!tpu.dma_semaphore, #tpu.memory_space<semaphore_mem>>) src(%dma_wait3A_159 : memref<80x128xi32, #tpu.memory_space<hbm>>) dst(%arg13 : memref<80x128xi32, #tpu.memory_space<vmem>>)
      %add3A_160 = arith.constant 3 : i32
      %add3A_161 = arith.addi %mul3A_83, %add3A_160 : i32
      %lt3A_162 = arith.constant 62 : i32
      %lt3A_163 = arith.cmpi slt, %add3A_161, %lt3A_162 : i32
      %convert_element_type3A_164 = arith.extui %lt3A_163 : i1 to i32
      %cond3A_165 = arith.constant 0 : i32
      %cond3A_166 = arith.cmpi ne, %convert_element_type3A_164, %cond3A_165 : i32
      scf.if %cond3A_166 {
        %add3A_167 = arith.constant 3 : i32
        %add3A_168 = arith.addi %mul3A_83, %add3A_167 : i32
        %mul3A_169 = arith.constant 80 : i32
        %mul3A_170 = arith.muli %add3A_168, %mul3A_169 : i32
        %dma_start3A_171 = tpu.memref_slice %arg8[%mul3A_170] : memref<5000xi32, #tpu.memory_space<vmem>> -> memref<80xi32, #tpu.memory_space<vmem>>
        %dma_start3A_172 = arith.constant 0 : i32
        %dma_start3A_173 = arith.constant 0 : i32
        %dma_start3A_174 = tpu.memref_slice %arg2[%dma_start3A_172, %dma_start3A_173] : memref<10000x128xf32, #tpu.memory_space<hbm>> -> memref<10000x128xf32, #tpu.memory_space<hbm>>
        tpu.enqueue_indirect_dma source(%dma_start3A_174 : memref<10000x128xf32, #tpu.memory_space<hbm>>) target(%arg11 : memref<80x128xf32, #tpu.memory_space<vmem>>) offsets(%dma_start3A_171 : memref<80xi32, #tpu.memory_space<vmem>>) semaphore(%arg15 : memref<!tpu.dma_semaphore, #tpu.memory_space<semaphore_mem>>)
        %mul3A_175 = arith.constant 80 : i32
        %mul3A_176 = arith.muli %add3A_168, %mul3A_175 : i32
        %dma_start3A_177 = tpu.memref_slice %arg9[%mul3A_176] : memref<5000xi32, #tpu.memory_space<vmem>> -> memref<80xi32, #tpu.memory_space<vmem>>
        %dma_start3A_178 = arith.constant 0 : i32
        %dma_start3A_179 = arith.constant 0 : i32
        %dma_start3A_180 = tpu.memref_slice %arg3[%dma_start3A_178, %dma_start3A_179] : memref<10000x128xi32, #tpu.memory_space<hbm>> -> memref<10000x128xi32, #tpu.memory_space<hbm>>
        tpu.enqueue_indirect_dma source(%dma_start3A_180 : memref<10000x128xi32, #tpu.memory_space<hbm>>) target(%arg13 : memref<80x128xi32, #tpu.memory_space<vmem>>) offsets(%dma_start3A_177 : memref<80xi32, #tpu.memory_space<vmem>>) semaphore(%arg15 : memref<!tpu.dma_semaphore, #tpu.memory_space<semaphore_mem>>)
      } else {
      }
    }
    %scan3A_32 = arith.constant 31 : i32
    %dma_start3A_33 = arith.constant 0 : i32
    %dma_start3A_34 = arith.constant 0 : i32
    %dma_start3A_35 = tpu.memref_slice %arg10[%dma_start3A_33, %dma_start3A_34] : memref<80x128xf32, #tpu.memory_space<vmem>> -> memref<40x128xf32, #tpu.memory_space<vmem>>
    %dma_start3A_36 = arith.constant 4960 : i32
    %dma_start3A_37 = tpu.memref_slice %arg8[%dma_start3A_36] : memref<5000xi32, #tpu.memory_space<vmem>> -> memref<40xi32, #tpu.memory_space<vmem>>
    %dma_start3A_38 = arith.constant 0 : i32
    %dma_start3A_39 = arith.constant 0 : i32
    %dma_start3A_40 = tpu.memref_slice %arg2[%dma_start3A_38, %dma_start3A_39] : memref<10000x128xf32, #tpu.memory_space<hbm>> -> memref<10000x128xf32, #tpu.memory_space<hbm>>
    tpu.enqueue_indirect_dma source(%dma_start3A_40 : memref<10000x128xf32, #tpu.memory_space<hbm>>) target(%dma_start3A_35 : memref<40x128xf32, #tpu.memory_space<vmem>>) offsets(%dma_start3A_37 : memref<40xi32, #tpu.memory_space<vmem>>) semaphore(%arg14 : memref<!tpu.dma_semaphore, #tpu.memory_space<semaphore_mem>>)
    %dma_start3A_41 = arith.constant 0 : i32
    %dma_start3A_42 = arith.constant 0 : i32
    %dma_start3A_43 = tpu.memref_slice %arg12[%dma_start3A_41, %dma_start3A_42] : memref<80x128xi32, #tpu.memory_space<vmem>> -> memref<40x128xi32, #tpu.memory_space<vmem>>
    %dma_start3A_44 = arith.constant 4960 : i32
    %dma_start3A_45 = tpu.memref_slice %arg9[%dma_start3A_44] : memref<5000xi32, #tpu.memory_space<vmem>> -> memref<40xi32, #tpu.memory_space<vmem>>
    %dma_start3A_46 = arith.constant 0 : i32
    %dma_start3A_47 = arith.constant 0 : i32
    %dma_start3A_48 = tpu.memref_slice %arg3[%dma_start3A_46, %dma_start3A_47] : memref<10000x128xi32, #tpu.memory_space<hbm>> -> memref<10000x128xi32, #tpu.memory_space<hbm>>
    tpu.enqueue_indirect_dma source(%dma_start3A_48 : memref<10000x128xi32, #tpu.memory_space<hbm>>) target(%dma_start3A_43 : memref<40x128xi32, #tpu.memory_space<vmem>>) offsets(%dma_start3A_45 : memref<40xi32, #tpu.memory_space<vmem>>) semaphore(%arg14 : memref<!tpu.dma_semaphore, #tpu.memory_space<semaphore_mem>>)
    %dma_wait3A_49 = arith.constant 0 : i32
    %dma_wait3A_50 = arith.constant 0 : i32
    %dma_wait3A_51 = tpu.memref_slice %arg10[%dma_wait3A_49, %dma_wait3A_50] : memref<80x128xf32, #tpu.memory_space<vmem>> -> memref<40x128xf32, #tpu.memory_space<vmem>>
    %dma_wait3A_52 = arith.constant 0 : i32
    %dma_wait3A_53 = arith.constant 0 : i32
    %dma_wait3A_54 = tpu.memref_slice %arg2[%dma_wait3A_52, %dma_wait3A_53] : memref<10000x128xf32, #tpu.memory_space<hbm>> -> memref<40x128xf32, #tpu.memory_space<hbm>>
    %dma_wait3A_55 = arith.constant 0 : i32
    %dma_wait3A_56 = arith.constant 0 : i32
    %dma_wait3A_57 = tpu.memref_slice %arg10[%dma_wait3A_55, %dma_wait3A_56] : memref<80x128xf32, #tpu.memory_space<vmem>> -> memref<40x128xf32, #tpu.memory_space<vmem>>
    %dma_wait3A_58 = arith.constant 0 : i32
    %dma_wait3A_59 = arith.constant 0 : i32
    %dma_wait3A_60 = tpu.memref_slice %arg2[%dma_wait3A_58, %dma_wait3A_59] : memref<10000x128xf32, #tpu.memory_space<hbm>> -> memref<40x128xf32, #tpu.memory_space<hbm>>
    tpu.wait_dma2 semaphore(%arg14 : memref<!tpu.dma_semaphore, #tpu.memory_space<semaphore_mem>>) src(%dma_wait3A_60 : memref<40x128xf32, #tpu.memory_space<hbm>>) dst(%dma_wait3A_57 : memref<40x128xf32, #tpu.memory_space<vmem>>)
    %dma_wait3A_61 = arith.constant 0 : i32
    %dma_wait3A_62 = arith.constant 0 : i32
    %dma_wait3A_63 = tpu.memref_slice %arg12[%dma_wait3A_61, %dma_wait3A_62] : memref<80x128xi32, #tpu.memory_space<vmem>> -> memref<40x128xi32, #tpu.memory_space<vmem>>
    %dma_wait3A_64 = arith.constant 0 : i32
    %dma_wait3A_65 = arith.constant 0 : i32
    %dma_wait3A_66 = tpu.memref_slice %arg3[%dma_wait3A_64, %dma_wait3A_65] : memref<10000x128xi32, #tpu.memory_space<hbm>> -> memref<40x128xi32, #tpu.memory_space<hbm>>
    %dma_wait3A_67 = arith.constant 0 : i32
    %dma_wait3A_68 = arith.constant 0 : i32
    %dma_wait3A_69 = tpu.memref_slice %arg12[%dma_wait3A_67, %dma_wait3A_68] : memref<80x128xi32, #tpu.memory_space<vmem>> -> memref<40x128xi32, #tpu.memory_space<vmem>>
    %dma_wait3A_70 = arith.constant 0 : i32
    %dma_wait3A_71 = arith.constant 0 : i32
    %dma_wait3A_72 = tpu.memref_slice %arg3[%dma_wait3A_70, %dma_wait3A_71] : memref<10000x128xi32, #tpu.memory_space<hbm>> -> memref<40x128xi32, #tpu.memory_space<hbm>>
    tpu.wait_dma2 semaphore(%arg14 : memref<!tpu.dma_semaphore, #tpu.memory_space<semaphore_mem>>) src(%dma_wait3A_72 : memref<40x128xi32, #tpu.memory_space<hbm>>) dst(%dma_wait3A_69 : memref<40x128xi32, #tpu.memory_space<vmem>>)
    %add3A_73 = arith.constant 4960 : i32
    %add3A_74 = arith.addi %mul3A_2, %add3A_73 : i32
    "tpu.region"() ({
      %run_scoped3A = tpu.sem_alloc : memref<!tpu.dma_semaphore, #tpu.memory_space<semaphore_mem>>
      %dma_start3A_77 = arith.constant 0 : i32
      %dma_start3A_78 = arith.constant 0 : i32
      %dma_start3A_79 = tpu.memref_slice %arg10[%dma_start3A_77, %dma_start3A_78] : memref<80x128xf32, #tpu.memory_space<vmem>> -> memref<40x128xf32, #tpu.memory_space<vmem>>
      %dma_start3A_80 = arith.constant 0 : i32
      %dma_start3A_81 = tpu.memref_slice %arg6[%add3A_74, %dma_start3A_80] : memref<160000x128xf32, #tpu.memory_space<hbm>> -> memref<40x128xf32, #tpu.memory_space<hbm>>
      %dma_start3A_82 = arith.constant 0 : i32
      %dma_start3A_83 = tpu.memref_slice %arg6[%add3A_74, %dma_start3A_82] : memref<160000x128xf32, #tpu.memory_space<hbm>> -> memref<40x128xf32, #tpu.memory_space<hbm>>
      %dma_start3A_84 = arith.constant 0 : i32
      %dma_start3A_85 = arith.constant 0 : i32
      %dma_start3A_86 = tpu.memref_slice %arg10[%dma_start3A_84, %dma_start3A_85] : memref<80x128xf32, #tpu.memory_space<vmem>> -> memref<40x128xf32, #tpu.memory_space<vmem>>
      tpu.enqueue_dma source(%dma_start3A_86 : memref<40x128xf32, #tpu.memory_space<vmem>>) target(%dma_start3A_83 : memref<40x128xf32, #tpu.memory_space<hbm>>) target_semaphore(%run_scoped3A : memref<!tpu.dma_semaphore, #tpu.memory_space<semaphore_mem>>)
      %dma_wait3A_87 = arith.constant 0 : i32
      %dma_wait3A_88 = arith.constant 0 : i32
      %dma_wait3A_89 = tpu.memref_slice %arg10[%dma_wait3A_87, %dma_wait3A_88] : memref<80x128xf32, #tpu.memory_space<vmem>> -> memref<40x128xf32, #tpu.memory_space<vmem>>
      %dma_wait3A_90 = arith.constant 0 : i32
      %dma_wait3A_91 = tpu.memref_slice %arg6[%add3A_74, %dma_wait3A_90] : memref<160000x128xf32, #tpu.memory_space<hbm>> -> memref<40x128xf32, #tpu.memory_space<hbm>>
      %dma_wait3A_92 = arith.constant 0 : i32
      %dma_wait3A_93 = tpu.memref_slice %arg6[%add3A_74, %dma_wait3A_92] : memref<160000x128xf32, #tpu.memory_space<hbm>> -> memref<40x128xf32, #tpu.memory_space<hbm>>
      %dma_wait3A_94 = arith.constant 0 : i32
      %dma_wait3A_95 = arith.constant 0 : i32
      %dma_wait3A_96 = tpu.memref_slice %arg10[%dma_wait3A_94, %dma_wait3A_95] : memref<80x128xf32, #tpu.memory_space<vmem>> -> memref<40x128xf32, #tpu.memory_space<vmem>>
      tpu.wait_dma2 semaphore(%run_scoped3A : memref<!tpu.dma_semaphore, #tpu.memory_space<semaphore_mem>>) src(%dma_wait3A_96 : memref<40x128xf32, #tpu.memory_space<vmem>>) dst(%dma_wait3A_93 : memref<40x128xf32, #tpu.memory_space<hbm>>)
      tpu.yield
    }) : () -> ()
    %add3A_75 = arith.constant 4960 : i32
    %add3A_76 = arith.addi %mul3A_2, %add3A_75 : i32
    "tpu.region"() ({
      %run_scoped3A = tpu.sem_alloc : memref<!tpu.dma_semaphore, #tpu.memory_space<semaphore_mem>>
      %dma_start3A_77 = arith.constant 0 : i32
      %dma_start3A_78 = arith.constant 0 : i32
      %dma_start3A_79 = tpu.memref_slice %arg12[%dma_start3A_77, %dma_start3A_78] : memref<80x128xi32, #tpu.memory_space<vmem>> -> memref<40x128xi32, #tpu.memory_space<vmem>>
      %dma_start3A_80 = arith.constant 0 : i32
      %dma_start3A_81 = tpu.memref_slice %arg7[%add3A_76, %dma_start3A_80] : memref<160000x128xi32, #tpu.memory_space<hbm>> -> memref<40x128xi32, #tpu.memory_space<hbm>>
      %dma_start3A_82 = arith.constant 0 : i32
      %dma_start3A_83 = tpu.memref_slice %arg7[%add3A_76, %dma_start3A_82] : memref<160000x128xi32, #tpu.memory_space<hbm>> -> memref<40x128xi32, #tpu.memory_space<hbm>>
      %dma_start3A_84 = arith.constant 0 : i32
      %dma_start3A_85 = arith.constant 0 : i32
      %dma_start3A_86 = tpu.memref_slice %arg12[%dma_start3A_84, %dma_start3A_85] : memref<80x128xi32, #tpu.memory_space<vmem>> -> memref<40x128xi32, #tpu.memory_space<vmem>>
      tpu.enqueue_dma source(%dma_start3A_86 : memref<40x128xi32, #tpu.memory_space<vmem>>) target(%dma_start3A_83 : memref<40x128xi32, #tpu.memory_space<hbm>>) target_semaphore(%run_scoped3A : memref<!tpu.dma_semaphore, #tpu.memory_space<semaphore_mem>>)
      %dma_wait3A_87 = arith.constant 0 : i32
      %dma_wait3A_88 = arith.constant 0 : i32
      %dma_wait3A_89 = tpu.memref_slice %arg12[%dma_wait3A_87, %dma_wait3A_88] : memref<80x128xi32, #tpu.memory_space<vmem>> -> memref<40x128xi32, #tpu.memory_space<vmem>>
      %dma_wait3A_90 = arith.constant 0 : i32
      %dma_wait3A_91 = tpu.memref_slice %arg7[%add3A_76, %dma_wait3A_90] : memref<160000x128xi32, #tpu.memory_space<hbm>> -> memref<40x128xi32, #tpu.memory_space<hbm>>
      %dma_wait3A_92 = arith.constant 0 : i32
      %dma_wait3A_93 = tpu.memref_slice %arg7[%add3A_76, %dma_wait3A_92] : memref<160000x128xi32, #tpu.memory_space<hbm>> -> memref<40x128xi32, #tpu.memory_space<hbm>>
      %dma_wait3A_94 = arith.constant 0 : i32
      %dma_wait3A_95 = arith.constant 0 : i32
      %dma_wait3A_96 = tpu.memref_slice %arg12[%dma_wait3A_94, %dma_wait3A_95] : memref<80x128xi32, #tpu.memory_space<vmem>> -> memref<40x128xi32, #tpu.memory_space<vmem>>
      tpu.wait_dma2 semaphore(%run_scoped3A : memref<!tpu.dma_semaphore, #tpu.memory_space<semaphore_mem>>) src(%dma_wait3A_96 : memref<40x128xi32, #tpu.memory_space<vmem>>) dst(%dma_wait3A_93 : memref<40x128xi32, #tpu.memory_space<hbm>>)
      tpu.yield
    }) : () -> ()
    return
  }
}

#map = affine_map<(d0, d1) -> (0, 0)>
#map1 = affine_map<(d0, d1) -> (0)>
module attributes {stable_mosaic.version = 14 : i64} {
  func.func @kern(%arg0: i32, %arg1: i32, %arg2: memref<10000x128xf32, #tpu.memory_space<hbm>>, %arg3: memref<10000x128xi32, #tpu.memory_space<hbm>>, %arg4: memref<160000xi32, #tpu.memory_space<hbm>>, %arg5: memref<160000xi32, #tpu.memory_space<hbm>>, %arg6: memref<160000x128xf32, #tpu.memory_space<hbm>>, %arg7: memref<160000x128xi32, #tpu.memory_space<hbm>>, %arg8: memref<5000xi32, #tpu.memory_space<vmem>>, %arg9: memref<5000xi32, #tpu.memory_space<vmem>>, %arg10: memref<80x128xf32, #tpu.memory_space<vmem>>, %arg11: memref<80x128xf32, #tpu.memory_space<vmem>>, %arg12: memref<80x128xi32, #tpu.memory_space<vmem>>, %arg13: memref<80x128xi32, #tpu.memory_space<vmem>>, %arg14: memref<!tpu.dma_semaphore, #tpu.memory_space<semaphore_mem>>, %arg15: memref<!tpu.dma_semaphore, #tpu.memory_space<semaphore_mem>>, %arg16: memref<!tpu.dma_semaphore, #tpu.memory_space<semaphore_mem>>, %arg17: memref<!tpu.dma_semaphore, #tpu.memory_space<semaphore_mem>>) attributes {dimension_semantics = [#tpu.dimension_semantics<core_parallel>, #tpu.dimension_semantics<subcore_parallel>], iteration_bounds = array<i64: 2, 16>, scalar_prefetch = 0 : i64, scratch_operands = 10 : i64, tpu.core_type = #tpu.core_type<sc_vector_subcore>, window_params = [{transform_indices = #map}, {transform_indices = #map}, {transform_indices = #map1}, {transform_indices = #map1}, {transform_indices = #map}, {transform_indices = #map}]} {
    %mul3A = arith.constant 16 : i32
    %mul3A_0 = arith.muli %arg0, %mul3A : i32
    %add3A = arith.addi %mul3A_0, %arg1 : i32
    %mul3A_1 = arith.constant 5000 : i32
    %mul3A_2 = arith.muli %add3A, %mul3A_1 : i32
    %dma_start3A = tpu.memref_slice %arg4[%mul3A_2] : memref<160000xi32, #tpu.memory_space<hbm>> -> memref<5000xi32, #tpu.memory_space<hbm>>
    %dma_start3A_3 = tpu.memref_slice %arg4[%mul3A_2] : memref<160000xi32, #tpu.memory_space<hbm>> -> memref<5000xi32, #tpu.memory_space<hbm>>
    tpu.enqueue_dma source(%dma_start3A_3 : memref<5000xi32, #tpu.memory_space<hbm>>) target(%arg8 : memref<5000xi32, #tpu.memory_space<vmem>>) target_semaphore(%arg14 : memref<!tpu.dma_semaphore, #tpu.memory_space<semaphore_mem>>)
    %dma_start3A_4 = tpu.memref_slice %arg5[%mul3A_2] : memref<160000xi32, #tpu.memory_space<hbm>> -> memref<5000xi32, #tpu.memory_space<hbm>>
    %dma_start3A_5 = tpu.memref_slice %arg5[%mul3A_2] : memref<160000xi32, #tpu.memory_space<hbm>> -> memref<5000xi32, #tpu.memory_space<hbm>>
    tpu.enqueue_dma source(%dma_start3A_5 : memref<5000xi32, #tpu.memory_space<hbm>>) target(%arg9 : memref<5000xi32, #tpu.memory_space<vmem>>) target_semaphore(%arg15 : memref<!tpu.dma_semaphore, #tpu.memory_space<semaphore_mem>>)
    %dma_wait3A = tpu.memref_slice %arg4[%mul3A_2] : memref<160000xi32, #tpu.memory_space<hbm>> -> memref<5000xi32, #tpu.memory_space<hbm>>
    %dma_wait3A_6 = tpu.memref_slice %arg4[%mul3A_2] : memref<160000xi32, #tpu.memory_space<hbm>> -> memref<5000xi32, #tpu.memory_space<hbm>>
    tpu.wait_dma2 semaphore(%arg14 : memref<!tpu.dma_semaphore, #tpu.memory_space<semaphore_mem>>) src(%dma_wait3A_6 : memref<5000xi32, #tpu.memory_space<hbm>>) dst(%arg8 : memref<5000xi32, #tpu.memory_space<vmem>>)
    %dma_wait3A_7 = tpu.memref_slice %arg5[%mul3A_2] : memref<160000xi32, #tpu.memory_space<hbm>> -> memref<5000xi32, #tpu.memory_space<hbm>>
    %dma_wait3A_8 = tpu.memref_slice %arg5[%mul3A_2] : memref<160000xi32, #tpu.memory_space<hbm>> -> memref<5000xi32, #tpu.memory_space<hbm>>
    tpu.wait_dma2 semaphore(%arg15 : memref<!tpu.dma_semaphore, #tpu.memory_space<semaphore_mem>>) src(%dma_wait3A_8 : memref<5000xi32, #tpu.memory_space<hbm>>) dst(%arg9 : memref<5000xi32, #tpu.memory_space<vmem>>)
    %dma_start3A_9 = arith.constant 0 : i32
    %dma_start3A_10 = tpu.memref_slice %arg8[%dma_start3A_9] : memref<5000xi32, #tpu.memory_space<vmem>> -> memref<80xi32, #tpu.memory_space<vmem>>
    %dma_start3A_11 = arith.constant 0 : i32
    %dma_start3A_12 = arith.constant 0 : i32
    %dma_start3A_13 = tpu.memref_slice %arg2[%dma_start3A_11, %dma_start3A_12] : memref<10000x128xf32, #tpu.memory_space<hbm>> -> memref<10000x128xf32, #tpu.memory_space<hbm>>
    tpu.enqueue_indirect_dma source(%dma_start3A_13 : memref<10000x128xf32, #tpu.memory_space<hbm>>) target(%arg10 : memref<80x128xf32, #tpu.memory_space<vmem>>) offsets(%dma_start3A_10 : memref<80xi32, #tpu.memory_space<vmem>>) semaphore(%arg14 : memref<!tpu.dma_semaphore, #tpu.memory_space<semaphore_mem>>)
    %dma_start3A_14 = arith.constant 0 : i32
    %dma_start3A_15 = tpu.memref_slice %arg9[%dma_start3A_14] : memref<5000xi32, #tpu.memory_space<vmem>> -> memref<80xi32, #tpu.memory_space<vmem>>
    %dma_start3A_16 = arith.constant 0 : i32
    %dma_start3A_17 = arith.constant 0 : i32
    %dma_start3A_18 = tpu.memref_slice %arg3[%dma_start3A_16, %dma_start3A_17] : memref<10000x128xi32, #tpu.memory_space<hbm>> -> memref<10000x128xi32, #tpu.memory_space<hbm>>
    tpu.enqueue_indirect_dma source(%dma_start3A_18 : memref<10000x128xi32, #tpu.memory_space<hbm>>) target(%arg12 : memref<80x128xi32, #tpu.memory_space<vmem>>) offsets(%dma_start3A_15 : memref<80xi32, #tpu.memory_space<vmem>>) semaphore(%arg14 : memref<!tpu.dma_semaphore, #tpu.memory_space<semaphore_mem>>)
    %dma_start3A_19 = arith.constant 80 : i32
    %dma_start3A_20 = tpu.memref_slice %arg8[%dma_start3A_19] : memref<5000xi32, #tpu.memory_space<vmem>> -> memref<80xi32, #tpu.memory_space<vmem>>
    %dma_start3A_21 = arith.constant 0 : i32
    %dma_start3A_22 = arith.constant 0 : i32
    %dma_start3A_23 = tpu.memref_slice %arg2[%dma_start3A_21, %dma_start3A_22] : memref<10000x128xf32, #tpu.memory_space<hbm>> -> memref<10000x128xf32, #tpu.memory_space<hbm>>
    tpu.enqueue_indirect_dma source(%dma_start3A_23 : memref<10000x128xf32, #tpu.memory_space<hbm>>) target(%arg11 : memref<80x128xf32, #tpu.memory_space<vmem>>) offsets(%dma_start3A_20 : memref<80xi32, #tpu.memory_space<vmem>>) semaphore(%arg15 : memref<!tpu.dma_semaphore, #tpu.memory_space<semaphore_mem>>)
    %dma_start3A_24 = arith.constant 80 : i32
    %dma_start3A_25 = tpu.memref_slice %arg9[%dma_start3A_24] : memref<5000xi32, #tpu.memory_space<vmem>> -> memref<80xi32, #tpu.memory_space<vmem>>
    %dma_start3A_26 = arith.constant 0 : i32
    %dma_start3A_27 = arith.constant 0 : i32
    %dma_start3A_28 = tpu.memref_slice %arg3[%dma_start3A_26, %dma_start3A_27] : memref<10000x128xi32, #tpu.memory_space<hbm>> -> memref<10000x128xi32, #tpu.memory_space<hbm>>
    tpu.enqueue_indirect_dma source(%dma_start3A_28 : memref<10000x128xi32, #tpu.memory_space<hbm>>) target(%arg13 : memref<80x128xi32, #tpu.memory_space<vmem>>) offsets(%dma_start3A_25 : memref<80xi32, #tpu.memory_space<vmem>>) semaphore(%arg15 : memref<!tpu.dma_semaphore, #tpu.memory_space<semaphore_mem>>)
    %scan3A = arith.constant 0 : i32
    %scan3A_29 = arith.constant 31 : i32
    %scan3A_30 = arith.addi %scan3A, %scan3A_29 : i32
    %scan3A_31 = arith.constant 1 : i32
    scf.for %scan3A_77 = %scan3A to %scan3A_30 step %scan3A_31  : i32 {
      %mul3A_78 = arith.constant 1 : i32
      %mul3A_79 = arith.muli %scan3A_77, %mul3A_78 : i32
      %add3A_80 = arith.constant 0 : i32
      %add3A_81 = arith.addi %add3A_80, %mul3A_79 : i32
      %mul3A_82 = arith.constant 2 : i32
      %mul3A_83 = arith.muli %add3A_81, %mul3A_82 : i32
      %dma_wait3A_84 = arith.constant 0 : i32
      %dma_wait3A_85 = arith.constant 0 : i32
      %dma_wait3A_86 = tpu.memref_slice %arg2[%dma_wait3A_84, %dma_wait3A_85] : memref<10000x128xf32, #tpu.memory_space<hbm>> -> memref<80x128xf32, #tpu.memory_space<hbm>>
      %dma_wait3A_87 = arith.constant 0 : i32
      %dma_wait3A_88 = arith.constant 0 : i32
      %dma_wait3A_89 = tpu.memref_slice %arg2[%dma_wait3A_87, %dma_wait3A_88] : memref<10000x128xf32, #tpu.memory_space<hbm>> -> memref<80x128xf32, #tpu.memory_space<hbm>>
      tpu.wait_dma2 semaphore(%arg14 : memref<!tpu.dma_semaphore, #tpu.memory_space<semaphore_mem>>) src(%dma_wait3A_89 : memref<80x128xf32, #tpu.memory_space<hbm>>) dst(%arg10 : memref<80x128xf32, #tpu.memory_space<vmem>>)
      %dma_wait3A_90 = arith.constant 0 : i32
      %dma_wait3A_91 = arith.constant 0 : i32
      %dma_wait3A_92 = tpu.memref_slice %arg3[%dma_wait3A_90, %dma_wait3A_91] : memref<10000x128xi32, #tpu.memory_space<hbm>> -> memref<80x128xi32, #tpu.memory_space<hbm>>
      %dma_wait3A_93 = arith.constant 0 : i32
      %dma_wait3A_94 = arith.constant 0 : i32
      %dma_wait3A_95 = tpu.memref_slice %arg3[%dma_wait3A_93, %dma_wait3A_94] : memref<10000x128xi32, #tpu.memory_space<hbm>> -> memref<80x128xi32, #tpu.memory_space<hbm>>
      tpu.wait_dma2 semaphore(%arg14 : memref<!tpu.dma_semaphore, #tpu.memory_space<semaphore_mem>>) src(%dma_wait3A_95 : memref<80x128xi32, #tpu.memory_space<hbm>>) dst(%arg12 : memref<80x128xi32, #tpu.memory_space<vmem>>)
      %mul3A_96 = arith.constant 80 : i32
      %mul3A_97 = arith.muli %mul3A_83, %mul3A_96 : i32
      %add3A_98 = arith.addi %mul3A_2, %mul3A_97 : i32
      %dma_start3A_99 = arith.constant 0 : i32
      %dma_start3A_100 = tpu.memref_slice %arg6[%add3A_98, %dma_start3A_99] : memref<160000x128xf32, #tpu.memory_space<hbm>> -> memref<80x128xf32, #tpu.memory_space<hbm>>
      %dma_start3A_101 = arith.constant 0 : i32
      %dma_start3A_102 = tpu.memref_slice %arg6[%add3A_98, %dma_start3A_101] : memref<160000x128xf32, #tpu.memory_space<hbm>> -> memref<80x128xf32, #tpu.memory_space<hbm>>
      tpu.enqueue_dma source(%arg10 : memref<80x128xf32, #tpu.memory_space<vmem>>) target(%dma_start3A_102 : memref<80x128xf32, #tpu.memory_space<hbm>>) target_semaphore(%arg16 : memref<!tpu.dma_semaphore, #tpu.memory_space<semaphore_mem>>)
      %dma_start3A_103 = arith.constant 0 : i32
      %dma_start3A_104 = tpu.memref_slice %arg7[%add3A_98, %dma_start3A_103] : memref<160000x128xi32, #tpu.memory_space<hbm>> -> memref<80x128xi32, #tpu.memory_space<hbm>>
      %dma_start3A_105 = arith.constant 0 : i32
      %dma_start3A_106 = tpu.memref_slice %arg7[%add3A_98, %dma_start3A_105] : memref<160000x128xi32, #tpu.memory_space<hbm>> -> memref<80x128xi32, #tpu.memory_space<hbm>>
      tpu.enqueue_dma source(%arg12 : memref<80x128xi32, #tpu.memory_space<vmem>>) target(%dma_start3A_106 : memref<80x128xi32, #tpu.memory_space<hbm>>) target_semaphore(%arg16 : memref<!tpu.dma_semaphore, #tpu.memory_space<semaphore_mem>>)
      %dma_wait3A_107 = arith.constant 0 : i32
      %dma_wait3A_108 = arith.constant 0 : i32
      %dma_wait3A_109 = tpu.memref_slice %arg2[%dma_wait3A_107, %dma_wait3A_108] : memref<10000x128xf32, #tpu.memory_space<hbm>> -> memref<80x128xf32, #tpu.memory_space<hbm>>
      %dma_wait3A_110 = arith.constant 0 : i32
      %dma_wait3A_111 = arith.constant 0 : i32
      %dma_wait3A_112 = tpu.memref_slice %arg2[%dma_wait3A_110, %dma_wait3A_111] : memref<10000x128xf32, #tpu.memory_space<hbm>> -> memref<80x128xf32, #tpu.memory_space<hbm>>
      tpu.wait_dma2 semaphore(%arg15 : memref<!tpu.dma_semaphore, #tpu.memory_space<semaphore_mem>>) src(%dma_wait3A_112 : memref<80x128xf32, #tpu.memory_space<hbm>>) dst(%arg11 : memref<80x128xf32, #tpu.memory_space<vmem>>)
      %dma_wait3A_113 = arith.constant 0 : i32
      %dma_wait3A_114 = arith.constant 0 : i32
      %dma_wait3A_115 = tpu.memref_slice %arg3[%dma_wait3A_113, %dma_wait3A_114] : memref<10000x128xi32, #tpu.memory_space<hbm>> -> memref<80x128xi32, #tpu.memory_space<hbm>>
      %dma_wait3A_116 = arith.constant 0 : i32
      %dma_wait3A_117 = arith.constant 0 : i32
      %dma_wait3A_118 = tpu.memref_slice %arg3[%dma_wait3A_116, %dma_wait3A_117] : memref<10000x128xi32, #tpu.memory_space<hbm>> -> memref<80x128xi32, #tpu.memory_space<hbm>>
      tpu.wait_dma2 semaphore(%arg15 : memref<!tpu.dma_semaphore, #tpu.memory_space<semaphore_mem>>) src(%dma_wait3A_118 : memref<80x128xi32, #tpu.memory_space<hbm>>) dst(%arg13 : memref<80x128xi32, #tpu.memory_space<vmem>>)
      %add3A_119 = arith.constant 1 : i32
      %add3A_120 = arith.addi %mul3A_83, %add3A_119 : i32
      %mul3A_121 = arith.constant 80 : i32
      %mul3A_122 = arith.muli %add3A_120, %mul3A_121 : i32
      %add3A_123 = arith.addi %mul3A_2, %mul3A_122 : i32
      %dma_start3A_124 = arith.constant 0 : i32
      %dma_start3A_125 = tpu.memref_slice %arg6[%add3A_123, %dma_start3A_124] : memref<160000x128xf32, #tpu.memory_space<hbm>> -> memref<80x128xf32, #tpu.memory_space<hbm>>
      %dma_start3A_126 = arith.constant 0 : i32
      %dma_start3A_127 = tpu.memref_slice %arg6[%add3A_123, %dma_start3A_126] : memref<160000x128xf32, #tpu.memory_space<hbm>> -> memref<80x128xf32, #tpu.memory_space<hbm>>
      tpu.enqueue_dma source(%arg11 : memref<80x128xf32, #tpu.memory_space<vmem>>) target(%dma_start3A_127 : memref<80x128xf32, #tpu.memory_space<hbm>>) target_semaphore(%arg17 : memref<!tpu.dma_semaphore, #tpu.memory_space<semaphore_mem>>)
      %dma_start3A_128 = arith.constant 0 : i32
      %dma_start3A_129 = tpu.memref_slice %arg7[%add3A_123, %dma_start3A_128] : memref<160000x128xi32, #tpu.memory_space<hbm>> -> memref<80x128xi32, #tpu.memory_space<hbm>>
      %dma_start3A_130 = arith.constant 0 : i32
      %dma_start3A_131 = tpu.memref_slice %arg7[%add3A_123, %dma_start3A_130] : memref<160000x128xi32, #tpu.memory_space<hbm>> -> memref<80x128xi32, #tpu.memory_space<hbm>>
      tpu.enqueue_dma source(%arg13 : memref<80x128xi32, #tpu.memory_space<vmem>>) target(%dma_start3A_131 : memref<80x128xi32, #tpu.memory_space<hbm>>) target_semaphore(%arg17 : memref<!tpu.dma_semaphore, #tpu.memory_space<semaphore_mem>>)
      %dma_wait3A_132 = arith.constant 0 : i32
      %dma_wait3A_133 = arith.constant 0 : i32
      %dma_wait3A_134 = tpu.memref_slice %arg2[%dma_wait3A_132, %dma_wait3A_133] : memref<10000x128xf32, #tpu.memory_space<hbm>> -> memref<80x128xf32, #tpu.memory_space<hbm>>
      %dma_wait3A_135 = arith.constant 0 : i32
      %dma_wait3A_136 = arith.constant 0 : i32
      %dma_wait3A_137 = tpu.memref_slice %arg2[%dma_wait3A_135, %dma_wait3A_136] : memref<10000x128xf32, #tpu.memory_space<hbm>> -> memref<80x128xf32, #tpu.memory_space<hbm>>
      tpu.wait_dma2 semaphore(%arg16 : memref<!tpu.dma_semaphore, #tpu.memory_space<semaphore_mem>>) src(%dma_wait3A_137 : memref<80x128xf32, #tpu.memory_space<hbm>>) dst(%arg10 : memref<80x128xf32, #tpu.memory_space<vmem>>)
      %dma_wait3A_138 = arith.constant 0 : i32
      %dma_wait3A_139 = arith.constant 0 : i32
      %dma_wait3A_140 = tpu.memref_slice %arg3[%dma_wait3A_138, %dma_wait3A_139] : memref<10000x128xi32, #tpu.memory_space<hbm>> -> memref<80x128xi32, #tpu.memory_space<hbm>>
      %dma_wait3A_141 = arith.constant 0 : i32
      %dma_wait3A_142 = arith.constant 0 : i32
      %dma_wait3A_143 = tpu.memref_slice %arg3[%dma_wait3A_141, %dma_wait3A_142] : memref<10000x128xi32, #tpu.memory_space<hbm>> -> memref<80x128xi32, #tpu.memory_space<hbm>>
      tpu.wait_dma2 semaphore(%arg16 : memref<!tpu.dma_semaphore, #tpu.memory_space<semaphore_mem>>) src(%dma_wait3A_143 : memref<80x128xi32, #tpu.memory_space<hbm>>) dst(%arg12 : memref<80x128xi32, #tpu.memory_space<vmem>>)
      %add3A_144 = arith.constant 2 : i32
      %add3A_145 = arith.addi %mul3A_83, %add3A_144 : i32
      %lt3A = arith.constant 62 : i32
      %lt3A_146 = arith.cmpi slt, %add3A_145, %lt3A : i32
      %convert_element_type3A = arith.extui %lt3A_146 : i1 to i32
      %cond3A = arith.constant 0 : i32
      %cond3A_147 = arith.cmpi ne, %convert_element_type3A, %cond3A : i32
      scf.if %cond3A_147 {
        %add3A_167 = arith.constant 2 : i32
        %add3A_168 = arith.addi %mul3A_83, %add3A_167 : i32
        %mul3A_169 = arith.constant 80 : i32
        %mul3A_170 = arith.muli %add3A_168, %mul3A_169 : i32
        %dma_start3A_171 = tpu.memref_slice %arg8[%mul3A_170] : memref<5000xi32, #tpu.memory_space<vmem>> -> memref<80xi32, #tpu.memory_space<vmem>>
        %dma_start3A_172 = arith.constant 0 : i32
        %dma_start3A_173 = arith.constant 0 : i32
        %dma_start3A_174 = tpu.memref_slice %arg2[%dma_start3A_172, %dma_start3A_173] : memref<10000x128xf32, #tpu.memory_space<hbm>> -> memref<10000x128xf32, #tpu.memory_space<hbm>>
        tpu.enqueue_indirect_dma source(%dma_start3A_174 : memref<10000x128xf32, #tpu.memory_space<hbm>>) target(%arg10 : memref<80x128xf32, #tpu.memory_space<vmem>>) offsets(%dma_start3A_171 : memref<80xi32, #tpu.memory_space<vmem>>) semaphore(%arg14 : memref<!tpu.dma_semaphore, #tpu.memory_space<semaphore_mem>>)
        %mul3A_175 = arith.constant 80 : i32
        %mul3A_176 = arith.muli %add3A_168, %mul3A_175 : i32
        %dma_start3A_177 = tpu.memref_slice %arg9[%mul3A_176] : memref<5000xi32, #tpu.memory_space<vmem>> -> memref<80xi32, #tpu.memory_space<vmem>>
        %dma_start3A_178 = arith.constant 0 : i32
        %dma_start3A_179 = arith.constant 0 : i32
        %dma_start3A_180 = tpu.memref_slice %arg3[%dma_start3A_178, %dma_start3A_179] : memref<10000x128xi32, #tpu.memory_space<hbm>> -> memref<10000x128xi32, #tpu.memory_space<hbm>>
        tpu.enqueue_indirect_dma source(%dma_start3A_180 : memref<10000x128xi32, #tpu.memory_space<hbm>>) target(%arg12 : memref<80x128xi32, #tpu.memory_space<vmem>>) offsets(%dma_start3A_177 : memref<80xi32, #tpu.memory_space<vmem>>) semaphore(%arg14 : memref<!tpu.dma_semaphore, #tpu.memory_space<semaphore_mem>>)
      } else {
      }
      %dma_wait3A_148 = arith.constant 0 : i32
      %dma_wait3A_149 = arith.constant 0 : i32
      %dma_wait3A_150 = tpu.memref_slice %arg2[%dma_wait3A_148, %dma_wait3A_149] : memref<10000x128xf32, #tpu.memory_space<hbm>> -> memref<80x128xf32, #tpu.memory_space<hbm>>
      %dma_wait3A_151 = arith.constant 0 : i32
      %dma_wait3A_152 = arith.constant 0 : i32
      %dma_wait3A_153 = tpu.memref_slice %arg2[%dma_wait3A_151, %dma_wait3A_152] : memref<10000x128xf32, #tpu.memory_space<hbm>> -> memref<80x128xf32, #tpu.memory_space<hbm>>
      tpu.wait_dma2 semaphore(%arg17 : memref<!tpu.dma_semaphore, #tpu.memory_space<semaphore_mem>>) src(%dma_wait3A_153 : memref<80x128xf32, #tpu.memory_space<hbm>>) dst(%arg11 : memref<80x128xf32, #tpu.memory_space<vmem>>)
      %dma_wait3A_154 = arith.constant 0 : i32
      %dma_wait3A_155 = arith.constant 0 : i32
      %dma_wait3A_156 = tpu.memref_slice %arg3[%dma_wait3A_154, %dma_wait3A_155] : memref<10000x128xi32, #tpu.memory_space<hbm>> -> memref<80x128xi32, #tpu.memory_space<hbm>>
      %dma_wait3A_157 = arith.constant 0 : i32
      %dma_wait3A_158 = arith.constant 0 : i32
      %dma_wait3A_159 = tpu.memref_slice %arg3[%dma_wait3A_157, %dma_wait3A_158] : memref<10000x128xi32, #tpu.memory_space<hbm>> -> memref<80x128xi32, #tpu.memory_space<hbm>>
      tpu.wait_dma2 semaphore(%arg17 : memref<!tpu.dma_semaphore, #tpu.memory_space<semaphore_mem>>) src(%dma_wait3A_159 : memref<80x128xi32, #tpu.memory_space<hbm>>) dst(%arg13 : memref<80x128xi32, #tpu.memory_space<vmem>>)
      %add3A_160 = arith.constant 3 : i32
      %add3A_161 = arith.addi %mul3A_83, %add3A_160 : i32
      %lt3A_162 = arith.constant 62 : i32
      %lt3A_163 = arith.cmpi slt, %add3A_161, %lt3A_162 : i32
      %convert_element_type3A_164 = arith.extui %lt3A_163 : i1 to i32
      %cond3A_165 = arith.constant 0 : i32
      %cond3A_166 = arith.cmpi ne, %convert_element_type3A_164, %cond3A_165 : i32
      scf.if %cond3A_166 {
        %add3A_167 = arith.constant 3 : i32
        %add3A_168 = arith.addi %mul3A_83, %add3A_167 : i32
        %mul3A_169 = arith.constant 80 : i32
        %mul3A_170 = arith.muli %add3A_168, %mul3A_169 : i32
        %dma_start3A_171 = tpu.memref_slice %arg8[%mul3A_170] : memref<5000xi32, #tpu.memory_space<vmem>> -> memref<80xi32, #tpu.memory_space<vmem>>
        %dma_start3A_172 = arith.constant 0 : i32
        %dma_start3A_173 = arith.constant 0 : i32
        %dma_start3A_174 = tpu.memref_slice %arg2[%dma_start3A_172, %dma_start3A_173] : memref<10000x128xf32, #tpu.memory_space<hbm>> -> memref<10000x128xf32, #tpu.memory_space<hbm>>
        tpu.enqueue_indirect_dma source(%dma_start3A_174 : memref<10000x128xf32, #tpu.memory_space<hbm>>) target(%arg11 : memref<80x128xf32, #tpu.memory_space<vmem>>) offsets(%dma_start3A_171 : memref<80xi32, #tpu.memory_space<vmem>>) semaphore(%arg15 : memref<!tpu.dma_semaphore, #tpu.memory_space<semaphore_mem>>)
        %mul3A_175 = arith.constant 80 : i32
        %mul3A_176 = arith.muli %add3A_168, %mul3A_175 : i32
        %dma_start3A_177 = tpu.memref_slice %arg9[%mul3A_176] : memref<5000xi32, #tpu.memory_space<vmem>> -> memref<80xi32, #tpu.memory_space<vmem>>
        %dma_start3A_178 = arith.constant 0 : i32
        %dma_start3A_179 = arith.constant 0 : i32
        %dma_start3A_180 = tpu.memref_slice %arg3[%dma_start3A_178, %dma_start3A_179] : memref<10000x128xi32, #tpu.memory_space<hbm>> -> memref<10000x128xi32, #tpu.memory_space<hbm>>
        tpu.enqueue_indirect_dma source(%dma_start3A_180 : memref<10000x128xi32, #tpu.memory_space<hbm>>) target(%arg13 : memref<80x128xi32, #tpu.memory_space<vmem>>) offsets(%dma_start3A_177 : memref<80xi32, #tpu.memory_space<vmem>>) semaphore(%arg15 : memref<!tpu.dma_semaphore, #tpu.memory_space<semaphore_mem>>)
      } else {
      }
    }
    %scan3A_32 = arith.constant 31 : i32
    %dma_start3A_33 = arith.constant 0 : i32
    %dma_start3A_34 = arith.constant 0 : i32
    %dma_start3A_35 = tpu.memref_slice %arg10[%dma_start3A_33, %dma_start3A_34] : memref<80x128xf32, #tpu.memory_space<vmem>> -> memref<40x128xf32, #tpu.memory_space<vmem>>
    %dma_start3A_36 = arith.constant 4960 : i32
    %dma_start3A_37 = tpu.memref_slice %arg8[%dma_start3A_36] : memref<5000xi32, #tpu.memory_space<vmem>> -> memref<40xi32, #tpu.memory_space<vmem>>
    %dma_start3A_38 = arith.constant 0 : i32
    %dma_start3A_39 = arith.constant 0 : i32
    %dma_start3A_40 = tpu.memref_slice %arg2[%dma_start3A_38, %dma_start3A_39] : memref<10000x128xf32, #tpu.memory_space<hbm>> -> memref<10000x128xf32, #tpu.memory_space<hbm>>
    tpu.enqueue_indirect_dma source(%dma_start3A_40 : memref<10000x128xf32, #tpu.memory_space<hbm>>) target(%dma_start3A_35 : memref<40x128xf32, #tpu.memory_space<vmem>>) offsets(%dma_start3A_37 : memref<40xi32, #tpu.memory_space<vmem>>) semaphore(%arg14 : memref<!tpu.dma_semaphore, #tpu.memory_space<semaphore_mem>>)
    %dma_start3A_41 = arith.constant 0 : i32
    %dma_start3A_42 = arith.constant 0 : i32
    %dma_start3A_43 = tpu.memref_slice %arg12[%dma_start3A_41, %dma_start3A_42] : memref<80x128xi32, #tpu.memory_space<vmem>> -> memref<40x128xi32, #tpu.memory_space<vmem>>
    %dma_start3A_44 = arith.constant 4960 : i32
    %dma_start3A_45 = tpu.memref_slice %arg9[%dma_start3A_44] : memref<5000xi32, #tpu.memory_space<vmem>> -> memref<40xi32, #tpu.memory_space<vmem>>
    %dma_start3A_46 = arith.constant 0 : i32
    %dma_start3A_47 = arith.constant 0 : i32
    %dma_start3A_48 = tpu.memref_slice %arg3[%dma_start3A_46, %dma_start3A_47] : memref<10000x128xi32, #tpu.memory_space<hbm>> -> memref<10000x128xi32, #tpu.memory_space<hbm>>
    tpu.enqueue_indirect_dma source(%dma_start3A_48 : memref<10000x128xi32, #tpu.memory_space<hbm>>) target(%dma_start3A_43 : memref<40x128xi32, #tpu.memory_space<vmem>>) offsets(%dma_start3A_45 : memref<40xi32, #tpu.memory_space<vmem>>) semaphore(%arg14 : memref<!tpu.dma_semaphore, #tpu.memory_space<semaphore_mem>>)
    %dma_wait3A_49 = arith.constant 0 : i32
    %dma_wait3A_50 = arith.constant 0 : i32
    %dma_wait3A_51 = tpu.memref_slice %arg10[%dma_wait3A_49, %dma_wait3A_50] : memref<80x128xf32, #tpu.memory_space<vmem>> -> memref<40x128xf32, #tpu.memory_space<vmem>>
    %dma_wait3A_52 = arith.constant 0 : i32
    %dma_wait3A_53 = arith.constant 0 : i32
    %dma_wait3A_54 = tpu.memref_slice %arg2[%dma_wait3A_52, %dma_wait3A_53] : memref<10000x128xf32, #tpu.memory_space<hbm>> -> memref<40x128xf32, #tpu.memory_space<hbm>>
    %dma_wait3A_55 = arith.constant 0 : i32
    %dma_wait3A_56 = arith.constant 0 : i32
    %dma_wait3A_57 = tpu.memref_slice %arg10[%dma_wait3A_55, %dma_wait3A_56] : memref<80x128xf32, #tpu.memory_space<vmem>> -> memref<40x128xf32, #tpu.memory_space<vmem>>
    %dma_wait3A_58 = arith.constant 0 : i32
    %dma_wait3A_59 = arith.constant 0 : i32
    %dma_wait3A_60 = tpu.memref_slice %arg2[%dma_wait3A_58, %dma_wait3A_59] : memref<10000x128xf32, #tpu.memory_space<hbm>> -> memref<40x128xf32, #tpu.memory_space<hbm>>
    tpu.wait_dma2 semaphore(%arg14 : memref<!tpu.dma_semaphore, #tpu.memory_space<semaphore_mem>>) src(%dma_wait3A_60 : memref<40x128xf32, #tpu.memory_space<hbm>>) dst(%dma_wait3A_57 : memref<40x128xf32, #tpu.memory_space<vmem>>)
    %dma_wait3A_61 = arith.constant 0 : i32
    %dma_wait3A_62 = arith.constant 0 : i32
    %dma_wait3A_63 = tpu.memref_slice %arg12[%dma_wait3A_61, %dma_wait3A_62] : memref<80x128xi32, #tpu.memory_space<vmem>> -> memref<40x128xi32, #tpu.memory_space<vmem>>
    %dma_wait3A_64 = arith.constant 0 : i32
    %dma_wait3A_65 = arith.constant 0 : i32
    %dma_wait3A_66 = tpu.memref_slice %arg3[%dma_wait3A_64, %dma_wait3A_65] : memref<10000x128xi32, #tpu.memory_space<hbm>> -> memref<40x128xi32, #tpu.memory_space<hbm>>
    %dma_wait3A_67 = arith.constant 0 : i32
    %dma_wait3A_68 = arith.constant 0 : i32
    %dma_wait3A_69 = tpu.memref_slice %arg12[%dma_wait3A_67, %dma_wait3A_68] : memref<80x128xi32, #tpu.memory_space<vmem>> -> memref<40x128xi32, #tpu.memory_space<vmem>>
    %dma_wait3A_70 = arith.constant 0 : i32
    %dma_wait3A_71 = arith.constant 0 : i32
    %dma_wait3A_72 = tpu.memref_slice %arg3[%dma_wait3A_70, %dma_wait3A_71] : memref<10000x128xi32, #tpu.memory_space<hbm>> -> memref<40x128xi32, #tpu.memory_space<hbm>>
    tpu.wait_dma2 semaphore(%arg14 : memref<!tpu.dma_semaphore, #tpu.memory_space<semaphore_mem>>) src(%dma_wait3A_72 : memref<40x128xi32, #tpu.memory_space<hbm>>) dst(%dma_wait3A_69 : memref<40x128xi32, #tpu.memory_space<vmem>>)
    %add3A_73 = arith.constant 4960 : i32
    %add3A_74 = arith.addi %mul3A_2, %add3A_73 : i32
    "tpu.region"() ({
      %run_scoped3A = tpu.sem_alloc : memref<!tpu.dma_semaphore, #tpu.memory_space<semaphore_mem>>
      %dma_start3A_77 = arith.constant 0 : i32
      %dma_start3A_78 = arith.constant 0 : i32
      %dma_start3A_79 = tpu.memref_slice %arg10[%dma_start3A_77, %dma_start3A_78] : memref<80x128xf32, #tpu.memory_space<vmem>> -> memref<40x128xf32, #tpu.memory_space<vmem>>
      %dma_start3A_80 = arith.constant 0 : i32
      %dma_start3A_81 = tpu.memref_slice %arg6[%add3A_74, %dma_start3A_80] : memref<160000x128xf32, #tpu.memory_space<hbm>> -> memref<40x128xf32, #tpu.memory_space<hbm>>
      %dma_start3A_82 = arith.constant 0 : i32
      %dma_start3A_83 = tpu.memref_slice %arg6[%add3A_74, %dma_start3A_82] : memref<160000x128xf32, #tpu.memory_space<hbm>> -> memref<40x128xf32, #tpu.memory_space<hbm>>
      %dma_start3A_84 = arith.constant 0 : i32
      %dma_start3A_85 = arith.constant 0 : i32
      %dma_start3A_86 = tpu.memref_slice %arg10[%dma_start3A_84, %dma_start3A_85] : memref<80x128xf32, #tpu.memory_space<vmem>> -> memref<40x128xf32, #tpu.memory_space<vmem>>
      tpu.enqueue_dma source(%dma_start3A_86 : memref<40x128xf32, #tpu.memory_space<vmem>>) target(%dma_start3A_83 : memref<40x128xf32, #tpu.memory_space<hbm>>) target_semaphore(%run_scoped3A : memref<!tpu.dma_semaphore, #tpu.memory_space<semaphore_mem>>)
      %dma_wait3A_87 = arith.constant 0 : i32
      %dma_wait3A_88 = arith.constant 0 : i32
      %dma_wait3A_89 = tpu.memref_slice %arg10[%dma_wait3A_87, %dma_wait3A_88] : memref<80x128xf32, #tpu.memory_space<vmem>> -> memref<40x128xf32, #tpu.memory_space<vmem>>
      %dma_wait3A_90 = arith.constant 0 : i32
      %dma_wait3A_91 = tpu.memref_slice %arg6[%add3A_74, %dma_wait3A_90] : memref<160000x128xf32, #tpu.memory_space<hbm>> -> memref<40x128xf32, #tpu.memory_space<hbm>>
      %dma_wait3A_92 = arith.constant 0 : i32
      %dma_wait3A_93 = tpu.memref_slice %arg6[%add3A_74, %dma_wait3A_92] : memref<160000x128xf32, #tpu.memory_space<hbm>> -> memref<40x128xf32, #tpu.memory_space<hbm>>
      %dma_wait3A_94 = arith.constant 0 : i32
      %dma_wait3A_95 = arith.constant 0 : i32
      %dma_wait3A_96 = tpu.memref_slice %arg10[%dma_wait3A_94, %dma_wait3A_95] : memref<80x128xf32, #tpu.memory_space<vmem>> -> memref<40x128xf32, #tpu.memory_space<vmem>>
      tpu.wait_dma2 semaphore(%run_scoped3A : memref<!tpu.dma_semaphore, #tpu.memory_space<semaphore_mem>>) src(%dma_wait3A_96 : memref<40x128xf32, #tpu.memory_space<vmem>>) dst(%dma_wait3A_93 : memref<40x128xf32, #tpu.memory_space<hbm>>)
      tpu.yield
    }) : () -> ()
    %add3A_75 = arith.constant 4960 : i32
    %add3A_76 = arith.addi %mul3A_2, %add3A_75 : i32
    "tpu.region"() ({
      %run_scoped3A = tpu.sem_alloc : memref<!tpu.dma_semaphore, #tpu.memory_space<semaphore_mem>>
      %dma_start3A_77 = arith.constant 0 : i32
      %dma_start3A_78 = arith.constant 0 : i32
      %dma_start3A_79 = tpu.memref_slice %arg12[%dma_start3A_77, %dma_start3A_78] : memref<80x128xi32, #tpu.memory_space<vmem>> -> memref<40x128xi32, #tpu.memory_space<vmem>>
      %dma_start3A_80 = arith.constant 0 : i32
      %dma_start3A_81 = tpu.memref_slice %arg7[%add3A_76, %dma_start3A_80] : memref<160000x128xi32, #tpu.memory_space<hbm>> -> memref<40x128xi32, #tpu.memory_space<hbm>>
      %dma_start3A_82 = arith.constant 0 : i32
      %dma_start3A_83 = tpu.memref_slice %arg7[%add3A_76, %dma_start3A_82] : memref<160000x128xi32, #tpu.memory_space<hbm>> -> memref<40x128xi32, #tpu.memory_space<hbm>>
      %dma_start3A_84 = arith.constant 0 : i32
      %dma_start3A_85 = arith.constant 0 : i32
      %dma_start3A_86 = tpu.memref_slice %arg12[%dma_start3A_84, %dma_start3A_85] : memref<80x128xi32, #tpu.memory_space<vmem>> -> memref<40x128xi32, #tpu.memory_space<vmem>>
      tpu.enqueue_dma source(%dma_start3A_86 : memref<40x128xi32, #tpu.memory_space<vmem>>) target(%dma_start3A_83 : memref<40x128xi32, #tpu.memory_space<hbm>>) target_semaphore(%run_scoped3A : memref<!tpu.dma_semaphore, #tpu.memory_space<semaphore_mem>>)
      %dma_wait3A_87 = arith.constant 0 : i32
      %dma_wait3A_88 = arith.constant 0 : i32
      %dma_wait3A_89 = tpu.memref_slice %arg12[%dma_wait3A_87, %dma_wait3A_88] : memref<80x128xi32, #tpu.memory_space<vmem>> -> memref<40x128xi32, #tpu.memory_space<vmem>>
      %dma_wait3A_90 = arith.constant 0 : i32
      %dma_wait3A_91 = tpu.memref_slice %arg7[%add3A_76, %dma_wait3A_90] : memref<160000x128xi32, #tpu.memory_space<hbm>> -> memref<40x128xi32, #tpu.memory_space<hbm>>
      %dma_wait3A_92 = arith.constant 0 : i32
      %dma_wait3A_93 = tpu.memref_slice %arg7[%add3A_76, %dma_wait3A_92] : memref<160000x128xi32, #tpu.memory_space<hbm>> -> memref<40x128xi32, #tpu.memory_space<hbm>>
      %dma_wait3A_94 = arith.constant 0 : i32
      %dma_wait3A_95 = arith.constant 0 : i32
      %dma_wait3A_96 = tpu.memref_slice %arg12[%dma_wait3A_94, %dma_wait3A_95] : memref<80x128xi32, #tpu.memory_space<vmem>> -> memref<40x128xi32, #tpu.memory_space<vmem>>
      tpu.wait_dma2 semaphore(%run_scoped3A : memref<!tpu.dma_semaphore, #tpu.memory_space<semaphore_mem>>) src(%dma_wait3A_96 : memref<40x128xi32, #tpu.memory_space<vmem>>) dst(%dma_wait3A_93 : memref<40x128xi32, #tpu.memory_space<hbm>>)
      tpu.yield
    }) : () -> ()
    return
  }
}

#map = affine_map<(d0, d1) -> (0, 0)>
#map1 = affine_map<(d0, d1) -> (0, 0, 0)>
module attributes {stable_mosaic.version = 14 : i64} {
  func.func @kern(%arg0: i32, %arg1: i32, %arg2: memref<160000x128xf32, #tpu.memory_space<hbm>>, %arg3: memref<160000x16xf32, #tpu.memory_space<hbm>>, %arg4: memref<32x125x40xi32, #tpu.memory_space<hbm>>, %arg5: memref<2x10000x128xf32, #tpu.memory_space<hbm>>, %arg6: memref<2x10000x16xf32, #tpu.memory_space<hbm>>, %arg7: memref<10000x128xf32, #tpu.memory_space<vmem_shared>>, %arg8: memref<10000x16xf32, #tpu.memory_space<vmem_shared>>, %arg9: memref<125x128xf32, #tpu.memory_space<vmem>>, %arg10: memref<125x16xf32, #tpu.memory_space<vmem>>, %arg11: memref<125x40xi32, #tpu.memory_space<vmem>>, %arg12: memref<40x128xf32, #tpu.memory_space<vmem>>, %arg13: memref<40x128xf32, #tpu.memory_space<vmem>>, %arg14: memref<40x16xf32, #tpu.memory_space<vmem>>, %arg15: memref<40x16xf32, #tpu.memory_space<vmem>>, %arg16: memref<!tpu.dma_semaphore, #tpu.memory_space<semaphore_mem>>, %arg17: memref<!tpu.dma_semaphore, #tpu.memory_space<semaphore_mem>>) attributes {dimension_semantics = [#tpu.dimension_semantics<core_parallel>, #tpu.dimension_semantics<subcore_parallel>], iteration_bounds = array<i64: 2, 16>, scalar_prefetch = 0 : i64, scratch_operands = 11 : i64, tpu.core_type = #tpu.core_type<sc_vector_subcore>, window_params = [{transform_indices = #map}, {transform_indices = #map}, {transform_indices = #map1}, {transform_indices = #map1}, {transform_indices = #map1}]} {
    %mul3A = arith.constant 16 : i32
    %mul3A_0 = arith.muli %arg0, %mul3A : i32
    %add3A = arith.addi %mul3A_0, %arg1 : i32
    %dma_start3A = arith.constant 0 : i32
    %dma_start3A_1 = arith.constant 0 : i32
    %dma_start3A_2 = tpu.memref_slice %arg4[%add3A, %dma_start3A, %dma_start3A_1] : memref<32x125x40xi32, #tpu.memory_space<hbm>> -> memref<1x125x40xi32, #tpu.memory_space<hbm>>
    %dma_start3A_3 = tpu.memref_squeeze %dma_start3A_2 : memref<1x125x40xi32, #tpu.memory_space<hbm>> -> memref<125x40xi32, #tpu.memory_space<hbm>>
    %dma_start3A_4 = arith.constant 0 : i32
    %dma_start3A_5 = arith.constant 0 : i32
    %dma_start3A_6 = tpu.memref_slice %arg4[%add3A, %dma_start3A_4, %dma_start3A_5] : memref<32x125x40xi32, #tpu.memory_space<hbm>> -> memref<1x125x40xi32, #tpu.memory_space<hbm>>
    %dma_start3A_7 = tpu.memref_squeeze %dma_start3A_6 : memref<1x125x40xi32, #tpu.memory_space<hbm>> -> memref<125x40xi32, #tpu.memory_space<hbm>>
    tpu.enqueue_dma source(%dma_start3A_7 : memref<125x40xi32, #tpu.memory_space<hbm>>) target(%arg11 : memref<125x40xi32, #tpu.memory_space<vmem>>) target_semaphore(%arg16 : memref<!tpu.dma_semaphore, #tpu.memory_space<semaphore_mem>>)
    %dma_wait3A = arith.constant 0 : i32
    %dma_wait3A_8 = arith.constant 0 : i32
    %dma_wait3A_9 = tpu.memref_slice %arg4[%add3A, %dma_wait3A, %dma_wait3A_8] : memref<32x125x40xi32, #tpu.memory_space<hbm>> -> memref<1x125x40xi32, #tpu.memory_space<hbm>>
    %dma_wait3A_10 = tpu.memref_squeeze %dma_wait3A_9 : memref<1x125x40xi32, #tpu.memory_space<hbm>> -> memref<125x40xi32, #tpu.memory_space<hbm>>
    %dma_wait3A_11 = arith.constant 0 : i32
    %dma_wait3A_12 = arith.constant 0 : i32
    %dma_wait3A_13 = tpu.memref_slice %arg4[%add3A, %dma_wait3A_11, %dma_wait3A_12] : memref<32x125x40xi32, #tpu.memory_space<hbm>> -> memref<1x125x40xi32, #tpu.memory_space<hbm>>
    %dma_wait3A_14 = tpu.memref_squeeze %dma_wait3A_13 : memref<1x125x40xi32, #tpu.memory_space<hbm>> -> memref<125x40xi32, #tpu.memory_space<hbm>>
    tpu.wait_dma2 semaphore(%arg16 : memref<!tpu.dma_semaphore, #tpu.memory_space<semaphore_mem>>) src(%dma_wait3A_14 : memref<125x40xi32, #tpu.memory_space<hbm>>) dst(%arg11 : memref<125x40xi32, #tpu.memory_space<vmem>>)
    %scan3A = arith.constant 0 : i32
    %scan3A_15 = arith.constant 125 : i32
    %scan3A_16 = arith.addi %scan3A, %scan3A_15 : i32
    %scan3A_17 = arith.constant 1 : i32
    scf.for %scan3A_70 = %scan3A to %scan3A_16 step %scan3A_17  : i32 {
      %mul3A_71 = arith.constant 1 : i32
      %mul3A_72 = arith.muli %scan3A_70, %mul3A_71 : i32
      %add3A_73 = arith.constant 0 : i32
      %add3A_74 = arith.addi %add3A_73, %mul3A_72 : i32
      %scan3A_75 = arith.constant 0 : i32
      %scan3A_76 = arith.constant 8 : i32
      %scan3A_77 = arith.addi %scan3A_75, %scan3A_76 : i32
      %scan3A_78 = arith.constant 1 : i32
      scf.for %scan3A_85 = %scan3A_75 to %scan3A_77 step %scan3A_78  : i32 {
        %mul3A_86 = arith.constant 1 : i32
        %mul3A_87 = arith.muli %scan3A_85, %mul3A_86 : i32
        %add3A_88 = arith.constant 0 : i32
        %add3A_89 = arith.addi %add3A_88, %mul3A_87 : i32
        %broadcast_in_dim3A_90 = arith.constant 0.000000e+00 : f32
        %broadcast_in_dim3A_91 = vector.broadcast %broadcast_in_dim3A_90 : f32 to vector<16xf32>
        %mul3A_92 = arith.constant 16 : i32
        %mul3A_93 = arith.muli %add3A_89, %mul3A_92 : i32
        %swap3A_94 = arith.index_cast %add3A_74 : i32 to index
        %swap3A_95 = arith.index_cast %mul3A_93 : i32 to index
        %swap3A_96 = tpu.vector_load %arg9[%swap3A_94, %swap3A_95] {strides = array<i32>} : memref<125x128xf32, #tpu.memory_space<vmem>>, vector<1x16xf32>,
        %swap3A_97 = vector.shape_cast %swap3A_96 : vector<1x16xf32> to vector<16xf32>
        %swap3A_98 = vector.shape_cast %broadcast_in_dim3A_91 : vector<16xf32> to vector<1x16xf32>
        tpu.vector_store %arg9[%swap3A_94, %swap3A_95], %swap3A_98 {strides = array<i32>} : memref<125x128xf32, #tpu.memory_space<vmem>>, vector<1x16xf32>,
      }
      %scan3A_79 = arith.constant 8 : i32
      %broadcast_in_dim3A = arith.constant 0.000000e+00 : f32
      %broadcast_in_dim3A_80 = vector.broadcast %broadcast_in_dim3A : f32 to vector<16xf32>
      %swap3A = arith.index_cast %add3A_74 : i32 to index
      %swap3A_81 = arith.constant 0 : index
      %swap3A_82 = tpu.vector_load %arg10[%swap3A, %swap3A_81] {strides = array<i32>} : memref<125x16xf32, #tpu.memory_space<vmem>>, vector<1x16xf32>,
      %swap3A_83 = vector.shape_cast %swap3A_82 : vector<1x16xf32> to vector<16xf32>
      %swap3A_84 = vector.shape_cast %broadcast_in_dim3A_80 : vector<16xf32> to vector<1x16xf32>
      tpu.vector_store %arg10[%swap3A, %swap3A_81], %swap3A_84 {strides = array<i32>} : memref<125x16xf32, #tpu.memory_space<vmem>>, vector<1x16xf32>,
    }
    %scan3A_18 = arith.constant 125 : i32
    %scan3A_19 = arith.constant 0 : i32
    %scan3A_20 = arith.constant 5 : i32
    %scan3A_21 = arith.addi %scan3A_19, %scan3A_20 : i32
    %scan3A_22 = arith.constant 1 : i32
    scf.for %scan3A_70 = %scan3A_19 to %scan3A_21 step %scan3A_22  : i32 {
      %mul3A_71 = arith.constant 1 : i32
      %mul3A_72 = arith.muli %scan3A_70, %mul3A_71 : i32
      %add3A_73 = arith.constant 0 : i32
      %add3A_74 = arith.addi %add3A_73, %mul3A_72 : i32
      %mul3A_75 = arith.constant 625 : i32
      %mul3A_76 = arith.muli %arg1, %mul3A_75 : i32
      %mul3A_77 = arith.constant 125 : i32
      %mul3A_78 = arith.muli %add3A_74, %mul3A_77 : i32
      %add3A_79 = arith.addi %mul3A_76, %mul3A_78 : i32
      "tpu.region"() ({
        %run_scoped3A_80 = tpu.sem_alloc : memref<!tpu.dma_semaphore, #tpu.memory_space<semaphore_mem>>
        %dma_start3A_81 = arith.constant 0 : i32
        %dma_start3A_82 = tpu.memref_slice %arg7[%add3A_79, %dma_start3A_81] : memref<10000x128xf32, #tpu.memory_space<vmem_shared>> -> memref<125x128xf32, #tpu.memory_space<vmem_shared>>
        %dma_start3A_83 = arith.constant 0 : i32
        %dma_start3A_84 = tpu.memref_slice %arg7[%add3A_79, %dma_start3A_83] : memref<10000x128xf32, #tpu.memory_space<vmem_shared>> -> memref<125x128xf32, #tpu.memory_space<vmem_shared>>
        tpu.enqueue_dma source(%arg9 : memref<125x128xf32, #tpu.memory_space<vmem>>) target(%dma_start3A_84 : memref<125x128xf32, #tpu.memory_space<vmem_shared>>) target_semaphore(%run_scoped3A_80 : memref<!tpu.dma_semaphore, #tpu.memory_space<semaphore_mem>>)
        %dma_wait3A_85 = arith.constant 0 : i32
        %dma_wait3A_86 = tpu.memref_slice %arg7[%add3A_79, %dma_wait3A_85] : memref<10000x128xf32, #tpu.memory_space<vmem_shared>> -> memref<125x128xf32, #tpu.memory_space<vmem_shared>>
        %dma_wait3A_87 = arith.constant 0 : i32
        %dma_wait3A_88 = tpu.memref_slice %arg7[%add3A_79, %dma_wait3A_87] : memref<10000x128xf32, #tpu.memory_space<vmem_shared>> -> memref<125x128xf32, #tpu.memory_space<vmem_shared>>
        tpu.wait_dma2 semaphore(%run_scoped3A_80 : memref<!tpu.dma_semaphore, #tpu.memory_space<semaphore_mem>>) src(%arg9 : memref<125x128xf32, #tpu.memory_space<vmem>>) dst(%dma_wait3A_88 : memref<125x128xf32, #tpu.memory_space<vmem_shared>>)
        tpu.yield
      }) : () -> ()
      "tpu.region"() ({
        %run_scoped3A_80 = tpu.sem_alloc : memref<!tpu.dma_semaphore, #tpu.memory_space<semaphore_mem>>
        %dma_start3A_81 = arith.constant 0 : i32
        %dma_start3A_82 = tpu.memref_slice %arg8[%add3A_79, %dma_start3A_81] : memref<10000x16xf32, #tpu.memory_space<vmem_shared>> -> memref<125x16xf32, #tpu.memory_space<vmem_shared>>
        %dma_start3A_83 = arith.constant 0 : i32
        %dma_start3A_84 = tpu.memref_slice %arg8[%add3A_79, %dma_start3A_83] : memref<10000x16xf32, #tpu.memory_space<vmem_shared>> -> memref<125x16xf32, #tpu.memory_space<vmem_shared>>
        tpu.enqueue_dma source(%arg10 : memref<125x16xf32, #tpu.memory_space<vmem>>) target(%dma_start3A_84 : memref<125x16xf32, #tpu.memory_space<vmem_shared>>) target_semaphore(%run_scoped3A_80 : memref<!tpu.dma_semaphore, #tpu.memory_space<semaphore_mem>>)
        %dma_wait3A_85 = arith.constant 0 : i32
        %dma_wait3A_86 = tpu.memref_slice %arg8[%add3A_79, %dma_wait3A_85] : memref<10000x16xf32, #tpu.memory_space<vmem_shared>> -> memref<125x16xf32, #tpu.memory_space<vmem_shared>>
        %dma_wait3A_87 = arith.constant 0 : i32
        %dma_wait3A_88 = tpu.memref_slice %arg8[%add3A_79, %dma_wait3A_87] : memref<10000x16xf32, #tpu.memory_space<vmem_shared>> -> memref<125x16xf32, #tpu.memory_space<vmem_shared>>
        tpu.wait_dma2 semaphore(%run_scoped3A_80 : memref<!tpu.dma_semaphore, #tpu.memory_space<semaphore_mem>>) src(%arg10 : memref<125x16xf32, #tpu.memory_space<vmem>>) dst(%dma_wait3A_88 : memref<125x16xf32, #tpu.memory_space<vmem_shared>>)
        tpu.yield
      }) : () -> ()
    }
    %scan3A_23 = arith.constant 5 : i32
    %barrier3A = arith.constant 0 : index
    tpu.barrier barrier_id(%barrier3A)
    %mul3A_24 = arith.constant 5000 : i32
    %mul3A_25 = arith.muli %add3A, %mul3A_24 : i32
    %add3A_26 = arith.constant 0 : i32
    %add3A_27 = arith.addi %mul3A_25, %add3A_26 : i32
    %dma_start3A_28 = arith.constant 0 : i32
    %dma_start3A_29 = tpu.memref_slice %arg2[%add3A_27, %dma_start3A_28] : memref<160000x128xf32, #tpu.memory_space<hbm>> -> memref<40x128xf32, #tpu.memory_space<hbm>>
    %dma_start3A_30 = arith.constant 0 : i32
    %dma_start3A_31 = tpu.memref_slice %arg2[%add3A_27, %dma_start3A_30] : memref<160000x128xf32, #tpu.memory_space<hbm>> -> memref<40x128xf32, #tpu.memory_space<hbm>>
    tpu.enqueue_dma source(%dma_start3A_31 : memref<40x128xf32, #tpu.memory_space<hbm>>) target(%arg12 : memref<40x128xf32, #tpu.memory_space<vmem>>) target_semaphore(%arg16 : memref<!tpu.dma_semaphore, #tpu.memory_space<semaphore_mem>>)
    %dma_start3A_32 = arith.constant 0 : i32
    %dma_start3A_33 = tpu.memref_slice %arg3[%add3A_27, %dma_start3A_32] : memref<160000x16xf32, #tpu.memory_space<hbm>> -> memref<40x16xf32, #tpu.memory_space<hbm>>
    %dma_start3A_34 = arith.constant 0 : i32
    %dma_start3A_35 = tpu.memref_slice %arg3[%add3A_27, %dma_start3A_34] : memref<160000x16xf32, #tpu.memory_space<hbm>> -> memref<40x16xf32, #tpu.memory_space<hbm>>
    tpu.enqueue_dma source(%dma_start3A_35 : memref<40x16xf32, #tpu.memory_space<hbm>>) target(%arg14 : memref<40x16xf32, #tpu.memory_space<vmem>>) target_semaphore(%arg16 : memref<!tpu.dma_semaphore, #tpu.memory_space<semaphore_mem>>)
    %add3A_36 = arith.constant 40 : i32
    %add3A_37 = arith.addi %mul3A_25, %add3A_36 : i32
    %dma_start3A_38 = arith.constant 0 : i32
    %dma_start3A_39 = tpu.memref_slice %arg2[%add3A_37, %dma_start3A_38] : memref<160000x128xf32, #tpu.memory_space<hbm>> -> memref<40x128xf32, #tpu.memory_space<hbm>>
    %dma_start3A_40 = arith.constant 0 : i32
    %dma_start3A_41 = tpu.memref_slice %arg2[%add3A_37, %dma_start3A_40] : memref<160000x128xf32, #tpu.memory_space<hbm>> -> memref<40x128xf32, #tpu.memory_space<hbm>>
    tpu.enqueue_dma source(%dma_start3A_41 : memref<40x128xf32, #tpu.memory_space<hbm>>) target(%arg13 : memref<40x128xf32, #tpu.memory_space<vmem>>) target_semaphore(%arg17 : memref<!tpu.dma_semaphore, #tpu.memory_space<semaphore_mem>>)
    %dma_start3A_42 = arith.constant 0 : i32
    %dma_start3A_43 = tpu.memref_slice %arg3[%add3A_37, %dma_start3A_42] : memref<160000x16xf32, #tpu.memory_space<hbm>> -> memref<40x16xf32, #tpu.memory_space<hbm>>
    %dma_start3A_44 = arith.constant 0 : i32
    %dma_start3A_45 = tpu.memref_slice %arg3[%add3A_37, %dma_start3A_44] : memref<160000x16xf32, #tpu.memory_space<hbm>> -> memref<40x16xf32, #tpu.memory_space<hbm>>
    tpu.enqueue_dma source(%dma_start3A_45 : memref<40x16xf32, #tpu.memory_space<hbm>>) target(%arg15 : memref<40x16xf32, #tpu.memory_space<vmem>>) target_semaphore(%arg17 : memref<!tpu.dma_semaphore, #tpu.memory_space<semaphore_mem>>)
    %scan3A_46 = arith.constant 0 : i32
    %scan3A_47 = arith.constant 62 : i32
    %scan3A_48 = arith.addi %scan3A_46, %scan3A_47 : i32
    %scan3A_49 = arith.constant 1 : i32
    scf.for %scan3A_70 = %scan3A_46 to %scan3A_48 step %scan3A_49  : i32 {
      %mul3A_71 = arith.constant 1 : i32
      %mul3A_72 = arith.muli %scan3A_70, %mul3A_71 : i32
      %add3A_73 = arith.constant 0 : i32
      %add3A_74 = arith.addi %add3A_73, %mul3A_72 : i32
      %mul3A_75 = arith.constant 2 : i32
      %mul3A_76 = arith.muli %add3A_74, %mul3A_75 : i32
      %dma_wait3A_77 = arith.constant 0 : i32
      %dma_wait3A_78 = arith.constant 0 : i32
      %dma_wait3A_79 = tpu.memref_slice %arg2[%dma_wait3A_77, %dma_wait3A_78] : memref<160000x128xf32, #tpu.memory_space<hbm>> -> memref<40x128xf32, #tpu.memory_space<hbm>>
      %dma_wait3A_80 = arith.constant 0 : i32
      %dma_wait3A_81 = arith.constant 0 : i32
      %dma_wait3A_82 = tpu.memref_slice %arg2[%dma_wait3A_80, %dma_wait3A_81] : memref<160000x128xf32, #tpu.memory_space<hbm>> -> memref<40x128xf32, #tpu.memory_space<hbm>>
      tpu.wait_dma2 semaphore(%arg16 : memref<!tpu.dma_semaphore, #tpu.memory_space<semaphore_mem>>) src(%dma_wait3A_82 : memref<40x128xf32, #tpu.memory_space<hbm>>) dst(%arg12 : memref<40x128xf32, #tpu.memory_space<vmem>>)
      %dma_wait3A_83 = arith.constant 0 : i32
      %dma_wait3A_84 = arith.constant 0 : i32
      %dma_wait3A_85 = tpu.memref_slice %arg3[%dma_wait3A_83, %dma_wait3A_84] : memref<160000x16xf32, #tpu.memory_space<hbm>> -> memref<40x16xf32, #tpu.memory_space<hbm>>
      %dma_wait3A_86 = arith.constant 0 : i32
      %dma_wait3A_87 = arith.constant 0 : i32
      %dma_wait3A_88 = tpu.memref_slice %arg3[%dma_wait3A_86, %dma_wait3A_87] : memref<160000x16xf32, #tpu.memory_space<hbm>> -> memref<40x16xf32, #tpu.memory_space<hbm>>
      tpu.wait_dma2 semaphore(%arg16 : memref<!tpu.dma_semaphore, #tpu.memory_space<semaphore_mem>>) src(%dma_wait3A_88 : memref<40x16xf32, #tpu.memory_space<hbm>>) dst(%arg14 : memref<40x16xf32, #tpu.memory_space<vmem>>)
      "tpu.region"() ({
        %run_scoped3A_120 = tpu.sem_alloc : memref<!tpu.dma_semaphore, #tpu.memory_space<semaphore_mem>>
        %dma_start3A_121 = arith.constant 0 : i32
        %dma_start3A_122 = tpu.memref_slice %arg11[%mul3A_76, %dma_start3A_121] : memref<125x40xi32, #tpu.memory_space<vmem>> -> memref<1x40xi32, #tpu.memory_space<vmem>>
        %dma_start3A_123 = tpu.memref_squeeze %dma_start3A_122 : memref<1x40xi32, #tpu.memory_space<vmem>> -> memref<40xi32, #tpu.memory_space<vmem>>
        %dma_start3A_124 = arith.constant 0 : i32
        %dma_start3A_125 = arith.constant 0 : i32
        %dma_start3A_126 = tpu.memref_slice %arg7[%dma_start3A_124, %dma_start3A_125] : memref<10000x128xf32, #tpu.memory_space<vmem_shared>> -> memref<10000x128xf32, #tpu.memory_space<vmem_shared>>
        tpu.enqueue_indirect_dma source(%arg12 : memref<40x128xf32, #tpu.memory_space<vmem>>) target(%dma_start3A_126 : memref<10000x128xf32, #tpu.memory_space<vmem_shared>>) offsets(%dma_start3A_123 : memref<40xi32, #tpu.memory_space<vmem>>) semaphore(%run_scoped3A_120 : memref<!tpu.dma_semaphore, #tpu.memory_space<semaphore_mem>>) {add = true}
        %dma_wait3A_127 = arith.constant 0 : i32
        %dma_wait3A_128 = tpu.memref_slice %arg11[%mul3A_76, %dma_wait3A_127] : memref<125x40xi32, #tpu.memory_space<vmem>> -> memref<1x40xi32, #tpu.memory_space<vmem>>
        %dma_wait3A_129 = tpu.memref_squeeze %dma_wait3A_128 : memref<1x40xi32, #tpu.memory_space<vmem>> -> memref<40xi32, #tpu.memory_space<vmem>>
        %dma_wait3A_130 = arith.constant 0 : i32
        %dma_wait3A_131 = arith.constant 0 : i32
        %dma_wait3A_132 = tpu.memref_slice %arg7[%dma_wait3A_130, %dma_wait3A_131] : memref<10000x128xf32, #tpu.memory_space<vmem_shared>> -> memref<10000x128xf32, #tpu.memory_space<vmem_shared>>
        tpu.wait_indirect_dma semaphore(%run_scoped3A_120 : memref<!tpu.dma_semaphore, #tpu.memory_space<semaphore_mem>>) src(%arg12 : memref<40x128xf32, #tpu.memory_space<vmem>>) dst(%dma_wait3A_132 : memref<10000x128xf32, #tpu.memory_space<vmem_shared>>)
        tpu.yield
      }) : () -> ()
      "tpu.region"() ({
        %run_scoped3A_120 = tpu.sem_alloc : memref<!tpu.dma_semaphore, #tpu.memory_space<semaphore_mem>>
        %dma_start3A_121 = arith.constant 0 : i32
        %dma_start3A_122 = tpu.memref_slice %arg11[%mul3A_76, %dma_start3A_121] : memref<125x40xi32, #tpu.memory_space<vmem>> -> memref<1x40xi32, #tpu.memory_space<vmem>>
        %dma_start3A_123 = tpu.memref_squeeze %dma_start3A_122 : memref<1x40xi32, #tpu.memory_space<vmem>> -> memref<40xi32, #tpu.memory_space<vmem>>
        %dma_start3A_124 = arith.constant 0 : i32
        %dma_start3A_125 = arith.constant 0 : i32
        %dma_start3A_126 = tpu.memref_slice %arg8[%dma_start3A_124, %dma_start3A_125] : memref<10000x16xf32, #tpu.memory_space<vmem_shared>> -> memref<10000x16xf32, #tpu.memory_space<vmem_shared>>
        tpu.enqueue_indirect_dma source(%arg14 : memref<40x16xf32, #tpu.memory_space<vmem>>) target(%dma_start3A_126 : memref<10000x16xf32, #tpu.memory_space<vmem_shared>>) offsets(%dma_start3A_123 : memref<40xi32, #tpu.memory_space<vmem>>) semaphore(%run_scoped3A_120 : memref<!tpu.dma_semaphore, #tpu.memory_space<semaphore_mem>>) {add = true}
        %dma_wait3A_127 = arith.constant 0 : i32
        %dma_wait3A_128 = tpu.memref_slice %arg11[%mul3A_76, %dma_wait3A_127] : memref<125x40xi32, #tpu.memory_space<vmem>> -> memref<1x40xi32, #tpu.memory_space<vmem>>
        %dma_wait3A_129 = tpu.memref_squeeze %dma_wait3A_128 : memref<1x40xi32, #tpu.memory_space<vmem>> -> memref<40xi32, #tpu.memory_space<vmem>>
        %dma_wait3A_130 = arith.constant 0 : i32
        %dma_wait3A_131 = arith.constant 0 : i32
        %dma_wait3A_132 = tpu.memref_slice %arg8[%dma_wait3A_130, %dma_wait3A_131] : memref<10000x16xf32, #tpu.memory_space<vmem_shared>> -> memref<10000x16xf32, #tpu.memory_space<vmem_shared>>
        tpu.wait_indirect_dma semaphore(%run_scoped3A_120 : memref<!tpu.dma_semaphore, #tpu.memory_space<semaphore_mem>>) src(%arg14 : memref<40x16xf32, #tpu.memory_space<vmem>>) dst(%dma_wait3A_132 : memref<10000x16xf32, #tpu.memory_space<vmem_shared>>)
        tpu.yield
      }) : () -> ()
      %add3A_89 = arith.constant 2 : i32
      %add3A_90 = arith.addi %mul3A_76, %add3A_89 : i32
      %mul3A_91 = arith.constant 40 : i32
      %mul3A_92 = arith.muli %add3A_90, %mul3A_91 : i32
      %add3A_93 = arith.addi %mul3A_25, %mul3A_92 : i32
      %dma_start3A_94 = arith.constant 0 : i32
      %dma_start3A_95 = tpu.memref_slice %arg2[%add3A_93, %dma_start3A_94] : memref<160000x128xf32, #tpu.memory_space<hbm>> -> memref<40x128xf32, #tpu.memory_space<hbm>>
      %dma_start3A_96 = arith.constant 0 : i32
      %dma_start3A_97 = tpu.memref_slice %arg2[%add3A_93, %dma_start3A_96] : memref<160000x128xf32, #tpu.memory_space<hbm>> -> memref<40x128xf32, #tpu.memory_space<hbm>>
      tpu.enqueue_dma source(%dma_start3A_97 : memref<40x128xf32, #tpu.memory_space<hbm>>) target(%arg12 : memref<40x128xf32, #tpu.memory_space<vmem>>) target_semaphore(%arg16 : memref<!tpu.dma_semaphore, #tpu.memory_space<semaphore_mem>>)
      %dma_start3A_98 = arith.constant 0 : i32
      %dma_start3A_99 = tpu.memref_slice %arg3[%add3A_93, %dma_start3A_98] : memref<160000x16xf32, #tpu.memory_space<hbm>> -> memref<40x16xf32, #tpu.memory_space<hbm>>
      %dma_start3A_100 = arith.constant 0 : i32
      %dma_start3A_101 = tpu.memref_slice %arg3[%add3A_93, %dma_start3A_100] : memref<160000x16xf32, #tpu.memory_space<hbm>> -> memref<40x16xf32, #tpu.memory_space<hbm>>
      tpu.enqueue_dma source(%dma_start3A_101 : memref<40x16xf32, #tpu.memory_space<hbm>>) target(%arg14 : memref<40x16xf32, #tpu.memory_space<vmem>>) target_semaphore(%arg16 : memref<!tpu.dma_semaphore, #tpu.memory_space<semaphore_mem>>)
      %dma_wait3A_102 = arith.constant 0 : i32
      %dma_wait3A_103 = arith.constant 0 : i32
      %dma_wait3A_104 = tpu.memref_slice %arg2[%dma_wait3A_102, %dma_wait3A_103] : memref<160000x128xf32, #tpu.memory_space<hbm>> -> memref<40x128xf32, #tpu.memory_space<hbm>>
      %dma_wait3A_105 = arith.constant 0 : i32
      %dma_wait3A_106 = arith.constant 0 : i32
      %dma_wait3A_107 = tpu.memref_slice %arg2[%dma_wait3A_105, %dma_wait3A_106] : memref<160000x128xf32, #tpu.memory_space<hbm>> -> memref<40x128xf32, #tpu.memory_space<hbm>>
      tpu.wait_dma2 semaphore(%arg17 : memref<!tpu.dma_semaphore, #tpu.memory_space<semaphore_mem>>) src(%dma_wait3A_107 : memref<40x128xf32, #tpu.memory_space<hbm>>) dst(%arg13 : memref<40x128xf32, #tpu.memory_space<vmem>>)
      %dma_wait3A_108 = arith.constant 0 : i32
      %dma_wait3A_109 = arith.constant 0 : i32
      %dma_wait3A_110 = tpu.memref_slice %arg3[%dma_wait3A_108, %dma_wait3A_109] : memref<160000x16xf32, #tpu.memory_space<hbm>> -> memref<40x16xf32, #tpu.memory_space<hbm>>
      %dma_wait3A_111 = arith.constant 0 : i32
      %dma_wait3A_112 = arith.constant 0 : i32
      %dma_wait3A_113 = tpu.memref_slice %arg3[%dma_wait3A_111, %dma_wait3A_112] : memref<160000x16xf32, #tpu.memory_space<hbm>> -> memref<40x16xf32, #tpu.memory_space<hbm>>
      tpu.wait_dma2 semaphore(%arg17 : memref<!tpu.dma_semaphore, #tpu.memory_space<semaphore_mem>>) src(%dma_wait3A_113 : memref<40x16xf32, #tpu.memory_space<hbm>>) dst(%arg15 : memref<40x16xf32, #tpu.memory_space<vmem>>)
      %add3A_114 = arith.constant 1 : i32
      %add3A_115 = arith.addi %mul3A_76, %add3A_114 : i32
      "tpu.region"() ({
        %run_scoped3A_120 = tpu.sem_alloc : memref<!tpu.dma_semaphore, #tpu.memory_space<semaphore_mem>>
        %dma_start3A_121 = arith.constant 0 : i32
        %dma_start3A_122 = tpu.memref_slice %arg11[%add3A_115, %dma_start3A_121] : memref<125x40xi32, #tpu.memory_space<vmem>> -> memref<1x40xi32, #tpu.memory_space<vmem>>
        %dma_start3A_123 = tpu.memref_squeeze %dma_start3A_122 : memref<1x40xi32, #tpu.memory_space<vmem>> -> memref<40xi32, #tpu.memory_space<vmem>>
        %dma_start3A_124 = arith.constant 0 : i32
        %dma_start3A_125 = arith.constant 0 : i32
        %dma_start3A_126 = tpu.memref_slice %arg7[%dma_start3A_124, %dma_start3A_125] : memref<10000x128xf32, #tpu.memory_space<vmem_shared>> -> memref<10000x128xf32, #tpu.memory_space<vmem_shared>>
        tpu.enqueue_indirect_dma source(%arg13 : memref<40x128xf32, #tpu.memory_space<vmem>>) target(%dma_start3A_126 : memref<10000x128xf32, #tpu.memory_space<vmem_shared>>) offsets(%dma_start3A_123 : memref<40xi32, #tpu.memory_space<vmem>>) semaphore(%run_scoped3A_120 : memref<!tpu.dma_semaphore, #tpu.memory_space<semaphore_mem>>) {add = true}
        %dma_wait3A_127 = arith.constant 0 : i32
        %dma_wait3A_128 = tpu.memref_slice %arg11[%add3A_115, %dma_wait3A_127] : memref<125x40xi32, #tpu.memory_space<vmem>> -> memref<1x40xi32, #tpu.memory_space<vmem>>
        %dma_wait3A_129 = tpu.memref_squeeze %dma_wait3A_128 : memref<1x40xi32, #tpu.memory_space<vmem>> -> memref<40xi32, #tpu.memory_space<vmem>>
        %dma_wait3A_130 = arith.constant 0 : i32
        %dma_wait3A_131 = arith.constant 0 : i32
        %dma_wait3A_132 = tpu.memref_slice %arg7[%dma_wait3A_130, %dma_wait3A_131] : memref<10000x128xf32, #tpu.memory_space<vmem_shared>> -> memref<10000x128xf32, #tpu.memory_space<vmem_shared>>
        tpu.wait_indirect_dma semaphore(%run_scoped3A_120 : memref<!tpu.dma_semaphore, #tpu.memory_space<semaphore_mem>>) src(%arg13 : memref<40x128xf32, #tpu.memory_space<vmem>>) dst(%dma_wait3A_132 : memref<10000x128xf32, #tpu.memory_space<vmem_shared>>)
        tpu.yield
      }) : () -> ()
      "tpu.region"() ({
        %run_scoped3A_120 = tpu.sem_alloc : memref<!tpu.dma_semaphore, #tpu.memory_space<semaphore_mem>>
        %dma_start3A_121 = arith.constant 0 : i32
        %dma_start3A_122 = tpu.memref_slice %arg11[%add3A_115, %dma_start3A_121] : memref<125x40xi32, #tpu.memory_space<vmem>> -> memref<1x40xi32, #tpu.memory_space<vmem>>
        %dma_start3A_123 = tpu.memref_squeeze %dma_start3A_122 : memref<1x40xi32, #tpu.memory_space<vmem>> -> memref<40xi32, #tpu.memory_space<vmem>>
        %dma_start3A_124 = arith.constant 0 : i32
        %dma_start3A_125 = arith.constant 0 : i32
        %dma_start3A_126 = tpu.memref_slice %arg8[%dma_start3A_124, %dma_start3A_125] : memref<10000x16xf32, #tpu.memory_space<vmem_shared>> -> memref<10000x16xf32, #tpu.memory_space<vmem_shared>>
        tpu.enqueue_indirect_dma source(%arg15 : memref<40x16xf32, #tpu.memory_space<vmem>>) target(%dma_start3A_126 : memref<10000x16xf32, #tpu.memory_space<vmem_shared>>) offsets(%dma_start3A_123 : memref<40xi32, #tpu.memory_space<vmem>>) semaphore(%run_scoped3A_120 : memref<!tpu.dma_semaphore, #tpu.memory_space<semaphore_mem>>) {add = true}
        %dma_wait3A_127 = arith.constant 0 : i32
        %dma_wait3A_128 = tpu.memref_slice %arg11[%add3A_115, %dma_wait3A_127] : memref<125x40xi32, #tpu.memory_space<vmem>> -> memref<1x40xi32, #tpu.memory_space<vmem>>
        %dma_wait3A_129 = tpu.memref_squeeze %dma_wait3A_128 : memref<1x40xi32, #tpu.memory_space<vmem>> -> memref<40xi32, #tpu.memory_space<vmem>>
        %dma_wait3A_130 = arith.constant 0 : i32
        %dma_wait3A_131 = arith.constant 0 : i32
        %dma_wait3A_132 = tpu.memref_slice %arg8[%dma_wait3A_130, %dma_wait3A_131] : memref<10000x16xf32, #tpu.memory_space<vmem_shared>> -> memref<10000x16xf32, #tpu.memory_space<vmem_shared>>
        tpu.wait_indirect_dma semaphore(%run_scoped3A_120 : memref<!tpu.dma_semaphore, #tpu.memory_space<semaphore_mem>>) src(%arg15 : memref<40x16xf32, #tpu.memory_space<vmem>>) dst(%dma_wait3A_132 : memref<10000x16xf32, #tpu.memory_space<vmem_shared>>)
        tpu.yield
      }) : () -> ()
      %add3A_116 = arith.constant 3 : i32
      %add3A_117 = arith.addi %mul3A_76, %add3A_116 : i32
      %lt3A = arith.constant 125 : i32
      %lt3A_118 = arith.cmpi slt, %add3A_117, %lt3A : i32
      %convert_element_type3A = arith.extui %lt3A_118 : i1 to i32
      %cond3A = arith.constant 0 : i32
      %cond3A_119 = arith.cmpi ne, %convert_element_type3A, %cond3A : i32
      scf.if %cond3A_119 {
        %add3A_120 = arith.constant 3 : i32
        %add3A_121 = arith.addi %mul3A_76, %add3A_120 : i32
        %mul3A_122 = arith.constant 40 : i32
        %mul3A_123 = arith.muli %add3A_121, %mul3A_122 : i32
        %add3A_124 = arith.addi %mul3A_25, %mul3A_123 : i32
        %dma_start3A_125 = arith.constant 0 : i32
        %dma_start3A_126 = tpu.memref_slice %arg2[%add3A_124, %dma_start3A_125] : memref<160000x128xf32, #tpu.memory_space<hbm>> -> memref<40x128xf32, #tpu.memory_space<hbm>>
        %dma_start3A_127 = arith.constant 0 : i32
        %dma_start3A_128 = tpu.memref_slice %arg2[%add3A_124, %dma_start3A_127] : memref<160000x128xf32, #tpu.memory_space<hbm>> -> memref<40x128xf32, #tpu.memory_space<hbm>>
        tpu.enqueue_dma source(%dma_start3A_128 : memref<40x128xf32, #tpu.memory_space<hbm>>) target(%arg13 : memref<40x128xf32, #tpu.memory_space<vmem>>) target_semaphore(%arg17 : memref<!tpu.dma_semaphore, #tpu.memory_space<semaphore_mem>>)
        %dma_start3A_129 = arith.constant 0 : i32
        %dma_start3A_130 = tpu.memref_slice %arg3[%add3A_124, %dma_start3A_129] : memref<160000x16xf32, #tpu.memory_space<hbm>> -> memref<40x16xf32, #tpu.memory_space<hbm>>
        %dma_start3A_131 = arith.constant 0 : i32
        %dma_start3A_132 = tpu.memref_slice %arg3[%add3A_124, %dma_start3A_131] : memref<160000x16xf32, #tpu.memory_space<hbm>> -> memref<40x16xf32, #tpu.memory_space<hbm>>
        tpu.enqueue_dma source(%dma_start3A_132 : memref<40x16xf32, #tpu.memory_space<hbm>>) target(%arg15 : memref<40x16xf32, #tpu.memory_space<vmem>>) target_semaphore(%arg17 : memref<!tpu.dma_semaphore, #tpu.memory_space<semaphore_mem>>)
      } else {
      }
    }
    %scan3A_50 = arith.constant 62 : i32
    %dma_wait3A_51 = arith.constant 0 : i32
    %dma_wait3A_52 = arith.constant 0 : i32
    %dma_wait3A_53 = tpu.memref_slice %arg2[%dma_wait3A_51, %dma_wait3A_52] : memref<160000x128xf32, #tpu.memory_space<hbm>> -> memref<40x128xf32, #tpu.memory_space<hbm>>
    %dma_wait3A_54 = arith.constant 0 : i32
    %dma_wait3A_55 = arith.constant 0 : i32
    %dma_wait3A_56 = tpu.memref_slice %arg2[%dma_wait3A_54, %dma_wait3A_55] : memref<160000x128xf32, #tpu.memory_space<hbm>> -> memref<40x128xf32, #tpu.memory_space<hbm>>
    tpu.wait_dma2 semaphore(%arg16 : memref<!tpu.dma_semaphore, #tpu.memory_space<semaphore_mem>>) src(%dma_wait3A_56 : memref<40x128xf32, #tpu.memory_space<hbm>>) dst(%arg12 : memref<40x128xf32, #tpu.memory_space<vmem>>)
    %dma_wait3A_57 = arith.constant 0 : i32
    %dma_wait3A_58 = arith.constant 0 : i32
    %dma_wait3A_59 = tpu.memref_slice %arg3[%dma_wait3A_57, %dma_wait3A_58] : memref<160000x16xf32, #tpu.memory_space<hbm>> -> memref<40x16xf32, #tpu.memory_space<hbm>>
    %dma_wait3A_60 = arith.constant 0 : i32
    %dma_wait3A_61 = arith.constant 0 : i32
    %dma_wait3A_62 = tpu.memref_slice %arg3[%dma_wait3A_60, %dma_wait3A_61] : memref<160000x16xf32, #tpu.memory_space<hbm>> -> memref<40x16xf32, #tpu.memory_space<hbm>>
    tpu.wait_dma2 semaphore(%arg16 : memref<!tpu.dma_semaphore, #tpu.memory_space<semaphore_mem>>) src(%dma_wait3A_62 : memref<40x16xf32, #tpu.memory_space<hbm>>) dst(%arg14 : memref<40x16xf32, #tpu.memory_space<vmem>>)
    %run_scoped3A = arith.constant 124 : i32
    "tpu.region"() ({
      %run_scoped3A_70 = tpu.sem_alloc : memref<!tpu.dma_semaphore, #tpu.memory_space<semaphore_mem>>
      %dma_start3A_71 = arith.constant 0 : i32
      %dma_start3A_72 = tpu.memref_slice %arg11[%run_scoped3A, %dma_start3A_71] : memref<125x40xi32, #tpu.memory_space<vmem>> -> memref<1x40xi32, #tpu.memory_space<vmem>>
      %dma_start3A_73 = tpu.memref_squeeze %dma_start3A_72 : memref<1x40xi32, #tpu.memory_space<vmem>> -> memref<40xi32, #tpu.memory_space<vmem>>
      %dma_start3A_74 = arith.constant 0 : i32
      %dma_start3A_75 = arith.constant 0 : i32
      %dma_start3A_76 = tpu.memref_slice %arg7[%dma_start3A_74, %dma_start3A_75] : memref<10000x128xf32, #tpu.memory_space<vmem_shared>> -> memref<10000x128xf32, #tpu.memory_space<vmem_shared>>
      tpu.enqueue_indirect_dma source(%arg12 : memref<40x128xf32, #tpu.memory_space<vmem>>) target(%dma_start3A_76 : memref<10000x128xf32, #tpu.memory_space<vmem_shared>>) offsets(%dma_start3A_73 : memref<40xi32, #tpu.memory_space<vmem>>) semaphore(%run_scoped3A_70 : memref<!tpu.dma_semaphore, #tpu.memory_space<semaphore_mem>>) {add = true}
      %dma_wait3A_77 = arith.constant 0 : i32
      %dma_wait3A_78 = tpu.memref_slice %arg11[%run_scoped3A, %dma_wait3A_77] : memref<125x40xi32, #tpu.memory_space<vmem>> -> memref<1x40xi32, #tpu.memory_space<vmem>>
      %dma_wait3A_79 = tpu.memref_squeeze %dma_wait3A_78 : memref<1x40xi32, #tpu.memory_space<vmem>> -> memref<40xi32, #tpu.memory_space<vmem>>
      %dma_wait3A_80 = arith.constant 0 : i32
      %dma_wait3A_81 = arith.constant 0 : i32
      %dma_wait3A_82 = tpu.memref_slice %arg7[%dma_wait3A_80, %dma_wait3A_81] : memref<10000x128xf32, #tpu.memory_space<vmem_shared>> -> memref<10000x128xf32, #tpu.memory_space<vmem_shared>>
      tpu.wait_indirect_dma semaphore(%run_scoped3A_70 : memref<!tpu.dma_semaphore, #tpu.memory_space<semaphore_mem>>) src(%arg12 : memref<40x128xf32, #tpu.memory_space<vmem>>) dst(%dma_wait3A_82 : memref<10000x128xf32, #tpu.memory_space<vmem_shared>>)
      tpu.yield
    }) : () -> ()
    %run_scoped3A_63 = arith.constant 124 : i32
    "tpu.region"() ({
      %run_scoped3A_70 = tpu.sem_alloc : memref<!tpu.dma_semaphore, #tpu.memory_space<semaphore_mem>>
      %dma_start3A_71 = arith.constant 0 : i32
      %dma_start3A_72 = tpu.memref_slice %arg11[%run_scoped3A_63, %dma_start3A_71] : memref<125x40xi32, #tpu.memory_space<vmem>> -> memref<1x40xi32, #tpu.memory_space<vmem>>
      %dma_start3A_73 = tpu.memref_squeeze %dma_start3A_72 : memref<1x40xi32, #tpu.memory_space<vmem>> -> memref<40xi32, #tpu.memory_space<vmem>>
      %dma_start3A_74 = arith.constant 0 : i32
      %dma_start3A_75 = arith.constant 0 : i32
      %dma_start3A_76 = tpu.memref_slice %arg8[%dma_start3A_74, %dma_start3A_75] : memref<10000x16xf32, #tpu.memory_space<vmem_shared>> -> memref<10000x16xf32, #tpu.memory_space<vmem_shared>>
      tpu.enqueue_indirect_dma source(%arg14 : memref<40x16xf32, #tpu.memory_space<vmem>>) target(%dma_start3A_76 : memref<10000x16xf32, #tpu.memory_space<vmem_shared>>) offsets(%dma_start3A_73 : memref<40xi32, #tpu.memory_space<vmem>>) semaphore(%run_scoped3A_70 : memref<!tpu.dma_semaphore, #tpu.memory_space<semaphore_mem>>) {add = true}
      %dma_wait3A_77 = arith.constant 0 : i32
      %dma_wait3A_78 = tpu.memref_slice %arg11[%run_scoped3A_63, %dma_wait3A_77] : memref<125x40xi32, #tpu.memory_space<vmem>> -> memref<1x40xi32, #tpu.memory_space<vmem>>
      %dma_wait3A_79 = tpu.memref_squeeze %dma_wait3A_78 : memref<1x40xi32, #tpu.memory_space<vmem>> -> memref<40xi32, #tpu.memory_space<vmem>>
      %dma_wait3A_80 = arith.constant 0 : i32
      %dma_wait3A_81 = arith.constant 0 : i32
      %dma_wait3A_82 = tpu.memref_slice %arg8[%dma_wait3A_80, %dma_wait3A_81] : memref<10000x16xf32, #tpu.memory_space<vmem_shared>> -> memref<10000x16xf32, #tpu.memory_space<vmem_shared>>
      tpu.wait_indirect_dma semaphore(%run_scoped3A_70 : memref<!tpu.dma_semaphore, #tpu.memory_space<semaphore_mem>>) src(%arg14 : memref<40x16xf32, #tpu.memory_space<vmem>>) dst(%dma_wait3A_82 : memref<10000x16xf32, #tpu.memory_space<vmem_shared>>)
      tpu.yield
    }) : () -> ()
    %barrier3A_64 = arith.constant 0 : index
    tpu.barrier barrier_id(%barrier3A_64)
    %scan3A_65 = arith.constant 0 : i32
    %scan3A_66 = arith.constant 5 : i32
    %scan3A_67 = arith.addi %scan3A_65, %scan3A_66 : i32
    %scan3A_68 = arith.constant 1 : i32
    scf.for %scan3A_70 = %scan3A_65 to %scan3A_67 step %scan3A_68  : i32 {
      %mul3A_71 = arith.constant 1 : i32
      %mul3A_72 = arith.muli %scan3A_70, %mul3A_71 : i32
      %add3A_73 = arith.constant 0 : i32
      %add3A_74 = arith.addi %add3A_73, %mul3A_72 : i32
      %mul3A_75 = arith.constant 625 : i32
      %mul3A_76 = arith.muli %arg1, %mul3A_75 : i32
      %mul3A_77 = arith.constant 125 : i32
      %mul3A_78 = arith.muli %add3A_74, %mul3A_77 : i32
      %add3A_79 = arith.addi %mul3A_76, %mul3A_78 : i32
      "tpu.region"() ({
        %run_scoped3A_80 = tpu.sem_alloc : memref<!tpu.dma_semaphore, #tpu.memory_space<semaphore_mem>>
        %dma_start3A_81 = arith.constant 0 : i32
        %dma_start3A_82 = arith.constant 0 : i32
        %dma_start3A_83 = tpu.memref_slice %arg5[%arg0, %dma_start3A_81, %dma_start3A_82] : memref<2x10000x128xf32, #tpu.memory_space<hbm>> -> memref<1x10000x128xf32, #tpu.memory_space<hbm>>
        %dma_start3A_84 = tpu.memref_squeeze %dma_start3A_83 : memref<1x10000x128xf32, #tpu.memory_space<hbm>> -> memref<10000x128xf32, #tpu.memory_space<hbm>>
        %dma_start3A_85 = arith.constant 0 : i32
        %dma_start3A_86 = tpu.memref_slice %dma_start3A_84[%add3A_79, %dma_start3A_85] : memref<10000x128xf32, #tpu.memory_space<hbm>> -> memref<125x128xf32, #tpu.memory_space<hbm>>
        %dma_start3A_87 = arith.constant 0 : i32
        %dma_start3A_88 = tpu.memref_slice %arg7[%add3A_79, %dma_start3A_87] : memref<10000x128xf32, #tpu.memory_space<vmem_shared>> -> memref<125x128xf32, #tpu.memory_space<vmem_shared>>
        tpu.enqueue_dma source(%dma_start3A_88 : memref<125x128xf32, #tpu.memory_space<vmem_shared>>) target(%dma_start3A_86 : memref<125x128xf32, #tpu.memory_space<hbm>>) target_semaphore(%run_scoped3A_80 : memref<!tpu.dma_semaphore, #tpu.memory_space<semaphore_mem>>)
        %dma_wait3A_89 = arith.constant 0 : i32
        %dma_wait3A_90 = arith.constant 0 : i32
        %dma_wait3A_91 = tpu.memref_slice %arg5[%arg0, %dma_wait3A_89, %dma_wait3A_90] : memref<2x10000x128xf32, #tpu.memory_space<hbm>> -> memref<1x10000x128xf32, #tpu.memory_space<hbm>>
        %dma_wait3A_92 = tpu.memref_squeeze %dma_wait3A_91 : memref<1x10000x128xf32, #tpu.memory_space<hbm>> -> memref<10000x128xf32, #tpu.memory_space<hbm>>
        %dma_wait3A_93 = arith.constant 0 : i32
        %dma_wait3A_94 = tpu.memref_slice %dma_wait3A_92[%add3A_79, %dma_wait3A_93] : memref<10000x128xf32, #tpu.memory_space<hbm>> -> memref<125x128xf32, #tpu.memory_space<hbm>>
        %dma_wait3A_95 = arith.constant 0 : i32
        %dma_wait3A_96 = tpu.memref_slice %arg7[%add3A_79, %dma_wait3A_95] : memref<10000x128xf32, #tpu.memory_space<vmem_shared>> -> memref<125x128xf32, #tpu.memory_space<vmem_shared>>
        tpu.wait_dma2 semaphore(%run_scoped3A_80 : memref<!tpu.dma_semaphore, #tpu.memory_space<semaphore_mem>>) src(%dma_wait3A_96 : memref<125x128xf32, #tpu.memory_space<vmem_shared>>) dst(%dma_wait3A_94 : memref<125x128xf32, #tpu.memory_space<hbm>>)
        tpu.yield
      }) : () -> ()
      "tpu.region"() ({
        %run_scoped3A_80 = tpu.sem_alloc : memref<!tpu.dma_semaphore, #tpu.memory_space<semaphore_mem>>
        %dma_start3A_81 = arith.constant 0 : i32
        %dma_start3A_82 = arith.constant 0 : i32
        %dma_start3A_83 = tpu.memref_slice %arg6[%arg0, %dma_start3A_81, %dma_start3A_82] : memref<2x10000x16xf32, #tpu.memory_space<hbm>> -> memref<1x10000x16xf32, #tpu.memory_space<hbm>>
        %dma_start3A_84 = tpu.memref_squeeze %dma_start3A_83 : memref<1x10000x16xf32, #tpu.memory_space<hbm>> -> memref<10000x16xf32, #tpu.memory_space<hbm>>
        %dma_start3A_85 = arith.constant 0 : i32
        %dma_start3A_86 = tpu.memref_slice %dma_start3A_84[%add3A_79, %dma_start3A_85] : memref<10000x16xf32, #tpu.memory_space<hbm>> -> memref<125x16xf32, #tpu.memory_space<hbm>>
        %dma_start3A_87 = arith.constant 0 : i32
        %dma_start3A_88 = tpu.memref_slice %arg8[%add3A_79, %dma_start3A_87] : memref<10000x16xf32, #tpu.memory_space<vmem_shared>> -> memref<125x16xf32, #tpu.memory_space<vmem_shared>>
        tpu.enqueue_dma source(%dma_start3A_88 : memref<125x16xf32, #tpu.memory_space<vmem_shared>>) target(%dma_start3A_86 : memref<125x16xf32, #tpu.memory_space<hbm>>) target_semaphore(%run_scoped3A_80 : memref<!tpu.dma_semaphore, #tpu.memory_space<semaphore_mem>>)
        %dma_wait3A_89 = arith.constant 0 : i32
        %dma_wait3A_90 = arith.constant 0 : i32
        %dma_wait3A_91 = tpu.memref_slice %arg6[%arg0, %dma_wait3A_89, %dma_wait3A_90] : memref<2x10000x16xf32, #tpu.memory_space<hbm>> -> memref<1x10000x16xf32, #tpu.memory_space<hbm>>
        %dma_wait3A_92 = tpu.memref_squeeze %dma_wait3A_91 : memref<1x10000x16xf32, #tpu.memory_space<hbm>> -> memref<10000x16xf32, #tpu.memory_space<hbm>>
        %dma_wait3A_93 = arith.constant 0 : i32
        %dma_wait3A_94 = tpu.memref_slice %dma_wait3A_92[%add3A_79, %dma_wait3A_93] : memref<10000x16xf32, #tpu.memory_space<hbm>> -> memref<125x16xf32, #tpu.memory_space<hbm>>
        %dma_wait3A_95 = arith.constant 0 : i32
        %dma_wait3A_96 = tpu.memref_slice %arg8[%add3A_79, %dma_wait3A_95] : memref<10000x16xf32, #tpu.memory_space<vmem_shared>> -> memref<125x16xf32, #tpu.memory_space<vmem_shared>>
        tpu.wait_dma2 semaphore(%run_scoped3A_80 : memref<!tpu.dma_semaphore, #tpu.memory_space<semaphore_mem>>) src(%dma_wait3A_96 : memref<125x16xf32, #tpu.memory_space<vmem_shared>>) dst(%dma_wait3A_94 : memref<125x16xf32, #tpu.memory_space<hbm>>)
        tpu.yield
      }) : () -> ()
    }
    %scan3A_69 = arith.constant 5 : i32
    return
  }
}

module attributes {stable_mosaic.version = 14 : i64} {
  func.func @body(%arg0: i32, %arg1: memref<640x128xf32, #tpu.memory_space<vmem>>, %arg2: memref<640x128xi32, #tpu.memory_space<vmem>>, %arg3: memref<384x512xbf16, #tpu.memory_space<vmem>>, %arg4: memref<1x512xf32, #tpu.memory_space<vmem>>, %arg5: memref<512x129xbf16, #tpu.memory_space<vmem>>, %arg6: memref<1x129xf32, #tpu.memory_space<vmem>>, %arg7: memref<1x1xf32, #tpu.memory_space<vmem>>, %arg8: memref<640x128xf32, #tpu.memory_space<vmem>>, %arg9: memref<640x16xf32, #tpu.memory_space<vmem>>) attributes {dimension_semantics = [#tpu.dimension_semantics<arbitrary>], iteration_bounds = array<i64: 250>, scalar_prefetch = 0 : i64, scratch_operands = 0 : i64, tpu.core_type = #tpu.core_type<tc>, window_params = [{transform_indices = @transform_0, window_bounds = array<i64: 640, 128>}, {transform_indices = @transform_1, window_bounds = array<i64: 640, 128>}, {pipeline_mode = #tpu.pipeline_mode<synchronous>, transform_indices = @transform_2, window_bounds = array<i64: 384, 512>}, {pipeline_mode = #tpu.pipeline_mode<synchronous>, transform_indices = @transform_3, window_bounds = array<i64: 1, 512>}, {pipeline_mode = #tpu.pipeline_mode<synchronous>, transform_indices = @transform_4, window_bounds = array<i64: 512, 129>}, {pipeline_mode = #tpu.pipeline_mode<synchronous>, transform_indices = @transform_5, window_bounds = array<i64: 1, 129>}, {pipeline_mode = #tpu.pipeline_mode<synchronous>, transform_indices = @transform_6, window_bounds = array<i64: 1, 1>}, {transform_indices = @transform_7, window_bounds = array<i64: 640, 128>}, {transform_indices = @transform_8, window_bounds = array<i64: 640, 16>}]} {
    %get3A = arith.constant 0 : index
    %get3A_0 = arith.constant 0 : index
    %get3A_1 = vector.load %arg2[%get3A, %get3A_0] : memref<640x128xi32, #tpu.memory_space<vmem>>, vector<640x128xi32>
    %shift_left3A = arith.constant 16 : i32
    %shift_left3A_2 = vector.broadcast %shift_left3A : i32 to vector<640x128xi32>
    %shift_left3A_3 = arith.shli %get3A_1, %shift_left3A_2 : vector<640x128xi32>
    %bitcast_convert_type3A = tpu.bitcast %shift_left3A_3 : vector<640x128xi32> -> vector<640x128xf32>
    %and3A = arith.constant -65536 : i32
    %and3A_4 = vector.broadcast %and3A : i32 to vector<640x128xi32>
    %and3A_5 = arith.andi %get3A_1, %and3A_4 : vector<640x128xi32>
    %bitcast_convert_type3A_6 = tpu.bitcast %and3A_5 : vector<640x128xi32> -> vector<640x128xf32>
    %get3A_7 = arith.constant 0 : index
    %get3A_8 = arith.constant 0 : index
    %get3A_9 = vector.load %arg1[%get3A_7, %get3A_8] : memref<640x128xf32, #tpu.memory_space<vmem>>, vector<640x128xf32>
    %convert_element_type3A = arith.truncf %get3A_9 : vector<640x128xf32> to vector<640x128xbf16>
    %convert_element_type3A_10 = arith.truncf %bitcast_convert_type3A : vector<640x128xf32> to vector<640x128xbf16>
    %convert_element_type3A_11 = arith.truncf %bitcast_convert_type3A_6 : vector<640x128xf32> to vector<640x128xbf16>
    %concatenate3A = tpu.concatenate %convert_element_type3A, %convert_element_type3A_10, %convert_element_type3A_11 in 1 : vector<640x128xbf16>, vector<640x128xbf16>, vector<640x128xbf16> -> vector<640x384xbf16>
    %get3A_12 = arith.constant 0 : index
    %get3A_13 = arith.constant 0 : index
    %get3A_14 = vector.load %arg3[%get3A_12, %get3A_13] : memref<384x512xbf16, #tpu.memory_space<vmem>>, vector<384x512xbf16>
    %dot_general3A = arith.constant dense<0.000000e+00> : vector<640x512xf32>
    %dot_general3A_15 = tpu.matmul %concatenate3A, %get3A_14, %dot_general3A {dimension_numbers = #tpu.dot_dimension_numbers<[1], [0], [0], [1], [0, 0, 1, 1], [], []>, transpose_lhs_hint = false} : vector<640x384xbf16>, vector<384x512xbf16>, vector<640x512xf32> -> vector<640x512xf32>
    %get3A_16 = arith.constant 0 : index
    %get3A_17 = arith.constant 0 : index
    %get3A_18 = vector.load %arg4[%get3A_16, %get3A_17] : memref<1x512xf32, #tpu.memory_space<vmem>>, vector<1x512xf32>
    %add3A = vector.broadcast %get3A_18 : vector<1x512xf32> to vector<640x512xf32>
    %add3A_19 = arith.addf %dot_general3A_15, %add3A : vector<640x512xf32>
    %gt3A = arith.constant 0.000000e+00 : f32
    %gt3A_20 = vector.broadcast %gt3A : f32 to vector<640x512xf32>
    %gt3A_21 = arith.cmpf ogt, %add3A_19, %gt3A_20 : vector<640x512xf32>
    %mul3A = arith.constant 0.00999999977 : f32
    %mul3A_22 = vector.broadcast %mul3A : f32 to vector<640x512xf32>
    %mul3A_23 = arith.mulf %mul3A_22, %add3A_19 : vector<640x512xf32>
    %select_n3A = arith.select %gt3A_21, %add3A_19, %mul3A_23 : vector<640x512xi1>, vector<640x512xf32>
    %convert_element_type3A_24 = arith.truncf %select_n3A : vector<640x512xf32> to vector<640x512xbf16>
    %get3A_25 = arith.constant 0 : index
    %get3A_26 = arith.constant 0 : index
    %get3A_27 = vector.load %arg5[%get3A_25, %get3A_26] : memref<512x129xbf16, #tpu.memory_space<vmem>>, vector<512x129xbf16>
    %dot_general3A_28 = arith.constant dense<0.000000e+00> : vector<640x129xf32>
    %dot_general3A_29 = tpu.matmul %convert_element_type3A_24, %get3A_27, %dot_general3A_28 {dimension_numbers = #tpu.dot_dimension_numbers<[1], [0], [0], [1], [0, 0, 1, 1], [], []>, transpose_lhs_hint = false} : vector<640x512xbf16>, vector<512x129xbf16>, vector<640x129xf32> -> vector<640x129xf32>
    %get3A_30 = arith.constant 0 : index
    %get3A_31 = arith.constant 0 : index
    %get3A_32 = vector.load %arg6[%get3A_30, %get3A_31] : memref<1x129xf32, #tpu.memory_space<vmem>>, vector<1x129xf32>
    %add3A_33 = vector.broadcast %get3A_32 : vector<1x129xf32> to vector<640x129xf32>
    %add3A_34 = arith.addf %dot_general3A_29, %add3A_33 : vector<640x129xf32>
    %slice3A = vector.extract_strided_slice %add3A_34 {offsets = [0, 0], sizes = [640, 1], strides = [1, 1]} : vector<640x129xf32> to vector<640x1xf32>
    %slice3A_35 = vector.extract_strided_slice %add3A_34 {offsets = [0, 1], sizes = [640, 128], strides = [1, 1]} : vector<640x129xf32> to vector<640x128xf32>
    %slice3A_36 = vector.extract_strided_slice %bitcast_convert_type3A {offsets = [0, 64], sizes = [640, 1], strides = [1, 1]} : vector<640x128xf32> to vector<640x1xf32>
    %slice3A_37 = vector.extract_strided_slice %bitcast_convert_type3A_6 {offsets = [0, 64], sizes = [640, 1], strides = [1, 1]} : vector<640x128xf32> to vector<640x1xf32>
    %add3A_38 = arith.addf %slice3A_36, %slice3A_37 : vector<640x1xf32>
    %get3A_39 = arith.constant 0 : index
    %get3A_40 = arith.constant 0 : index
    %get3A_41 = vector.load %arg7[%get3A_39, %get3A_40] : memref<1x1xf32, #tpu.memory_space<vmem>>, vector<1x1xf32>
    %get3A_42 = vector.extract %get3A_41[0, 0] : f32 from vector<1x1xf32>
    %pow3A = vector.broadcast %get3A_42 : f32 to vector<640x1xf32>
    %pow3A_43 = math.powf %add3A_38, %pow3A : vector<640x1xf32>
    %exp3A = math.exp %slice3A : vector<640x1xf32>
    %mul3A_44 = arith.mulf %pow3A_43, %exp3A : vector<640x1xf32>
    %mul3A_45 = vector.broadcast %mul3A_44 : vector<640x1xf32> to vector<640x128xf32>
    %mul3A_46 = arith.mulf %mul3A_45, %slice3A_35 : vector<640x128xf32>
    %swap3A = arith.constant 0 : index
    %swap3A_47 = arith.constant 0 : index
    %swap3A_48 = vector.load %arg8[%swap3A, %swap3A_47] : memref<640x128xf32, #tpu.memory_space<vmem>>, vector<640x128xf32>
    tpu.vector_store %arg8[%swap3A, %swap3A_47], %mul3A_46 {strides = array<i32>} : memref<640x128xf32, #tpu.memory_space<vmem>>, vector<640x128xf32>,
    %broadcast_in_dim3A = arith.constant 0.000000e+00 : f32
    %broadcast_in_dim3A_49 = vector.broadcast %broadcast_in_dim3A : f32 to vector<640x15xf32>
    %concatenate3A_50 = tpu.concatenate %mul3A_44, %broadcast_in_dim3A_49 in 1 : vector<640x1xf32>, vector<640x15xf32> -> vector<640x16xf32>
    %swap3A_51 = arith.constant 0 : index
    %swap3A_52 = arith.constant 0 : index
    %swap3A_53 = vector.load %arg9[%swap3A_51, %swap3A_52] : memref<640x16xf32, #tpu.memory_space<vmem>>, vector<640x16xf32>
    tpu.vector_store %arg9[%swap3A_51, %swap3A_52], %concatenate3A_50 {strides = array<i32>} : memref<640x16xf32, #tpu.memory_space<vmem>>, vector<640x16xf32>,
    return
  }
  func.func @transform_0(%arg0: i32) -> (i32, i32) {
    %c0_i32 = arith.constant 0 : i32
    %c0_i32_0 = arith.constant 0 : i32
    return %arg0, %c0_i32 : i32, i32
  }
  func.func @transform_1(%arg0: i32) -> (i32, i32) {
    %c0_i32 = arith.constant 0 : i32
    %c0_i32_0 = arith.constant 0 : i32
    return %arg0, %c0_i32 : i32, i32
  }
  func.func @transform_2(%arg0: i32) -> (i32, i32) {
    %c0_i32 = arith.constant 0 : i32
    %c0_i32_0 = arith.constant 0 : i32
    %c0_i32_1 = arith.constant 0 : i32
    return %c0_i32, %c0_i32_0 : i32, i32
  }
  func.func @transform_3(%arg0: i32) -> (i32, i32) {
    %c0_i32 = arith.constant 0 : i32
    %c0_i32_0 = arith.constant 0 : i32
    %c0_i32_1 = arith.constant 0 : i32
    return %c0_i32, %c0_i32_0 : i32, i32
  }
  func.func @transform_4(%arg0: i32) -> (i32, i32) {
    %c0_i32 = arith.constant 0 : i32
    %c0_i32_0 = arith.constant 0 : i32
    %c0_i32_1 = arith.constant 0 : i32
    return %c0_i32, %c0_i32_0 : i32, i32
  }
  func.func @transform_5(%arg0: i32) -> (i32, i32) {
    %c0_i32 = arith.constant 0 : i32
    %c0_i32_0 = arith.constant 0 : i32
    %c0_i32_1 = arith.constant 0 : i32
    return %c0_i32, %c0_i32_0 : i32, i32
  }
  func.func @transform_6(%arg0: i32) -> (i32, i32) {
    %c0_i32 = arith.constant 0 : i32
    %c0_i32_0 = arith.constant 0 : i32
    %c0_i32_1 = arith.constant 0 : i32
    return %c0_i32, %c0_i32_0 : i32, i32
  }
  func.func @transform_7(%arg0: i32) -> (i32, i32) {
    %c0_i32 = arith.constant 0 : i32
    %c0_i32_0 = arith.constant 0 : i32
    return %arg0, %c0_i32 : i32, i32
  }
  func.func @transform_8(%arg0: i32) -> (i32, i32) {
    %c0_i32 = arith.constant 0 : i32
    %c0_i32_0 = arith.constant 0 : i32
    return %arg0, %c0_i32 : i32, i32
  }
}

module attributes {stable_mosaic.version = 14 : i64} {
  func.func @body(%arg0: i32, %arg1: memref<2x2000x128xf32, #tpu.memory_space<vmem>>, %arg2: memref<2x2000x16xf32, #tpu.memory_space<vmem>>, %arg3: memref<2x2000x128xf32, #tpu.memory_space<vmem>>, %arg4: memref<2x2000x16xf32, #tpu.memory_space<vmem>>, %arg5: memref<2000x128xf32, #tpu.memory_space<vmem>>, %arg6: memref<2000x128xf32, #tpu.memory_space<vmem>>) attributes {dimension_semantics = [#tpu.dimension_semantics<arbitrary>], iteration_bounds = array<i64: 5>, scalar_prefetch = 0 : i64, scratch_operands = 0 : i64, tpu.core_type = #tpu.core_type<tc>, window_params = [{transform_indices = @transform_0, window_bounds = array<i64: 2, 2000, 128>}, {transform_indices = @transform_1, window_bounds = array<i64: 2, 2000, 16>}, {transform_indices = @transform_2, window_bounds = array<i64: 2, 2000, 128>}, {transform_indices = @transform_3, window_bounds = array<i64: 2, 2000, 16>}, {transform_indices = @transform_4, window_bounds = array<i64: 2000, 128>}, {transform_indices = @transform_5, window_bounds = array<i64: 2000, 128>}]} {
    %get3A = arith.constant 0 : index
    %get3A_0 = arith.constant 0 : index
    %get3A_1 = arith.constant 0 : index
    %get3A_2 = vector.load %arg1[%get3A, %get3A_0, %get3A_1] : memref<2x2000x128xf32, #tpu.memory_space<vmem>>, vector<1x2000x128xf32>
    %get3A_3 = vector.shape_cast %get3A_2 : vector<1x2000x128xf32> to vector<2000x128xf32>
    %get3A_4 = arith.constant 1 : index
    %get3A_5 = arith.constant 0 : index
    %get3A_6 = arith.constant 0 : index
    %get3A_7 = vector.load %arg1[%get3A_4, %get3A_5, %get3A_6] : memref<2x2000x128xf32, #tpu.memory_space<vmem>>, vector<1x2000x128xf32>
    %get3A_8 = vector.shape_cast %get3A_7 : vector<1x2000x128xf32> to vector<2000x128xf32>
    %add3A = arith.addf %get3A_3, %get3A_8 : vector<2000x128xf32>
    %get3A_9 = arith.constant 0 : index
    %get3A_10 = arith.constant 0 : index
    %get3A_11 = arith.constant 0 : index
    %get3A_12 = vector.load %arg3[%get3A_9, %get3A_10, %get3A_11] : memref<2x2000x128xf32, #tpu.memory_space<vmem>>, vector<1x2000x128xf32>
    %get3A_13 = vector.shape_cast %get3A_12 : vector<1x2000x128xf32> to vector<2000x128xf32>
    %add3A_14 = arith.addf %add3A, %get3A_13 : vector<2000x128xf32>
    %get3A_15 = arith.constant 1 : index
    %get3A_16 = arith.constant 0 : index
    %get3A_17 = arith.constant 0 : index
    %get3A_18 = vector.load %arg3[%get3A_15, %get3A_16, %get3A_17] : memref<2x2000x128xf32, #tpu.memory_space<vmem>>, vector<1x2000x128xf32>
    %get3A_19 = vector.shape_cast %get3A_18 : vector<1x2000x128xf32> to vector<2000x128xf32>
    %add3A_20 = arith.addf %add3A_14, %get3A_19 : vector<2000x128xf32>
    %get3A_21 = arith.constant 0 : index
    %get3A_22 = arith.constant 0 : index
    %get3A_23 = arith.constant 0 : index
    %get3A_24 = vector.load %arg2[%get3A_21, %get3A_22, %get3A_23] : memref<2x2000x16xf32, #tpu.memory_space<vmem>>, vector<1x2000x1xf32>
    %get3A_25 = vector.shape_cast %get3A_24 : vector<1x2000x1xf32> to vector<2000x1xf32>
    %get3A_26 = arith.constant 1 : index
    %get3A_27 = arith.constant 0 : index
    %get3A_28 = arith.constant 0 : index
    %get3A_29 = vector.load %arg2[%get3A_26, %get3A_27, %get3A_28] : memref<2x2000x16xf32, #tpu.memory_space<vmem>>, vector<1x2000x1xf32>
    %get3A_30 = vector.shape_cast %get3A_29 : vector<1x2000x1xf32> to vector<2000x1xf32>
    %add3A_31 = arith.addf %get3A_25, %get3A_30 : vector<2000x1xf32>
    %get3A_32 = arith.constant 0 : index
    %get3A_33 = arith.constant 0 : index
    %get3A_34 = arith.constant 0 : index
    %get3A_35 = vector.load %arg4[%get3A_32, %get3A_33, %get3A_34] : memref<2x2000x16xf32, #tpu.memory_space<vmem>>, vector<1x2000x1xf32>
    %get3A_36 = vector.shape_cast %get3A_35 : vector<1x2000x1xf32> to vector<2000x1xf32>
    %add3A_37 = arith.addf %add3A_31, %get3A_36 : vector<2000x1xf32>
    %get3A_38 = arith.constant 1 : index
    %get3A_39 = arith.constant 0 : index
    %get3A_40 = arith.constant 0 : index
    %get3A_41 = vector.load %arg4[%get3A_38, %get3A_39, %get3A_40] : memref<2x2000x16xf32, #tpu.memory_space<vmem>>, vector<1x2000x1xf32>
    %get3A_42 = vector.shape_cast %get3A_41 : vector<1x2000x1xf32> to vector<2000x1xf32>
    %add3A_43 = arith.addf %add3A_37, %get3A_42 : vector<2000x1xf32>
    %add3A_44 = arith.constant 1.000000e-10 : f32
    %add3A_45 = vector.broadcast %add3A_44 : f32 to vector<2000x1xf32>
    %add3A_46 = arith.addf %add3A_43, %add3A_45 : vector<2000x1xf32>
    %div3A = vector.broadcast %add3A_46 : vector<2000x1xf32> to vector<2000x128xf32>
    %div3A_47 = arith.divf %add3A_20, %div3A : vector<2000x128xf32>
    %get3A_48 = arith.constant 0 : index
    %get3A_49 = arith.constant 0 : index
    %get3A_50 = vector.load %arg5[%get3A_48, %get3A_49] : memref<2000x128xf32, #tpu.memory_space<vmem>>, vector<2000x128xf32>
    %add3A_51 = arith.addf %div3A_47, %get3A_50 : vector<2000x128xf32>
    %swap3A = arith.constant 0 : index
    %swap3A_52 = arith.constant 0 : index
    %swap3A_53 = vector.load %arg6[%swap3A, %swap3A_52] : memref<2000x128xf32, #tpu.memory_space<vmem>>, vector<2000x128xf32>
    tpu.vector_store %arg6[%swap3A, %swap3A_52], %add3A_51 {strides = array<i32>} : memref<2000x128xf32, #tpu.memory_space<vmem>>, vector<2000x128xf32>,
    return
  }
  func.func @transform_0(%arg0: i32) -> (i32, i32, i32) {
    %c0_i32 = arith.constant 0 : i32
    %c0_i32_0 = arith.constant 0 : i32
    %c0_i32_1 = arith.constant 0 : i32
    return %c0_i32, %arg0, %c0_i32_0 : i32, i32, i32
  }
  func.func @transform_1(%arg0: i32) -> (i32, i32, i32) {
    %c0_i32 = arith.constant 0 : i32
    %c0_i32_0 = arith.constant 0 : i32
    %c0_i32_1 = arith.constant 0 : i32
    return %c0_i32, %arg0, %c0_i32_0 : i32, i32, i32
  }
  func.func @transform_2(%arg0: i32) -> (i32, i32, i32) {
    %c0_i32 = arith.constant 0 : i32
    %c0_i32_0 = arith.constant 0 : i32
    %c0_i32_1 = arith.constant 0 : i32
    return %c0_i32, %arg0, %c0_i32_0 : i32, i32, i32
  }
  func.func @transform_3(%arg0: i32) -> (i32, i32, i32) {
    %c0_i32 = arith.constant 0 : i32
    %c0_i32_0 = arith.constant 0 : i32
    %c0_i32_1 = arith.constant 0 : i32
    return %c0_i32, %arg0, %c0_i32_0 : i32, i32, i32
  }
  func.func @transform_4(%arg0: i32) -> (i32, i32) {
    %c0_i32 = arith.constant 0 : i32
    %c0_i32_0 = arith.constant 0 : i32
    return %arg0, %c0_i32 : i32, i32
  }
  func.func @transform_5(%arg0: i32) -> (i32, i32) {
    %c0_i32 = arith.constant 0 : i32
    %c0_i32_0 = arith.constant 0 : i32
    return %arg0, %c0_i32 : i32, i32
  }
}

</mosaic_0001>

<sc_bundles>
// kernel: kernel.12.cloned.1.call-start
scs
__scs_entry_jumppad:
0x0: {  	(pc) =	sbr.rel $0x88, $3  }
0x1: {  	(tag) =	ssettag $0x0;
	lr =	simm.s32 $0x1  }
0x2: {  	[smem:$0x3F94] =	sst lr;
	_ =	strace $0xD0000000  }
0x3: {  	_ = 	snop  }
0x4: {  	_ = 	snop  }
0x5: {  	_ = 	snop  }
0x6: {  	_ = 	snop  }
0x7: {  	_ = 	snop  }
__scs_overlays_trampoline_lowered:
0x8: {  	[smem:$0x3FA3] =	sst s0  }
0x9: {  	[smem:$0x3FA4] =	sst s1  }
0xa: {  	[smem:$0x3FA5] =	sst s2  }
0xb: {  	[smem:$0x3FA6] =	sst s3  }
0xc: {  	[smem:$0x3FA7] =	sst s4  }
0xd: {  	[smem:$0x3FA8] =	sst s5  }
0xe: {  	[smem:$0x3FA9] =	sst s6  }
0xf: {  	[smem:$0x3FAA] =	sst s7  }
0x10: {  	[smem:$0x3FAB] =	sst s8  }
0x11: {  	[smem:$0x3FAC] =	sst s9;
	s0 =	simm.s32 @!p0 $0x0  }
0x12: {  	s1 =	sld [smem:$0x3F92];
	s0 =	simm.s32 @p0 $0x1  }
0x13: {  	[smem:$0x3FAD] =	sst s0;
	s0 =	simm.s32 @!p1 $0x0  }
0x14: {  	s2 =	sld [smem:$0x3F91];
	s0 =	simm.s32 @p1 $0x1  }
0x15: {  	[smem:$0x3FAE] =	sst s0;
	s0 =	simm.s32 @!p2 $0x0  }
0x16: {  	s3 =	sld [smem:$0x3FDB];
	s0 =	simm.s32 @p2 $0x1  }
0x17: {  	s4 =	simm.s32 $0x1BF5;
	[smem:$0x3FB0] =	sst s0  }
0x18: {  	s0 =	sld [smem:$0x3F93];
	_ =	swait.ge [sflag:s4], $0x0  }
0x19: {  	s7 =	sld [smem:$0x3F94]  }
0x1a: {  	s8 =	sadd.s32 $0xFFFFE003, lr  }
0x1b: {  	s9 =	sadd.s32 $0xFFFFFEF7, lr;
	s5 =	simm.s32 $0xFFFFFFFF;
	p2 =	slt.u32 s8, $0xFFFFF086  }
0x1c: {  	p1 =	slt.u32 s9, $0xF7A;
	s5 =	simm.s32 @!p2 $0x0  }
0x1d: {  	s5 =	simm.s32 @p1 $0x1;
	p0 =	seq.s32 s7, s2  }
0x1e: {  	s7 =	smul.u32 @!p0 $0xF7A, s2;
	p2 =	seq.s32 @!p0 s5, $0x0  }
0x1f: {  	s9 =	smul.u32 $0xF7A, s1;
	s8 =	simm.s32 @!p0 $0x1BF5;
	p2 =	por !p2, p0  }
0x20: {  	[sflag:s8] =	ssyncset.s32 @!p0 $0xFFFFF086;
	s6 =	sadd.s32 @!p0 s3, s7;
	s7 =	simm.s32 @!p0 $0x108  }
0x21: {  	s3 =	sadd.s32 s3, s9;
	s6 =	sadd.s32 @!p0 $0x88, s6;
	s7 =	simm.s32 @p2 $0x1082  }
0x22: {  	[simem:s7], [sflag:s8] =	dma.local @!p0 [hbm:s6], $0xF7A  }
0x23: {  	s9 =	sor.u32 $0xD0000000, s2;
	s6 =	simm.s32 $0x108;
	_ =	swait.ge @!p0 [sflag:s8], $0x0  }
0x24: {  	s3 =	sadd.s32 $0x88, s3;
	s6 =	simm.s32 @!p1 $0x1082;
	[sflag:s4] =	ssyncset.s32 $0xFFFFF086  }
0x25: {  	[simem:s6], [sflag:s4] =	dma.local [hbm:s3], $0xF7A  }
0x26: {  	[smem:$0x3F94] =	sst s1;
	(tag) =	ssettag s2;
	_ =	strace s9  }
0x27: {  	s1 =	sld [smem:$0x3FA4]  }
0x28: {  	s2 =	sld [smem:$0x3FA5]  }
0x29: {  	s4 =	sld [smem:$0x3FA7]  }
0x2a: {  	p0 =	seq.s32 s5, $0x0;
	s5 =	sld [smem:$0x3FA8]  }
0x2b: {  	s6 =	sld [smem:$0x3FA9]  }
0x2c: {  	s7 =	sld [smem:$0x3FAA]  }
0x2d: {  	s3 =	simm.s32 $0x108;
	s8 =	sld [smem:$0x3FAB]  }
0x2e: {  	s3 =	simm.s32 @!p0 $0x1082;
	s9 =	sld [smem:$0x3FAC]  }
0x2f: {  	lr =	sadd.s32 s0, s3;
	s0 =	sld [smem:$0x3FA3]  }
0x30: {  	s3 =	sld [smem:$0x3FA6]  }
0x31: {  	[smem:$0x3FAF] =	sst s10  }
0x32: {  	s10 =	sld [smem:$0x3FAD];
	_ =	sdelay $0x3  }
0x33: {  	p0 =	seq.s32 s10, $0x1;
	s10 =	sld [smem:$0x3FAF];
	_ =	sdelay $0x3  }
0x34: {  	[smem:$0x3FAF] =	sst s10  }
0x35: {  	s10 =	sld [smem:$0x3FAE];
	_ =	sdelay $0x3  }
0x36: {  	p1 =	seq.s32 s10, $0x1;
	s10 =	sld [smem:$0x3FAF];
	_ =	sdelay $0x3  }
0x37: {  	[smem:$0x3FAF] =	sst s10  }
0x38: {  	s10 =	sld [smem:$0x3FB0]  }
0x39: {  	_ = 	snop;
	(pc) =	sbr.ind lr, $3  }
0x3a: {  	_ = 	snop  }
0x3b: {  	_ = 	snop  }
0x3c: {  	p2 =	seq.s32 s10, $0x1;
	s10 =	sld [smem:$0x3FAF]  }
0x3d: {  	_ =	shalt  }
0x3e: {  	_ =	shalt  }
0x3f: {  	_ =	shalt  }
0x40: {  	_ =	shalt  }
0x41: {  	_ =	shalt  }
0x42: {  	_ =	shalt  }
0x43: {  	_ =	shalt  }
0x44: {  	_ =	shalt  }
0x45: {  	_ =	shalt  }
0x46: {  	_ =	shalt  }
0x47: {  	_ =	shalt  }
0x48: {  	_ =	shalt  }
0x49: {  	_ =	shalt  }
0x4a: {  	_ =	shalt  }
0x4b: {  	_ =	shalt  }
0x4c: {  	_ =	shalt  }
0x4d: {  	_ =	shalt  }
0x4e: {  	_ =	shalt  }
0x4f: {  	_ =	shalt  }
0x50: {  	_ =	shalt  }
0x51: {  	_ =	shalt  }
0x52: {  	_ =	shalt  }
0x53: {  	_ =	shalt  }
0x54: {  	_ =	shalt  }
0x55: {  	_ =	shalt  }
0x56: {  	_ =	shalt  }
0x57: {  	_ =	shalt  }
0x58: {  	_ =	shalt  }
0x59: {  	_ =	shalt  }
0x5a: {  	_ =	shalt  }
0x5b: {  	_ =	shalt  }
0x5c: {  	_ =	shalt  }
0x5d: {  	_ =	shalt  }
0x5e: {  	_ =	shalt  }
0x5f: {  	_ =	shalt  }
0x60: {  	_ =	shalt  }
0x61: {  	_ =	shalt  }
0x62: {  	_ =	shalt  }
0x63: {  	_ =	shalt  }
0x64: {  	_ =	shalt  }
0x65: {  	_ =	shalt  }
0x66: {  	_ =	shalt  }
0x67: {  	_ =	shalt  }
0x68: {  	_ =	shalt  }
0x69: {  	_ =	shalt  }
0x6a: {  	_ =	shalt  }
0x6b: {  	_ =	shalt  }
0x6c: {  	_ =	shalt  }
0x6d: {  	_ =	shalt  }
0x6e: {  	_ =	shalt  }
0x6f: {  	_ =	shalt  }
0x70: {  	_ =	shalt  }
0x71: {  	_ =	shalt  }
0x72: {  	_ =	shalt  }
0x73: {  	_ =	shalt  }
0x74: {  	_ =	shalt  }
0x75: {  	_ =	shalt  }
0x76: {  	_ =	shalt  }
0x77: {  	_ =	shalt  }
0x78: {  	_ =	shalt  }
0x79: {  	_ =	shalt  }
0x7a: {  	_ =	shalt  }
0x7b: {  	_ =	shalt  }
0x7c: {  	_ =	shalt  }
0x7d: {  	_ =	shalt  }
0x7e: {  	_ =	shalt  }
0x7f: {  	_ =	shalt  }
0x80: {  	_ =	shalt  }
0x81: {  	_ =	shalt  }
0x82: {  	_ =	shalt  }
0x83: {  	_ =	shalt  }
0x84: {  	_ =	shalt  }
0x85: {  	_ =	shalt  }
0x86: {  	_ =	shalt  }
0x87: {  	_ =	shalt  }
.Lfunc_end0:
.L_simem_size_0:
called_computation.1_lowered:
.L_overlay_start_0:
0x88: {  	s2 =	sld [smem:$0x3FD9]  }
0x89: {  	s3 =	sld [smem:$0x3FFE];
	_ =	sdelay $0x1  }
0x8a: {  	s1 =	srdreg.scid  }
0x8b: {  	s0 =	sand.u32 $0x1, s1  }
0x8c: {  	s17 =	sshll.u32 s0, $0xA;
	s2 =	sadd.s32 s3, s2  }
0x8d: {  	s2 =	sadd.s32 s2, s17  }
0x8e: {  	[smem:$0x3FBB] =	sst s2  }
0x8f: {  	_ = 	snop  }
0x90: {  	s18 =	sld [smem:$0x3FD0];
	(tm) =	ssettm $0x1  }
0x91: {  	s19 =	sld [smem:$0x3FFB];
	_ =	sdelay $0x3  }
0x92: {  	_ =	strace s19  }
0x93: {  	s2 =	sld [smem:$0x3FFC];
	_ =	sdelay $0x3  }
0x94: {  	_ =	strace s2  }
0x95: {  	s2 =	sld [smem:$0x3FFD];
	_ =	sdelay $0x3  }
0x96: {  	_ =	strace s2  }
0x97: {  	_ =	strace $0x8FFFFFFF  }
0x98: {  	s20 =	sld [smem:$0x3FDB];
	_ =	sdelay $0x1  }
0x99: {  	s4 =	simm.s32 $_scs_section_size  }
0x9a: {  	s5 =	simm.s32 $_size__tile_overlayer_lowered;
	s6 =	simm.s32 $_tile_overlayer_lowered  }
0x9b: {  	s7 =	simm.s32 $0x1BFF;
	s21 =	sshll.u32 s6, $0x1;
	s4 =	sadd.s32 s4, s20  }
0x9c: {  	s22 =	simm.s32 $0x0;
	s5 =	sshll.u32 s5, $0x1;
	s6 =	sadd.s32 s21, s4  }
0x9d: {  	[timem:s22], [sflag:s7] =	dma.local [hbm:s6], s5  }
0x9e: {  	_ =	swait.ge [sflag:s7], s5  }
0x9f: {  	s5 =	ssub.s32 $0x0, s5;
	[sflag:s7] =	ssyncset.done $0x0  }
0xa0: {  	[sflag:s7] =	ssyncadd.s32 s5;
	_ =	sdelay $0x1  }
0xa1: {  	s23 =	simm.s32 $0x1B8B  }
0xa2: {  	_ =	swait.ge [sflag:s23], $0x1  }
0xa3: {  	[sflag:s23] =	ssyncset.done $0x0  }
0xa4: {  	[sflag:s23] =	ssyncadd.s32 $0xFFFFFFFF  }
0xa5: {  	s5 =	sld [smem:$0x0]  }
0xa6: {  	s6 =	sand.u32 $0xFFFFFFFE, s1  }
0xa7: {  	p0 =	sne.s32 s1, s6  }
0xa8: {  	s6 =	sshll.u32 @p0 s6, $0xE  }
0xa9: {  	s6 =	sadd.s32 @p0 $0x11B8D, s6;
	s7 =	sshll.u32 @p0 s5, $0x11  }
0xaa: {  	s6 =	sor.u32 @p0 s7, s6  }
0xab: {  	[sflag:s6] =	ssyncadd.remote.s32 @p0 $0x1;
	_ =	sdelay $0x1  }
0xac: {  	s6 =	simm.s32 @p0 $0x1B8D  }
0xad: {  	_ =	swait.eq @p0 [sflag:s6], $0x1  }
0xae: {  	[sflag:s6] =	ssyncadd.s32 @p0 $0xFFFFFFFF  }
0xaf: {  	s7 =	sshll.u32 @!p0 s1, $0xE  }
0xb0: {  	s7 =	sor.u32 @!p0 $0x4000, s7;
	s6 =	simm.s32 @!p0 $0x1B8D  }
0xb1: {  	s5 =	sshll.u32 @!p0 s5, $0x11;
	s7 =	sadd.s32 @!p0 $0x11B8D, s7;
	_ =	swait.eq @!p0 [sflag:s6], $0x1  }
0xb2: {  	s5 =	sor.u32 @!p0 s5, s7;
	[sflag:s6] =	ssyncadd.s32 @!p0 $0xFFFFFFFF  }
0xb3: {  	s25 =	simm.s32 $0x1B8E;
	s24 =	sld [smem:$0x3FFE];
	[sflag:s5] =	ssyncadd.remote.s32 @!p0 $0x1  }
0xb4: {  	s26 =	simm.s32 $execute0_lowered;
	[smem:$0x3FD2] =	sst s25  }
0xb5: {  	s6 =	sshll.u32 s26, $0x1;
	_ =	strace $0x8000004F;
	[dreg:$0x1] =	wrdreg $0xFFFFFFFF  }
0xb6: {  	s28 =	simm.s32 $_size_execute0_lowered;
	s4 =	sadd.s32 s4, s6;
	[dreg:$0x0] =	wrdreg $0x0  }
0xb7: {  	s6 =	sshll.u32 s28, $0x1;
	[dreg:$0x2] =	wrdreg s4  }
0xb8: {  	[dreg:$0x3] =	wrdreg s6  }
0xb9: {  	[dreg:$0x4] =	wrdreg $0xC0  }
0xba: {  	_ =	task [dreg:s22], $0x5FFFF  }
0xbb: {  	[dreg:$0x1] =	wrdreg $0xFFFFFFFF  }
0xbc: {  	[dreg:$0x0] =	wrdreg $0x60  }
0xbd: {  	[dreg:$0x2] =	wrdreg s24  }
0xbe: {  	[dreg:$0x3] =	wrdreg s18  }
0xbf: {  	[dreg:$0x4] =	wrdreg $0x0  }
0xc0: {  	[dreg:$0x5] =	wrdreg $0x138800  }
0xc1: {  	[dreg:$0x6] =	wrdreg $0x9  }
0xc2: {  	_ =	task.clear_ibuf [dreg:s22], $0x7FFFF;
	_ =	strace $0x9000004F  }
0xc3: {  	s29 =	simm.s32 $0x9;
	_ =	strace $0x80000051  }
0xc4: {  	_ =	swait.ge [sflag:s29], $0x1  }
0xc5: {  	[sflag:s29] =	ssyncadd.s32 $0xFFFFFFFF  }
0xc6: {  	_ =	strace $0x90000051  }
0xc7: {  	_ =	sfence  }
0xc8: {  	s30 =	sld [smem:$0x0];
	_ =	sdelay $0x2  }
0xc9: {  	s31 =	sshll.u32 s1, $0xD;
	s1 =	sshrl.u32 s1, $0x2  }
0xca: {  	s4 =	sand.u32 $0x4000, s31;
	s1 =	sadd.s32 s1, s30  }
0xcb: {  	s0 =	sor.u32 s4, s0;
	s1 =	sshll.u32 s1, $0x11  }
0xcc: {  	s0 =	sor.u32 s1, s0  }
0xcd: {  	s0 =	sadd.s32 $0x8F2B, s0  }
0xce: {  	[sflag:s0] =	ssyncadd.remote.s32 $0x1  }
0xcf: {  	_ =	sfence.sel $0xFFFF  }
0xd0: {  	[dreg:$0x0] =	wrdreg $0xFFFFFFFF;
	(pc) =	sbr.abs _section_cstart, $3  }
0xd1: {  	[dreg:$0x1] =	wrdreg $0xFFFFFFFF  }
0xd2: {  	_ =	task.clear_ibuf [dreg:s22], $0x2FFFF;
	_ =	strace $0x9FFFFFFF  }
0xd3: {  	(tm) =	ssettm $0x7FFFFFFF  }
tec
execute0_lowered:
.L_overlay_start_1:
0x0: {  	(tag) =	ssettag $0x1  }
0x1: {  	s0 =	rddreg [dreg:$0x0]  }
0x2: {  	s1 =	srdreg.scid;
	s19 =	stileid.u32  }
0x3: {  	s4 =	rddreg [dreg:$0x1];
	s23 =	smul.u32 $0x271, s19  }
0x4: {  	s2 =	rddreg [dreg:$0x3];
	s5 =	sand.u32 $0x1, s1;
	s30 =	smul.u32 $0x1388, s19  }
0x5: {  	s29 =	simm.s32 $0x0;
	s1 =	rddreg [dreg:$0x2];
	s10 =	smul.u32 $0x27100, s5  }
0x6: {  	s7 =	sadd.s32 $0xEBEA00, s0;
	s3 =	sshll.u32 s5, $0x4;
	s28 =	smul.u32 $0x4E20, s5  }
0x7: {  	s12 =	ssub.s32 $0x2, s5;
	s5 =	smul.u32 $0x13880, s5;
	s6 =	sor.u32 s19, s3  }
0x8: {  	s9 =	sadd.s32 $0xA34A00, s0;
	s3 =	simm.s32 $0x0;
	s8 =	smul.u32 $0x1388, s6  }
0x9: {  	s22 =	sshrl.u32 s12, $0x1;
	s15 =	sadd.s32 $0x177, s23;
	s13 =	smul.u32 $0x13880, s6  }
0xa: {  	s16 =	sadd.s32 $0x1F4, s23;
	[smem:$0x7FF] =	sst s3;
	s6 =	smul.u32 $0x2710, s6  }
0xb: {  	s12 =	ssub.s32 s12, s22;
	s4 =	sadd.s32 s4, s28;
	s5 =	sadd.s32 s30, s5  }
0xc: {  	s28 =	sshll.u32 s16, $0x1;
	s30 =	smul.u32 $0x4E200, s19;
	s18 =	sadd.s32 $0x78, s5  }
0xd: {  	s5 =	sadd.s32 $0x50, s5;
	s11 =	sshrl.u32 s8, $0x3;
	s24 =	sadd.s32 s7, s13  }
0xe: {  	s6 =	sadd.s32 s9, s6;
	s25 =	sadd.s32 $0x28, s8;
	s13 =	sadd.s32 $0xFA, s23  }
0xf: {  	s8 =	sadd.s32 $0x1360, s8;
	s20 =	sshrl.u32 s18, $0x3;
	s5 =	sshrl.u32 s5, $0x3  }
0x10: {  	s14 =	sadd.s32 s11, s0;
	s0 =	sadd.s32 s10, s0;
	[dreg:$0x5] =	wrdreg s24  }
0x11: {  	[dreg:$0x6] =	wrdreg s6;
	s26 =	sshll.u32 s25, $0x4;
	s6 =	sshll.u32 s25, $0x1  }
0x12: {  	s17 =	sshll.u32 s8, $0x4;
	s8 =	sshll.u32 s8, $0x1;
	s21 =	sshll.u32 s5, $0x4  }
0x13: {  	s5 =	sshll.u32 s5, $0x7;
	s22 =	sshll.u32 s13, $0x1;
	s11 =	sadd.s32 s7, s26  }
0x14: {  	s6 =	sadd.s32 s9, s6;
	s10 =	sadd.s32 s7, s17;
	[dreg:$0x7] =	wrdreg s11  }
0x15: {  	s8 =	sadd.s32 s9, s8;
	s17 =	smul.u32 $0x4E2, s19;
	[dreg:$0x8] =	wrdreg s6  }
0x16: {  	s5 =	sadd.s32 s5, s7;
	s26 =	sadd.s32 s22, s4;
	[dreg:$0x9] =	wrdreg s10  }
0x17: {  	s22 =	smul.u32 $0x2710, s19;
	s6 =	sadd.s32 $0x7D, s23;
	[dreg:$0xa] =	wrdreg s8  }
0x18: {  	s10 =	sshll.u32 s20, $0x4;
	s8 =	sshll.u32 s20, $0x7;
	[dreg:$0xc] =	wrdreg s5  }
0x19: {  	s11 =	sadd.s32 s21, s9;
	s23 =	sshll.u32 s15, $0x1;
	[dreg:$0xf] =	wrdreg s26  }
0x1a: {  	s21 =	sadd.s32 $0xA82C00, s0;
	s20 =	sshll.u32 s13, $0x4;
	s26 =	sshll.u32 s16, $0x7  }
0x1b: {  	s18 =	sshll.u32 s6, $0x1;
	s10 =	sadd.s32 s10, s9;
	s8 =	sadd.s32 s8, s7  }
0x1c: {  	s24 =	sadd.s32 s17, s4;
	s5 =	sadd.s32 s23, s4;
	s7 =	sadd.s32 $0x13800, s14  }
0x1d: {  	s9 =	smax.u32 s12, $0x1;
	s12 =	sshrl.u32 s30, $0x2;
	s17 =	sshll.u32 s6, $0x7  }
0x1e: {  	s6 =	sshll.u32 s6, $0x4;
	s30 =	sshll.u32 s16, $0x4;
	[dreg:$0xb] =	wrdreg s8  }
0x1f: {  	s16 =	simm.s32 $0x3;
	[dreg:$0xd] =	wrdreg s24;
	s25 =	sadd.s32 s18, s4  }
0x20: {  	[dreg:$0x10] =	wrdreg s5;
	s4 =	sadd.s32 s28, s4;
	s8 =	smul.u32 $0x9C40, s19  }
0x21: {  	s23 =	sadd.s32 s12, s1;
	s31 =	sadd.s32 s17, s1;
	[dreg:$0xe] =	wrdreg s25  }
0x22: {  	s18 =	sshll.u32 s13, $0x7;
	s28 =	sshll.u32 s15, $0x4;
	[dreg:$0x11] =	wrdreg s4  }
0x23: {  	s5 =	sadd.s32 s6, s2;
	_ =	strace $0x80000050;
	[dreg:$0x12] =	wrdreg s7  }
0x24: {  	s17 =	simm.s32 $0x19E10;
	s0 =	sadd.s32 s18, s1;
	[dreg:$0x13] =	wrdreg s9  }
0x25: {  	s19 =	simm.s32 $0x1E168;
	s25 =	sshll.u32 s15, $0x7;
	[dreg:$0x15] =	wrdreg s0  }
0x26: {  	s15 =	simm.s32 $0x15F90;
	s18 =	simm.s32 $0x1B968;
	[dreg:$0x14] =	wrdreg s6  }
0x27: {  	s14 =	sshrl.u32 s8, $0x2;
	s4 =	sadd.s32 s25, s1;
	[dreg:$0x16] =	wrdreg s20  }
0x28: {  	s0 =	sadd.s32 s22, s21;
	s6 =	sadd.s32 s20, s2;
	[dreg:$0x18] =	wrdreg s28  }
0x29: {  	s7 =	sadd.s32 s28, s2;
	[dreg:$0x19] =	wrdreg s30;
	s8 =	sadd.s32 s30, s2  }
0x2a: {  	s9 =	simm.s32 $0x1;
	s20 =	simm.s32 $0x1CD68;
	s22 =	simm.s32 $0x1E3E8  }
0x2b: {  	s24 =	sadd.s32 s14, s2;
	[dreg:$0x17] =	wrdreg s4;
	s14 =	sadd.s32 s26, s1  }
0x2c: {  	v0 =	vimm.f32 $0.0e+00;
	[dreg:$0x1a] =	wrdreg s0;
	s4 =	simm.s32 $0x28;
	s26 =	simm.s32 $0x2  }
.LBB2_1:
0x2d: {  	s0 =	rddreg [dreg:$0x12];
	s12 =	simm.s32 $0x1A5E0  }
0x2e: {  	[tilespmem:s12], [sflag:$0x1] =	stream.linear.gather [hbm4b:s0+s3], $0x1388, $0x38;
	[tilespmem:$0x1E668] =	vst v63  }
0x2f: {  	_ =	swait.ge [sflag:s9], $0x1388  }
0x30: {  	[sflag:s9] =	ssyncset.done $0x0  }
0x31: {  	s0 =	simm.s32 $0x15FD0;
	[sflag:s9] =	ssyncadd.s32 $0xFFFFEC78  }
0x32: {  	[tilespmem:s0+$0xFFFFFFD0] =	vst v0  }
0x33: {  	[tilespmem:s0+$0xFFFFFFE0] =	vst v0  }
0x34: {  	[tilespmem:s0+$0xFFFFFFF0] =	vst v0  }
0x35: {  	[tilespmem:s0+$0x0] =	vst v0  }
0x36: {  	[tilespmem:s0+$0x10] =	vst v0  }
0x37: {  	[tilespmem:s0+$0x20] =	vst v0  }
0x38: {  	[tilespmem:s0+$0x30] =	vst v0  }
0x39: {  	s13 =	simm.s32 $0x0;
	s12 =	simm.s32 $0x40;
	[tilespmem:s0+$0xFFFFFFC0] =	vst v0  }
.LBB2_2:
0x3a: {  	p0 =	seq.s32 s12, $0x1F00;
	[tilespmem:s13+$0x19E10] =	vst v0;
	s0 =	sadd.s32 $0x80, s0  }
0x3b: {  	[tilespmem:s0+$0xFFFFFFD0] =	vst v0  }
0x3c: {  	[tilespmem:s0+$0xFFFFFFE0] =	vst v0  }
0x3d: {  	[tilespmem:s0+$0xFFFFFFF0] =	vst v0  }
.Ltmp0:
0x3e: {  	[tilespmem:s0+$0x0] =	vst v0;
	(pc) =	sbr.rel @!p0 .LBB2_2-.Ltmp0, $4  }
0x3f: {  	[tilespmem:s0+$0x10] =	vst v0  }
0x40: {  	[tilespmem:s0+$0x20] =	vst v0  }
0x41: {  	[tilespmem:s0+$0x30] =	vst v0  }
0x42: {  	s13 =	sshra.s32 s12, $0x2;
	s12 =	sadd.s32 $0x40, s12;
	[tilespmem:s0+$0xFFFFFFC0] =	vst v0  }
0x43: {  	[tilespmem:s13+$0x19E10] =	vst v0  }
0x44: {  	[spmem:s23] =	stream.linear.scatter [tilespmem:s15], [sflag:$0x3], $0x3E80, $0x38;
	[tilespmem:$0x1E668] =	vst v63  }
0x45: {  	_ =	swait.ge [sflag:s16], $0x3E80  }
0x46: {  	[sflag:s16] =	ssyncset.done $0x0  }
0x47: {  	[sflag:s16] =	ssyncadd.s32 $0xFFFFC180  }
0x48: {  	[spmem:s24] =	stream.linear.scatter [tilespmem:s17], [sflag:$0x3], $0x7D0, $0x38;
	[tilespmem:$0x1E668] =	vst v63  }
0x49: {  	_ =	swait.ge [sflag:s16], $0x7D0  }
0x4a: {  	[sflag:s16] =	ssyncset.done $0x0  }
0x4b: {  	[sflag:s16] =	ssyncadd.s32 $0xFFFFF830  }
0x4c: {  	[spmem:s31] =	stream.linear.scatter [tilespmem:s15], [sflag:$0x3], $0x3E80, $0x38;
	[tilespmem:$0x1E668] =	vst v63  }
0x4d: {  	_ =	swait.ge [sflag:s16], $0x3E80  }
0x4e: {  	[sflag:s16] =	ssyncset.done $0x0  }
0x4f: {  	[sflag:s16] =	ssyncadd.s32 $0xFFFFC180  }
0x50: {  	[spmem:s5] =	stream.linear.scatter [tilespmem:s17], [sflag:$0x3], $0x7D0, $0x38;
	[tilespmem:$0x1E668] =	vst v63  }
0x51: {  	_ =	swait.ge [sflag:s16], $0x7D0  }
0x52: {  	[sflag:s16] =	ssyncset.done $0x0  }
0x53: {  	s0 =	rddreg [dreg:$0x15];
	[sflag:s16] =	ssyncadd.s32 $0xFFFFF830  }
0x54: {  	[spmem:s0] =	stream.linear.scatter [tilespmem:s15], [sflag:$0x3], $0x3E80, $0x38;
	[tilespmem:$0x1E668] =	vst v63  }
0x55: {  	_ =	swait.ge [sflag:s16], $0x3E80  }
0x56: {  	[sflag:s16] =	ssyncset.done $0x0  }
0x57: {  	[sflag:s16] =	ssyncadd.s32 $0xFFFFC180  }
0x58: {  	[spmem:s6] =	stream.linear.scatter [tilespmem:s17], [sflag:$0x3], $0x7D0, $0x38;
	[tilespmem:$0x1E668] =	vst v63  }
0x59: {  	_ =	swait.ge [sflag:s16], $0x7D0  }
0x5a: {  	[sflag:s16] =	ssyncset.done $0x0  }
0x5b: {  	s13 =	rddreg [dreg:$0x17];
	[sflag:s16] =	ssyncadd.s32 $0xFFFFF830  }
0x5c: {  	[spmem:s13] =	stream.linear.scatter [tilespmem:s15], [sflag:$0x3], $0x3E80, $0x38;
	[tilespmem:$0x1E668] =	vst v63  }
0x5d: {  	_ =	swait.ge [sflag:s16], $0x3E80  }
0x5e: {  	[sflag:s16] =	ssyncset.done $0x0  }
0x5f: {  	[sflag:s16] =	ssyncadd.s32 $0xFFFFC180  }
0x60: {  	[spmem:s7] =	stream.linear.scatter [tilespmem:s17], [sflag:$0x3], $0x7D0, $0x38;
	[tilespmem:$0x1E668] =	vst v63  }
0x61: {  	_ =	swait.ge [sflag:s16], $0x7D0  }
0x62: {  	[sflag:s16] =	ssyncset.done $0x0  }
0x63: {  	[sflag:s16] =	ssyncadd.s32 $0xFFFFF830  }
0x64: {  	[spmem:s14] =	stream.linear.scatter [tilespmem:s15], [sflag:$0x3], $0x3E80, $0x38;
	[tilespmem:$0x1E668] =	vst v63  }
0x65: {  	_ =	swait.ge [sflag:s16], $0x3E80  }
0x66: {  	[sflag:s16] =	ssyncset.done $0x0  }
0x67: {  	[sflag:s16] =	ssyncadd.s32 $0xFFFFC180  }
0x68: {  	[spmem:s8] =	stream.linear.scatter [tilespmem:s17], [sflag:$0x3], $0x7D0, $0x38;
	[tilespmem:$0x1E668] =	vst v63  }
0x69: {  	_ =	swait.ge [sflag:s16], $0x7D0  }
0x6a: {  	[sflag:s16] =	ssyncset.done $0x0  }
0x6b: {  	[sflag:s16] =	ssyncadd.s32 $0xFFFFF830  }
0x6c: {  	[bflag:$0x0] =	sbarrier.arrive $0xFFFF  }
0x6d: {  	s0 =	simm.s32 $0x0;
	s12 =	rddreg [dreg:$0x5]  }
0x6e: {  	[tilespmem:s18], [sflag:$0x1] =	stream.linear.gather [hbm4b:s12+s0], $0x1400, $0x38;
	[tilespmem:$0x1E668] =	vst v63  }
0x6f: {  	s25 =	rddreg [dreg:$0x6]  }
0x70: {  	[tilespmem:s19], [sflag:$0x1] =	stream.linear.gather [hbm4b:s25+s0], $0x280, $0x38;
	[tilespmem:$0x1E668] =	vst v63  }
0x71: {  	s13 =	rddreg [dreg:$0x7]  }
0x72: {  	[tilespmem:s20], [sflag:$0x2] =	stream.linear.gather [hbm4b:s13+s0], $0x1400, $0x38;
	[tilespmem:$0x1E668] =	vst v63  }
0x73: {  	s25 =	rddreg [dreg:$0x8]  }
0x74: {  	[tilespmem:s22], [sflag:$0x2] =	stream.linear.gather [hbm4b:s25+s0], $0x280, $0x38;
	[tilespmem:$0x1E668] =	vst v63  }
0x75: {  	_ =	swait.ge [sflag:s9], $0x1400  }
0x76: {  	[sflag:s9] =	ssyncset.done $0x0  }
0x77: {  	[sflag:s9] =	ssyncadd.s32 $0xFFFFEC00  }
0x78: {  	_ =	swait.ge [sflag:s9], $0x280  }
0x79: {  	[sflag:s9] =	ssyncset.done $0x0  }
0x7a: {  	s13 =	simm.s32 $0x1A5E0;
	[sflag:s9] =	ssyncadd.s32 $0xFFFFFD80  }
0x7b: {  	[spmem:s1] =	stream.indirect.scatter.add.f32 [tilespmem:s18], [sflag:$0x3], $0x80, s13, s4, $0xb8;
	[tilespmem:$0x1E668] =	vst v63  }
0x7c: {  	_ =	swait.ge [sflag:s16], $0x1400  }
0x7d: {  	[sflag:s16] =	ssyncset.done $0x0  }
0x7e: {  	[sflag:s16] =	ssyncadd.s32 $0xFFFFEC00  }
0x7f: {  	[spmem:s2] =	stream.indirect.scatter.add.f32 [tilespmem:s19], [sflag:$0x3], $0x10, s13, s4, $0xb8;
	[tilespmem:$0x1E668] =	vst v63  }
0x80: {  	_ =	swait.ge [sflag:s16], $0x280  }
0x81: {  	[sflag:s16] =	ssyncset.done $0x0  }
0x82: {  	s13 =	rddreg [dreg:$0xc];
	[sflag:s16] =	ssyncadd.s32 $0xFFFFFD80  }
0x83: {  	[tilespmem:s18], [sflag:$0x1] =	stream.linear.gather [hbm4b:s13+s3], $0x1400, $0x38;
	[tilespmem:$0x1E668] =	vst v63  }
0x84: {  	s25 =	smov.u32 s23;
	s23 =	sadd.s32 $0x0, s11  }
0x85: {  	[tilespmem:s19], [sflag:$0x1] =	stream.linear.gather [hbm4b:s23+s3], $0x280, $0x38;
	[tilespmem:$0x1E668] =	vst v63  }
0x86: {  	_ =	swait.ge [sflag:s26], $0x1400  }
0x87: {  	[sflag:s26] =	ssyncset.done $0x0  }
0x88: {  	[sflag:s26] =	ssyncadd.s32 $0xFFFFEC00  }
0x89: {  	_ =	swait.ge [sflag:s26], $0x280  }
0x8a: {  	[sflag:s26] =	ssyncset.done $0x0  }
0x8b: {  	s0 =	simm.s32 $0x1A608;
	[sflag:s26] =	ssyncadd.s32 $0xFFFFFD80  }
0x8c: {  	[spmem:s1] =	stream.indirect.scatter.add.f32 [tilespmem:s20], [sflag:$0x3], $0x80, s0, s4, $0xb8;
	[tilespmem:$0x1E668] =	vst v63  }
0x8d: {  	_ =	swait.ge [sflag:s16], $0x1400  }
0x8e: {  	[sflag:s16] =	ssyncset.done $0x0  }
0x8f: {  	s28 =	smov.u32 s24;
	s30 =	smov.u32 s31;
	[sflag:s16] =	ssyncadd.s32 $0xFFFFEC00  }
0x90: {  	[spmem:s2] =	stream.indirect.scatter.add.f32 [tilespmem:s22], [sflag:$0x3], $0x10, s0, s4, $0xb8;
	[tilespmem:$0x1E668] =	vst v63  }
0x91: {  	s31 =	simm.s32 $0xA0;
	s13 =	sadd.s32 $0x500, s13;
	_ =	swait.ge [sflag:s16], $0x280  }
0x92: {  	s23 =	sadd.s32 $0x0, s10;
	[sflag:s16] =	ssyncset.done $0x0;
	s24 =	rddreg [dreg:$0xb]  }
0x93: {  	s0 =	simm.s32 $0x1A658;
	[sflag:s16] =	ssyncadd.s32 $0xFFFFFD80;
	s12 =	sadd.s32 $0x500, s24  }
0x94: {  	[tilespmem:s20], [sflag:$0x2] =	stream.linear.gather [hbm4b:s24+s3], $0x1400, $0x38;
	[tilespmem:$0x1E668] =	vst v63  }
.LBB2_4:
0x95: {  	[tilespmem:s22], [sflag:$0x2] =	stream.linear.gather [hbm4b:s23+s3], $0x280, $0x38;
	[tilespmem:$0x1E668] =	vst v63  }
0x96: {  	s23 =	smov.u32 s31  }
0x97: {  	p0 =	sne.s32 s31, $0x2580;
	s31 =	sadd.s32 $0xA0, s31;
	_ =	swait.ge [sflag:s9], $0x1400  }
0x98: {  	[sflag:s9] =	ssyncset.done $0x0  }
0x99: {  	[sflag:s9] =	ssyncadd.s32 $0xFFFFEC00  }
0x9a: {  	_ =	swait.ge [sflag:s9], $0x280  }
0x9b: {  	[sflag:s9] =	ssyncset.done $0x0  }
0x9c: {  	s24 =	sadd.s32 $0xFFFFFFD8, s0;
	[sflag:s9] =	ssyncadd.s32 $0xFFFFFD80  }
0x9d: {  	[spmem:s1] =	stream.indirect.scatter.add.f32 [tilespmem:s18], [sflag:$0x3], $0x80, s24, s4, $0xb8;
	[tilespmem:$0x1E668] =	vst v63  }
0x9e: {  	_ =	swait.ge [sflag:s16], $0x1400  }
0x9f: {  	[sflag:s16] =	ssyncset.done $0x0  }
0xa0: {  	[sflag:s16] =	ssyncadd.s32 $0xFFFFEC00  }
0xa1: {  	[spmem:s2] =	stream.indirect.scatter.add.f32 [tilespmem:s19], [sflag:$0x3], $0x10, s24, s4, $0xb8;
	[tilespmem:$0x1E668] =	vst v63  }
0xa2: {  	_ =	swait.ge [sflag:s16], $0x280  }
0xa3: {  	[sflag:s16] =	ssyncset.done $0x0  }
0xa4: {  	[sflag:s16] =	ssyncadd.s32 $0xFFFFFD80  }
0xa5: {  	[tilespmem:s18], [sflag:$0x1] =	stream.linear.gather [hbm4b:s13+s3], $0x1400, $0x38;
	[tilespmem:$0x1E668] =	vst v63  }
0xa6: {  	s24 =	sadd.s32 s23, s11  }
0xa7: {  	[tilespmem:s19], [sflag:$0x1] =	stream.linear.gather [hbm4b:s24+s3], $0x280, $0x38;
	[tilespmem:$0x1E668] =	vst v63  }
0xa8: {  	_ =	swait.ge [sflag:s26], $0x1400  }
0xa9: {  	[sflag:s26] =	ssyncset.done $0x0  }
0xaa: {  	[sflag:s26] =	ssyncadd.s32 $0xFFFFEC00  }
0xab: {  	_ =	swait.ge [sflag:s26], $0x280  }
0xac: {  	[sflag:s26] =	ssyncset.done $0x0  }
0xad: {  	[sflag:s26] =	ssyncadd.s32 $0xFFFFFD80  }
0xae: {  	[spmem:s1] =	stream.indirect.scatter.add.f32 [tilespmem:s20], [sflag:$0x3], $0x80, s0, s4, $0xb8;
	[tilespmem:$0x1E668] =	vst v63  }
0xaf: {  	_ =	swait.ge [sflag:s16], $0x1400  }
0xb0: {  	[sflag:s16] =	ssyncset.done $0x0  }
0xb1: {  	[sflag:s16] =	ssyncadd.s32 $0xFFFFEC00  }
0xb2: {  	[spmem:s2] =	stream.indirect.scatter.add.f32 [tilespmem:s22], [sflag:$0x3], $0x10, s0, s4, $0xb8;
	[tilespmem:$0x1E668] =	vst v63  }
.Ltmp1:
0xb3: {  	_ =	swait.ge [sflag:s16], $0x280;
	(pc) =	sbr.rel @p0 .LBB2_4-.Ltmp1, $4  }
0xb4: {  	[sflag:s16] =	ssyncset.done $0x0  }
0xb5: {  	s0 =	sadd.s32 $0x50, s0;
	[sflag:s16] =	ssyncadd.s32 $0xFFFFFD80  }
0xb6: {  	[tilespmem:s20], [sflag:$0x2] =	stream.linear.gather [hbm4b:s12+s3], $0x1400, $0x38;
	[tilespmem:$0x1E668] =	vst v63  }
0xb7: {  	s23 =	sadd.s32 s23, s10;
	s13 =	sadd.s32 $0x500, s13;
	s12 =	sadd.s32 $0x500, s12  }
0xb8: {  	[tilespmem:s22], [sflag:$0x2] =	stream.linear.gather [hbm4b:s23+s3], $0x280, $0x38;
	[tilespmem:$0x1E668] =	vst v63  }
0xb9: {  	_ =	swait.ge [sflag:s9], $0x1400  }
0xba: {  	[sflag:s9] =	ssyncset.done $0x0  }
0xbb: {  	[sflag:s9] =	ssyncadd.s32 $0xFFFFEC00  }
0xbc: {  	_ =	swait.ge [sflag:s9], $0x280  }
0xbd: {  	[sflag:s9] =	ssyncset.done $0x0  }
0xbe: {  	s0 =	simm.s32 $0x1B8F0;
	[sflag:s9] =	ssyncadd.s32 $0xFFFFFD80  }
0xbf: {  	[spmem:s1] =	stream.indirect.scatter.add.f32 [tilespmem:s18], [sflag:$0x3], $0x80, s0, s4, $0xb8;
	[tilespmem:$0x1E668] =	vst v63  }
0xc0: {  	_ =	swait.ge [sflag:s16], $0x1400  }
0xc1: {  	[sflag:s16] =	ssyncset.done $0x0  }
0xc2: {  	[sflag:s16] =	ssyncadd.s32 $0xFFFFEC00  }
0xc3: {  	[spmem:s2] =	stream.indirect.scatter.add.f32 [tilespmem:s19], [sflag:$0x3], $0x10, s0, s4, $0xb8;
	[tilespmem:$0x1E668] =	vst v63  }
0xc4: {  	_ =	swait.ge [sflag:s16], $0x280  }
0xc5: {  	[sflag:s16] =	ssyncset.done $0x0  }
0xc6: {  	s12 =	rddreg [dreg:$0x9];
	[sflag:s16] =	ssyncadd.s32 $0xFFFFFD80  }
0xc7: {  	[tilespmem:s18], [sflag:$0x1] =	stream.linear.gather [hbm4b:s12+s3], $0x1400, $0x38;
	[tilespmem:$0x1E668] =	vst v63  }
0xc8: {  	s13 =	rddreg [dreg:$0xa]  }
0xc9: {  	[tilespmem:s19], [sflag:$0x1] =	stream.linear.gather [hbm4b:s13+s3], $0x280, $0x38;
	[tilespmem:$0x1E668] =	vst v63  }
0xca: {  	_ =	swait.ge [sflag:s26], $0x1400  }
0xcb: {  	[sflag:s26] =	ssyncset.done $0x0  }
0xcc: {  	[sflag:s26] =	ssyncadd.s32 $0xFFFFEC00  }
0xcd: {  	_ =	swait.ge [sflag:s26], $0x280  }
0xce: {  	[sflag:s26] =	ssyncset.done $0x0  }
0xcf: {  	s23 =	simm.s32 $0x1B918;
	[sflag:s26] =	ssyncadd.s32 $0xFFFFFD80  }
0xd0: {  	[spmem:s1] =	stream.indirect.scatter.add.f32 [tilespmem:s20], [sflag:$0x3], $0x80, s23, s4, $0xb8;
	[tilespmem:$0x1E668] =	vst v63  }
0xd1: {  	_ =	swait.ge [sflag:s16], $0x1400  }
0xd2: {  	[sflag:s16] =	ssyncset.done $0x0  }
0xd3: {  	[sflag:s16] =	ssyncadd.s32 $0xFFFFEC00  }
0xd4: {  	[spmem:s2] =	stream.indirect.scatter.add.f32 [tilespmem:s22], [sflag:$0x3], $0x10, s23, s4, $0xb8;
	[tilespmem:$0x1E668] =	vst v63  }
0xd5: {  	_ =	swait.ge [sflag:s16], $0x280  }
0xd6: {  	[sflag:s16] =	ssyncset.done $0x0  }
0xd7: {  	[sflag:s16] =	ssyncadd.s32 $0xFFFFFD80  }
0xd8: {  	_ =	swait.ge [sflag:s9], $0x1400  }
0xd9: {  	[sflag:s9] =	ssyncset.done $0x0  }
0xda: {  	[sflag:s9] =	ssyncadd.s32 $0xFFFFEC00  }
0xdb: {  	_ =	swait.ge [sflag:s9], $0x280  }
0xdc: {  	[sflag:s9] =	ssyncset.done $0x0  }
0xdd: {  	s24 =	simm.s32 $0x1B940;
	[sflag:s9] =	ssyncadd.s32 $0xFFFFFD80  }
0xde: {  	[spmem:s1] =	stream.indirect.scatter.add.f32 [tilespmem:s18], [sflag:$0x3], $0x80, s24, s4, $0xb8;
	[tilespmem:$0x1E668] =	vst v63  }
0xdf: {  	_ =	swait.ge [sflag:s16], $0x1400  }
0xe0: {  	[sflag:s16] =	ssyncset.done $0x0  }
0xe1: {  	[sflag:s16] =	ssyncadd.s32 $0xFFFFEC00  }
0xe2: {  	[spmem:s2] =	stream.indirect.scatter.add.f32 [tilespmem:s19], [sflag:$0x3], $0x10, s24, s4, $0xb8;
	[tilespmem:$0x1E668] =	vst v63  }
0xe3: {  	_ =	swait.ge [sflag:s16], $0x280  }
0xe4: {  	[sflag:s16] =	ssyncset.done $0x0  }
0xe5: {  	s12 =	stileid.u32;
	[sflag:s16] =	ssyncadd.s32 $0xFFFFFD80  }
0xe6: {  	s0 =	sshll.u32 s12, $0x6;
	[bflag:$0x0] =	sbarrier.arrive $0xFFFF  }
0xe7: {  	s12 =	sshrl.u32 s25, $0x3;
	s0 =	sor.u32 $0x1C03, s0;
	s13 =	rddreg [dreg:$0x1a]  }
0xe8: {  	[hbm:s13], [sflag:s0] =	dma.local [spmem:s12], $0x7D0  }
0xe9: {  	_ =	swait.ge [sflag:s16], $0x7D0  }
0xea: {  	s23 =	smov.u32 s25;
	[sflag:s16] =	ssyncset.done $0x0  }
0xeb: {  	s13 =	sshrl.u32 s28, $0x3;
	s25 =	rddreg [dreg:$0xd];
	[sflag:s16] =	ssyncadd.s32 $0xFFFFF830  }
0xec: {  	[hbm:s25], [sflag:s0] =	dma.local [spmem:s13], $0xFA  }
0xed: {  	s31 =	smov.u32 s30;
	_ =	swait.ge [sflag:s16], $0xFA  }
0xee: {  	s24 =	smov.u32 s28;
	[sflag:s16] =	ssyncset.done $0x0;
	s28 =	rddreg [dreg:$0x14]  }
0xef: {  	s30 =	sshrl.u32 s30, $0x3;
	[sflag:s16] =	ssyncadd.s32 $0xFFFFFF06;
	s12 =	sadd.s32 s28, s21  }
0xf0: {  	[hbm:s12], [sflag:s0] =	dma.local [spmem:s30], $0x7D0  }
0xf1: {  	_ =	swait.ge [sflag:s16], $0x7D0  }
0xf2: {  	[sflag:s16] =	ssyncset.done $0x0  }
0xf3: {  	s13 =	sshrl.u32 s5, $0x3;
	s25 =	rddreg [dreg:$0xe];
	[sflag:s16] =	ssyncadd.s32 $0xFFFFF830  }
0xf4: {  	[hbm:s25], [sflag:s0] =	dma.local [spmem:s13], $0xFA  }
0xf5: {  	_ =	swait.ge [sflag:s16], $0xFA  }
0xf6: {  	s28 =	rddreg [dreg:$0x16]  }
0xf7: {  	[sflag:s16] =	ssyncset.done $0x0;
	s30 =	rddreg [dreg:$0x15]  }
0xf8: {  	[sflag:s16] =	ssyncadd.s32 $0xFFFFFF06;
	s12 =	sadd.s32 s28, s21;
	s13 =	sshrl.u32 s30, $0x3  }
0xf9: {  	[hbm:s12], [sflag:s0] =	dma.local [spmem:s13], $0x7D0  }
0xfa: {  	_ =	swait.ge [sflag:s16], $0x7D0  }
0xfb: {  	[sflag:s16] =	ssyncset.done $0x0  }
0xfc: {  	s13 =	sshrl.u32 s6, $0x3;
	s25 =	rddreg [dreg:$0xf];
	[sflag:s16] =	ssyncadd.s32 $0xFFFFF830  }
0xfd: {  	[hbm:s25], [sflag:s0] =	dma.local [spmem:s13], $0xFA  }
0xfe: {  	_ =	swait.ge [sflag:s16], $0xFA  }
0xff: {  	s28 =	rddreg [dreg:$0x18]  }
0x100: {  	[sflag:s16] =	ssyncset.done $0x0;
	s30 =	rddreg [dreg:$0x17]  }
0x101: {  	[sflag:s16] =	ssyncadd.s32 $0xFFFFFF06;
	s12 =	sadd.s32 s28, s21;
	s13 =	sshrl.u32 s30, $0x3  }
0x102: {  	[hbm:s12], [sflag:s0] =	dma.local [spmem:s13], $0x7D0  }
0x103: {  	_ =	swait.ge [sflag:s16], $0x7D0  }
0x104: {  	[sflag:s16] =	ssyncset.done $0x0  }
0x105: {  	s13 =	sshrl.u32 s7, $0x3;
	s25 =	rddreg [dreg:$0x10];
	[sflag:s16] =	ssyncadd.s32 $0xFFFFF830  }
0x106: {  	[hbm:s25], [sflag:s0] =	dma.local [spmem:s13], $0xFA  }
0x107: {  	_ =	swait.ge [sflag:s16], $0xFA  }
0x108: {  	[sflag:s16] =	ssyncset.done $0x0;
	s28 =	rddreg [dreg:$0x19]  }
0x109: {  	s30 =	sshrl.u32 s14, $0x3;
	[sflag:s16] =	ssyncadd.s32 $0xFFFFFF06;
	s12 =	sadd.s32 s28, s21  }
0x10a: {  	[hbm:s12], [sflag:s0] =	dma.local [spmem:s30], $0x7D0  }
0x10b: {  	_ =	swait.ge [sflag:s16], $0x7D0  }
0x10c: {  	[sflag:s16] =	ssyncset.done $0x0  }
0x10d: {  	s25 =	sshrl.u32 s8, $0x3;
	s28 =	rddreg [dreg:$0x11];
	[sflag:s16] =	ssyncadd.s32 $0xFFFFF830  }
0x10e: {  	[hbm:s28], [sflag:s0] =	dma.local [spmem:s25], $0xFA  }
0x10f: {  	_ =	swait.ge [sflag:s16], $0xFA  }
0x110: {  	s29 =	sadd.s32 $0x1, s29;
	s30 =	rddreg [dreg:$0x13]  }
0x111: {  	p0 =	sne.s32 s29, s30  }
.Ltmp2:
0x112: {  	_ = 	snop;
	(pc) =	sbr.rel @p0 .LBB2_1-.Ltmp2, $3  }
0x113: {  	_ =	sdelay $0x1  }
0x114: {  	[sflag:s16] =	ssyncset.done $0x0  }
0x115: {  	[sflag:s16] =	ssyncadd.s32 $0xFFFFFF06  }
0x116: {  	_ =	sfence.sel $0x180000  }
0x117: {  	[bflag:$0x0] =	sbarrier.arrive $0xFFFF  }
0x118: {  	_ =	strace $0x90000050  }
0x119: {  	s0 =	stileid.u32;
	[bflag:$0x2] =	sbarrier.arrive $0xFFFF  }
0x11a: {  	p0 =	sne.s32 s0, $0x0;
	s0 =	rddreg [dreg:$0x4]  }
0x11b: {  	s0 =	sadd.s32 @!p0 $0x100000, s0  }
0x11c: {  	[sflag:s0] =	ssyncadd.tile.s32 @!p0 $0x1;
	_ =	shalt  }
.Lfunc_end2:
_tile_overlayer_lowered:
.L_overlay_start_2:
0x11d: {  	(tag) =	ssettag $0x2  }
0x11e: {  	s0 =	rddreg [dreg:$0x0];
	s2 =	stileid.u32  }
0x11f: {  	s1 =	rddreg [dreg:$0x1];
	p0 =	sne.s32 s2, $0x0  }
0x120: {  	s3 =	rddreg [dreg:$0x2];
	[bflag:$0x3] =	sbarrier.arrive $0xFFFF;
	s2 =	simm.s32 @!p0 $0x1C03  }
0x121: {  	[timem:s3], [sflag:s2] =	dma.local @!p0 [hbm:s0], s1  }
0x122: {  	s0 =	simm.s32 @!p0 $0x3  }
0x123: {  	_ =	swait.ge @!p0 [sflag:s0], s1  }
0x124: {  	s1 =	ssub.s32 @!p0 $0x0, s1;
	[sflag:s0] =	ssyncset.done @!p0 $0x0  }
0x125: {  	[sflag:s0] =	ssyncadd.s32 @!p0 s1  }
0x126: {  	[bflag:$0x3] =	sbarrier.arrive $0xFFFF  }
0x127: {  	_ =	shalt  }

// kernel: kernel.15.cloned.1.call-start
scs
__scs_entry_jumppad:
0x0: {  	(pc) =	sbr.rel $0x88, $3  }
0x1: {  	(tag) =	ssettag $0x0;
	lr =	simm.s32 $0x1  }
0x2: {  	[smem:$0x3F94] =	sst lr;
	_ =	strace $0xD0000000  }
0x3: {  	_ = 	snop  }
0x4: {  	_ = 	snop  }
0x5: {  	_ = 	snop  }
0x6: {  	_ = 	snop  }
0x7: {  	_ = 	snop  }
__scs_overlays_trampoline_lowered:
0x8: {  	[smem:$0x3FA3] =	sst s0  }
0x9: {  	[smem:$0x3FA4] =	sst s1  }
0xa: {  	[smem:$0x3FA5] =	sst s2  }
0xb: {  	[smem:$0x3FA6] =	sst s3  }
0xc: {  	[smem:$0x3FA7] =	sst s4  }
0xd: {  	[smem:$0x3FA8] =	sst s5  }
0xe: {  	[smem:$0x3FA9] =	sst s6  }
0xf: {  	[smem:$0x3FAA] =	sst s7  }
0x10: {  	[smem:$0x3FAB] =	sst s8  }
0x11: {  	[smem:$0x3FAC] =	sst s9;
	s0 =	simm.s32 @!p0 $0x0  }
0x12: {  	s1 =	sld [smem:$0x3F92];
	s0 =	simm.s32 @p0 $0x1  }
0x13: {  	[smem:$0x3FAD] =	sst s0;
	s0 =	simm.s32 @!p1 $0x0  }
0x14: {  	s2 =	sld [smem:$0x3F91];
	s0 =	simm.s32 @p1 $0x1  }
0x15: {  	[smem:$0x3FAE] =	sst s0;
	s0 =	simm.s32 @!p2 $0x0  }
0x16: {  	s3 =	sld [smem:$0x3FDB];
	s0 =	simm.s32 @p2 $0x1  }
0x17: {  	s4 =	simm.s32 $0x1BF5;
	[smem:$0x3FB0] =	sst s0  }
0x18: {  	s0 =	sld [smem:$0x3F93];
	_ =	swait.ge [sflag:s4], $0x0  }
0x19: {  	s7 =	sld [smem:$0x3F94]  }
0x1a: {  	s8 =	sadd.s32 $0xFFFFE003, lr  }
0x1b: {  	s9 =	sadd.s32 $0xFFFFFEF7, lr;
	s5 =	simm.s32 $0xFFFFFFFF;
	p2 =	slt.u32 s8, $0xFFFFF086  }
0x1c: {  	p1 =	slt.u32 s9, $0xF7A;
	s5 =	simm.s32 @!p2 $0x0  }
0x1d: {  	s5 =	simm.s32 @p1 $0x1;
	p0 =	seq.s32 s7, s2  }
0x1e: {  	s7 =	smul.u32 @!p0 $0xF7A, s2;
	p2 =	seq.s32 @!p0 s5, $0x0  }
0x1f: {  	s9 =	smul.u32 $0xF7A, s1;
	s8 =	simm.s32 @!p0 $0x1BF5;
	p2 =	por !p2, p0  }
0x20: {  	[sflag:s8] =	ssyncset.s32 @!p0 $0xFFFFF086;
	s6 =	sadd.s32 @!p0 s3, s7;
	s7 =	simm.s32 @!p0 $0x108  }
0x21: {  	s3 =	sadd.s32 s3, s9;
	s6 =	sadd.s32 @!p0 $0x88, s6;
	s7 =	simm.s32 @p2 $0x1082  }
0x22: {  	[simem:s7], [sflag:s8] =	dma.local @!p0 [hbm:s6], $0xF7A  }
0x23: {  	s9 =	sor.u32 $0xD0000000, s2;
	s6 =	simm.s32 $0x108;
	_ =	swait.ge @!p0 [sflag:s8], $0x0  }
0x24: {  	s3 =	sadd.s32 $0x88, s3;
	s6 =	simm.s32 @!p1 $0x1082;
	[sflag:s4] =	ssyncset.s32 $0xFFFFF086  }
0x25: {  	[simem:s6], [sflag:s4] =	dma.local [hbm:s3], $0xF7A  }
0x26: {  	[smem:$0x3F94] =	sst s1;
	(tag) =	ssettag s2;
	_ =	strace s9  }
0x27: {  	s1 =	sld [smem:$0x3FA4]  }
0x28: {  	s2 =	sld [smem:$0x3FA5]  }
0x29: {  	s4 =	sld [smem:$0x3FA7]  }
0x2a: {  	p0 =	seq.s32 s5, $0x0;
	s5 =	sld [smem:$0x3FA8]  }
0x2b: {  	s6 =	sld [smem:$0x3FA9]  }
0x2c: {  	s7 =	sld [smem:$0x3FAA]  }
0x2d: {  	s3 =	simm.s32 $0x108;
	s8 =	sld [smem:$0x3FAB]  }
0x2e: {  	s3 =	simm.s32 @!p0 $0x1082;
	s9 =	sld [smem:$0x3FAC]  }
0x2f: {  	lr =	sadd.s32 s0, s3;
	s0 =	sld [smem:$0x3FA3]  }
0x30: {  	s3 =	sld [smem:$0x3FA6]  }
0x31: {  	[smem:$0x3FAF] =	sst s10  }
0x32: {  	s10 =	sld [smem:$0x3FAD];
	_ =	sdelay $0x3  }
0x33: {  	p0 =	seq.s32 s10, $0x1;
	s10 =	sld [smem:$0x3FAF];
	_ =	sdelay $0x3  }
0x34: {  	[smem:$0x3FAF] =	sst s10  }
0x35: {  	s10 =	sld [smem:$0x3FAE];
	_ =	sdelay $0x3  }
0x36: {  	p1 =	seq.s32 s10, $0x1;
	s10 =	sld [smem:$0x3FAF];
	_ =	sdelay $0x3  }
0x37: {  	[smem:$0x3FAF] =	sst s10  }
0x38: {  	s10 =	sld [smem:$0x3FB0]  }
0x39: {  	_ = 	snop;
	(pc) =	sbr.ind lr, $3  }
0x3a: {  	_ = 	snop  }
0x3b: {  	_ = 	snop  }
0x3c: {  	p2 =	seq.s32 s10, $0x1;
	s10 =	sld [smem:$0x3FAF]  }
0x3d: {  	_ =	shalt  }
0x3e: {  	_ =	shalt  }
0x3f: {  	_ =	shalt  }
0x40: {  	_ =	shalt  }
0x41: {  	_ =	shalt  }
0x42: {  	_ =	shalt  }
0x43: {  	_ =	shalt  }
0x44: {  	_ =	shalt  }
0x45: {  	_ =	shalt  }
0x46: {  	_ =	shalt  }
0x47: {  	_ =	shalt  }
0x48: {  	_ =	shalt  }
0x49: {  	_ =	shalt  }
0x4a: {  	_ =	shalt  }
0x4b: {  	_ =	shalt  }
0x4c: {  	_ =	shalt  }
0x4d: {  	_ =	shalt  }
0x4e: {  	_ =	shalt  }
0x4f: {  	_ =	shalt  }
0x50: {  	_ =	shalt  }
0x51: {  	_ =	shalt  }
0x52: {  	_ =	shalt  }
0x53: {  	_ =	shalt  }
0x54: {  	_ =	shalt  }
0x55: {  	_ =	shalt  }
0x56: {  	_ =	shalt  }
0x57: {  	_ =	shalt  }
0x58: {  	_ =	shalt  }
0x59: {  	_ =	shalt  }
0x5a: {  	_ =	shalt  }
0x5b: {  	_ =	shalt  }
0x5c: {  	_ =	shalt  }
0x5d: {  	_ =	shalt  }
0x5e: {  	_ =	shalt  }
0x5f: {  	_ =	shalt  }
0x60: {  	_ =	shalt  }
0x61: {  	_ =	shalt  }
0x62: {  	_ =	shalt  }
0x63: {  	_ =	shalt  }
0x64: {  	_ =	shalt  }
0x65: {  	_ =	shalt  }
0x66: {  	_ =	shalt  }
0x67: {  	_ =	shalt  }
0x68: {  	_ =	shalt  }
0x69: {  	_ =	shalt  }
0x6a: {  	_ =	shalt  }
0x6b: {  	_ =	shalt  }
0x6c: {  	_ =	shalt  }
0x6d: {  	_ =	shalt  }
0x6e: {  	_ =	shalt  }
0x6f: {  	_ =	shalt  }
0x70: {  	_ =	shalt  }
0x71: {  	_ =	shalt  }
0x72: {  	_ =	shalt  }
0x73: {  	_ =	shalt  }
0x74: {  	_ =	shalt  }
0x75: {  	_ =	shalt  }
0x76: {  	_ =	shalt  }
0x77: {  	_ =	shalt  }
0x78: {  	_ =	shalt  }
0x79: {  	_ =	shalt  }
0x7a: {  	_ =	shalt  }
0x7b: {  	_ =	shalt  }
0x7c: {  	_ =	shalt  }
0x7d: {  	_ =	shalt  }
0x7e: {  	_ =	shalt  }
0x7f: {  	_ =	shalt  }
0x80: {  	_ =	shalt  }
0x81: {  	_ =	shalt  }
0x82: {  	_ =	shalt  }
0x83: {  	_ =	shalt  }
0x84: {  	_ =	shalt  }
0x85: {  	_ =	shalt  }
0x86: {  	_ =	shalt  }
0x87: {  	_ =	shalt  }
.Lfunc_end0:
.L_simem_size_0:
called_computation.2_lowered:
.L_overlay_start_0:
0x88: {  	s2 =	sld [smem:$0x3FD9]  }
0x89: {  	s3 =	sld [smem:$0x3FFE];
	_ =	sdelay $0x1  }
0x8a: {  	s1 =	srdreg.scid  }
0x8b: {  	s0 =	sand.u32 $0x1, s1  }
0x8c: {  	s17 =	sshll.u32 s0, $0xA;
	s2 =	sadd.s32 s3, s2  }
0x8d: {  	s2 =	sadd.s32 s2, s17  }
0x8e: {  	[smem:$0x3FBB] =	sst s2  }
0x8f: {  	_ = 	snop  }
0x90: {  	s2 =	sld [smem:$0x3FC8]  }
0x91: {  	s18 =	sld [smem:$0x3FD0];
	(tm) =	ssettm $0x1  }
0x92: {  	s4 =	sld [smem:$0x3FFB];
	_ =	sdelay $0x3  }
0x93: {  	_ =	strace s4  }
0x94: {  	s4 =	sld [smem:$0x3FFC];
	_ =	sdelay $0x3  }
0x95: {  	_ =	strace s4  }
0x96: {  	s4 =	sld [smem:$0x3FFD];
	_ =	sdelay $0x3  }
0x97: {  	_ =	strace s4  }
0x98: {  	_ =	strace $0x8FFFFFFF  }
0x99: {  	s19 =	sld [smem:$0x3FDB];
	_ =	sdelay $0x1  }
0x9a: {  	s5 =	simm.s32 $_scs_section_size  }
0x9b: {  	s6 =	simm.s32 $_size__tile_overlayer_lowered;
	s7 =	simm.s32 $_tile_overlayer_lowered  }
0x9c: {  	s22 =	simm.s32 $0x1BFF;
	s21 =	sshll.u32 s7, $0x1;
	s4 =	sadd.s32 s5, s19  }
0x9d: {  	s8 =	simm.s32 $0x0;
	s20 =	sshll.u32 s6, $0x1;
	s6 =	sadd.s32 s21, s4  }
0x9e: {  	[timem:s8], [sflag:s22] =	dma.local [hbm:s6], s20  }
0x9f: {  	_ =	swait.ge [sflag:s22], s20  }
0xa0: {  	s5 =	ssub.s32 $0x0, s20;
	[sflag:s22] =	ssyncset.done $0x0  }
0xa1: {  	[sflag:s22] =	ssyncadd.s32 s5;
	_ =	sdelay $0x1  }
0xa2: {  	s23 =	simm.s32 $0x1B8B  }
0xa3: {  	_ =	swait.ge [sflag:s23], $0x1  }
0xa4: {  	[sflag:s23] =	ssyncset.done $0x0  }
0xa5: {  	s25 =	simm.s32 $0x1B8E;
	s24 =	sld [smem:$0x3FFE];
	[sflag:s23] =	ssyncadd.s32 $0xFFFFFFFF  }
0xa6: {  	s26 =	simm.s32 $execute0_lowered;
	[smem:$0x3FD2] =	sst s25  }
0xa7: {  	s6 =	sshll.u32 s26, $0x1;
	_ =	strace $0x80000046;
	[dreg:$0x1] =	wrdreg $0xFFFFFFFF  }
0xa8: {  	s28 =	simm.s32 $_size_execute0_lowered;
	s4 =	sadd.s32 s4, s6;
	[dreg:$0x0] =	wrdreg $0x0  }
0xa9: {  	s6 =	sshll.u32 s28, $0x1;
	[dreg:$0x2] =	wrdreg s4  }
0xaa: {  	[dreg:$0x3] =	wrdreg s6  }
0xab: {  	[dreg:$0x4] =	wrdreg $0xC0  }
0xac: {  	_ =	task [dreg:s8], $0x5FFFF  }
0xad: {  	[dreg:$0x1] =	wrdreg $0xFFFFFFFF  }
0xae: {  	[dreg:$0x0] =	wrdreg $0x60  }
0xaf: {  	[dreg:$0x2] =	wrdreg s2  }
0xb0: {  	[dreg:$0x3] =	wrdreg s18  }
0xb1: {  	[dreg:$0x4] =	wrdreg s24  }
0xb2: {  	[dreg:$0x5] =	wrdreg $0xA  }
0xb3: {  	_ =	task.clear_ibuf [dreg:s8], $0x6FFFF;
	_ =	strace $0x90000046  }
0xb4: {  	s29 =	simm.s32 $0xA;
	_ =	strace $0x80000048  }
0xb5: {  	_ =	swait.ge [sflag:s29], $0x1  }
0xb6: {  	[sflag:s29] =	ssyncadd.s32 $0xFFFFFFFF  }
0xb7: {  	_ =	strace $0x90000048  }
0xb8: {  	_ =	sfence  }
0xb9: {  	s30 =	sld [smem:$0x0];
	_ =	sdelay $0x2  }
0xba: {  	s31 =	sshll.u32 s1, $0xD;
	s1 =	sshrl.u32 s1, $0x2  }
0xbb: {  	s3 =	sand.u32 $0x4000, s31;
	s1 =	sadd.s32 s1, s30  }
0xbc: {  	s0 =	sor.u32 s3, s0;
	s1 =	sshll.u32 s1, $0x11  }
0xbd: {  	s0 =	sor.u32 s1, s0  }
0xbe: {  	s0 =	sadd.s32 $0x8F2B, s0  }
0xbf: {  	[sflag:s0] =	ssyncadd.remote.s32 $0x1  }
0xc0: {  	_ =	sfence.sel $0xFFFF  }
0xc1: {  	[dreg:$0x0] =	wrdreg $0xFFFFFFFF;
	(pc) =	sbr.abs _section_cstart, $3  }
0xc2: {  	[dreg:$0x1] =	wrdreg $0xFFFFFFFF  }
0xc3: {  	_ =	task.clear_ibuf [dreg:s8], $0x2FFFF;
	_ =	strace $0x9FFFFFFF  }
0xc4: {  	(tm) =	ssettm $0x7FFFFFFF  }
0xc5: {  	_ =	shalt  }
tec
execute0_lowered:
.L_overlay_start_1:
0x0: {  	(tag) =	ssettag $0x1  }
0x1: {  	s1 =	rddreg [dreg:$0x0]  }
0x2: {  	s0 =	srdreg.scid;
	s3 =	rddreg [dreg:$0x1]  }
0x3: {  	s13 =	stileid.u32;
	s5 =	rddreg [dreg:$0x2];
	s4 =	simm.s32 $0x0  }
0x4: {  	s17 =	simm.s32 $0x1;
	s18 =	simm.s32 $0x2;
	s19 =	simm.s32 $0x50  }
0x5: {  	s20 =	simm.s32 $0x2800;
	s21 =	simm.s32 $0x7800;
	s22 =	simm.s32 $0x5000  }
0x6: {  	s24 =	simm.s32 $0xA000;
	s28 =	simm.s32 $0x28;
	s0 =	sand.u32 $0x1, s0  }
0x7: {  	s31 =	simm.s32 $0x5;
	s16 =	smul.u32 $0x13880, s13;
	s2 =	sshll.u32 s0, $0x4  }
0x8: {  	s8 =	ssub.s32 $0x2, s0;
	s0 =	smul.u32 $0x138800, s0;
	s2 =	sor.u32 s13, s2  }
0x9: {  	[smem:$0x7FF] =	sst s4;
	s14 =	sadd.s32 $0x18800, s5;
	s6 =	smul.u32 $0x1388, s2  }
0xa: {  	s15 =	sadd.s32 $0x289800, s5;
	s25 =	sshrl.u32 s8, $0x1;
	s7 =	smul.u32 $0x9C400, s2  }
0xb: {  	_ =	strace $0x80000047;
	s9 =	ssub.s32 s8, s25;
	s2 =	smul.u32 $0x13880, s2  }
0xc: {  	s30 =	sadd.s32 s0, s14;
	s0 =	sadd.s32 s0, s15;
	s25 =	simm.s32 $0x3  }
0xd: {  	s9 =	smax.u32 s9, $0x1;
	s6 =	sshrl.u32 s6, $0x3;
	s7 =	sshrl.u32 s7, $0x3  }
0xe: {  	s11 =	sadd.s32 $0x12C00, s2;
	s2 =	sadd.s32 $0x13100, s2;
	s6 =	sadd.s32 s6, s5  }
0xf: {  	s26 =	sadd.s32 $0x13600, s7;
	s10 =	sadd.s32 s14, s11;
	s11 =	sadd.s32 s15, s11  }
0x10: {  	s12 =	sadd.s32 s14, s2;
	s13 =	sadd.s32 s15, s2;
	s2 =	simm.s32 $0x0  }
0x11: {  	s29 =	sadd.s32 $0xE800, s6;
	s6 =	sadd.s32 $0x4800, s6;
	s7 =	sadd.s32 s14, s26  }
0x12: {  	s8 =	sadd.s32 s15, s26;
	s14 =	sadd.s32 s16, s30;
	s15 =	sadd.s32 s16, s0  }
0x13: {  	s16 =	simm.s32 $0x1400;
	s26 =	simm.s32 $0x4;
	[dreg:$0x4] =	wrdreg s29  }
.LBB2_1:
0x14: {  	s0 =	rddreg [dreg:$0x4]  }
0x15: {  	[tilespmem:s4], [sflag:$0x1] =	stream.linear.gather [hbm4b:s0+s4], $0x1388, $0x38;
	[tilespmem:$0xC800] =	vst v63  }
0x16: {  	_ = 	snop  }
0x17: {  	[tilespmem:s16], [sflag:$0x2] =	stream.linear.gather [hbm4b:s6+s4], $0x1388, $0x38;
	[tilespmem:$0xC800] =	vst v63  }
0x18: {  	_ =	swait.ge [sflag:s17], $0x1388  }
0x19: {  	[sflag:s17] =	ssyncset.done $0x0  }
0x1a: {  	[sflag:s17] =	ssyncadd.s32 $0xFFFFEC78  }
0x1b: {  	_ =	swait.ge [sflag:s18], $0x1388  }
0x1c: {  	[sflag:s18] =	ssyncset.done $0x0  }
0x1d: {  	[sflag:s18] =	ssyncadd.s32 $0xFFFFEC78  }
0x1e: {  	[tilespmem:s20], [sflag:$0x1] =	stream.indirect.gather [hbm4b:s1+s19], $0x80, s4, s19, $0xb8;
	[tilespmem:$0xC800] =	vst v63  }
0x1f: {  	_ = 	snop  }
0x20: {  	[tilespmem:s21], [sflag:$0x1] =	stream.indirect.gather [hbm4b:s3+s19], $0x80, s16, s19, $0xb8;
	[tilespmem:$0xC800] =	vst v63  }
0x21: {  	_ = 	snop  }
0x22: {  	[tilespmem:s22], [sflag:$0x2] =	stream.indirect.gather [hbm4b:s1+s19], $0x80, s19, s19, $0xb8;
	[tilespmem:$0xC800] =	vst v63  }
0x23: {  	s23 =	simm.s32 $0x1450  }
0x24: {  	[tilespmem:s24], [sflag:$0x2] =	stream.indirect.gather [hbm4b:s3+s19], $0x80, s23, s19, $0xb8;
	[tilespmem:$0xC800] =	vst v63  }
0x25: {  	_ =	swait.ge [sflag:s17], $0x2800  }
0x26: {  	[sflag:s17] =	ssyncset.done $0x0  }
0x27: {  	[sflag:s17] =	ssyncadd.s32 $0xFFFFD800  }
0x28: {  	_ =	swait.ge [sflag:s17], $0x2800  }
0x29: {  	[sflag:s17] =	ssyncset.done $0x0  }
0x2a: {  	s5 =	sadd.s32 $0x0, s14;
	[sflag:s17] =	ssyncadd.s32 $0xFFFFD800  }
0x2b: {  	[hbm4b:s5+s4] =	stream.linear.scatter [tilespmem:s20], [sflag:$0x3], $0x2800, $0x38;
	[tilespmem:$0xC800] =	vst v63  }
0x2c: {  	s23 =	sadd.s32 $0x0, s15  }
0x2d: {  	[hbm4b:s23+s4] =	stream.linear.scatter [tilespmem:s21], [sflag:$0x3], $0x2800, $0x38;
	[tilespmem:$0xC800] =	vst v63  }
0x2e: {  	_ =	swait.ge [sflag:s18], $0x2800  }
0x2f: {  	[sflag:s18] =	ssyncset.done $0x0  }
0x30: {  	[sflag:s18] =	ssyncadd.s32 $0xFFFFD800  }
0x31: {  	_ =	swait.ge [sflag:s18], $0x2800  }
0x32: {  	[sflag:s18] =	ssyncset.done $0x0  }
0x33: {  	s0 =	sadd.s32 $0x500, s5;
	[sflag:s18] =	ssyncadd.s32 $0xFFFFD800  }
0x34: {  	[hbm4b:s0+s4] =	stream.linear.scatter [tilespmem:s22], [sflag:$0x4], $0x2800, $0x38;
	[tilespmem:$0xC800] =	vst v63  }
0x35: {  	s5 =	sadd.s32 $0x500, s23  }
0x36: {  	[hbm4b:s5+s4] =	stream.linear.scatter [tilespmem:s24], [sflag:$0x4], $0x2800, $0x38;
	[tilespmem:$0xC800] =	vst v63  }
0x37: {  	_ =	swait.ge [sflag:s25], $0x2800  }
0x38: {  	[sflag:s25] =	ssyncset.done $0x0  }
0x39: {  	[sflag:s25] =	ssyncadd.s32 $0xFFFFD800  }
0x3a: {  	_ =	swait.ge [sflag:s25], $0x2800  }
0x3b: {  	[sflag:s25] =	ssyncset.done $0x0  }
0x3c: {  	s23 =	simm.s32 $0xA0;
	[sflag:s25] =	ssyncadd.s32 $0xFFFFD800  }
0x3d: {  	[tilespmem:s20], [sflag:$0x1] =	stream.indirect.gather [hbm4b:s1+s19], $0x80, s23, s19, $0xb8;
	[tilespmem:$0xC800] =	vst v63  }
0x3e: {  	s5 =	simm.s32 $0x14A0  }
0x3f: {  	[tilespmem:s21], [sflag:$0x1] =	stream.indirect.gather [hbm4b:s3+s19], $0x80, s5, s19, $0xb8;
	[tilespmem:$0xC800] =	vst v63  }
0x40: {  	_ =	swait.ge [sflag:s26], $0x2800  }
0x41: {  	[sflag:s26] =	ssyncset.done $0x0  }
0x42: {  	[sflag:s26] =	ssyncadd.s32 $0xFFFFD800  }
0x43: {  	_ =	swait.ge [sflag:s26], $0x2800  }
0x44: {  	[sflag:s26] =	ssyncset.done $0x0  }
0x45: {  	s30 =	simm.s32 $0x14F0;
	s23 =	simm.s32 $0xF0;
	[sflag:s26] =	ssyncadd.s32 $0xFFFFD800  }
0x46: {  	[tilespmem:s22], [sflag:$0x2] =	stream.indirect.gather [hbm4b:s1+s19], $0x80, s23, s19, $0xb8;
	[tilespmem:$0xC800] =	vst v63  }
0x47: {  	s29 =	simm.s32 $0x1540;
	s0 =	simm.s32 $0xA00;
	s23 =	simm.s32 $0x140  }
.LBB2_2:
0x48: {  	[tilespmem:s24], [sflag:$0x2] =	stream.indirect.gather [hbm4b:s3+s19], $0x80, s30, s19, $0xb8;
	[tilespmem:$0xC800] =	vst v63  }
0x49: {  	s30 =	smov.u32 s0  }
0x4a: {  	p0 =	sne.s32 s0, $0x12200;
	s0 =	sadd.s32 $0xA00, s0;
	_ =	swait.ge [sflag:s17], $0x2800  }
0x4b: {  	[sflag:s17] =	ssyncset.done $0x0  }
0x4c: {  	[sflag:s17] =	ssyncadd.s32 $0xFFFFD800  }
0x4d: {  	_ =	swait.ge [sflag:s17], $0x2800  }
0x4e: {  	[sflag:s17] =	ssyncset.done $0x0  }
0x4f: {  	s5 =	sadd.s32 s30, s14;
	[sflag:s17] =	ssyncadd.s32 $0xFFFFD800  }
0x50: {  	[hbm4b:s5+s4] =	stream.linear.scatter [tilespmem:s20], [sflag:$0x3], $0x2800, $0x38;
	[tilespmem:$0xC800] =	vst v63  }
0x51: {  	s30 =	sadd.s32 s30, s15  }
0x52: {  	[hbm4b:s30+s4] =	stream.linear.scatter [tilespmem:s21], [sflag:$0x3], $0x2800, $0x38;
	[tilespmem:$0xC800] =	vst v63  }
0x53: {  	_ =	swait.ge [sflag:s18], $0x2800  }
0x54: {  	[sflag:s18] =	ssyncset.done $0x0  }
0x55: {  	[sflag:s18] =	ssyncadd.s32 $0xFFFFD800  }
0x56: {  	_ =	swait.ge [sflag:s18], $0x2800  }
0x57: {  	[sflag:s18] =	ssyncset.done $0x0  }
0x58: {  	s5 =	sadd.s32 $0x500, s5;
	[sflag:s18] =	ssyncadd.s32 $0xFFFFD800  }
0x59: {  	[hbm4b:s5+s4] =	stream.linear.scatter [tilespmem:s22], [sflag:$0x4], $0x2800, $0x38;
	[tilespmem:$0xC800] =	vst v63  }
0x5a: {  	s5 =	sadd.s32 $0x500, s30  }
0x5b: {  	[hbm4b:s5+s4] =	stream.linear.scatter [tilespmem:s24], [sflag:$0x4], $0x2800, $0x38;
	[tilespmem:$0xC800] =	vst v63  }
0x5c: {  	_ =	swait.ge [sflag:s25], $0x2800  }
0x5d: {  	[sflag:s25] =	ssyncset.done $0x0  }
0x5e: {  	[sflag:s25] =	ssyncadd.s32 $0xFFFFD800  }
0x5f: {  	_ =	swait.ge [sflag:s25], $0x2800  }
0x60: {  	[sflag:s25] =	ssyncset.done $0x0  }
0x61: {  	[sflag:s25] =	ssyncadd.s32 $0xFFFFD800  }
0x62: {  	[tilespmem:s20], [sflag:$0x1] =	stream.indirect.gather [hbm4b:s1+s19], $0x80, s23, s19, $0xb8;
	[tilespmem:$0xC800] =	vst v63  }
0x63: {  	_ = 	snop  }
0x64: {  	[tilespmem:s21], [sflag:$0x1] =	stream.indirect.gather [hbm4b:s3+s19], $0x80, s29, s19, $0xb8;
	[tilespmem:$0xC800] =	vst v63  }
0x65: {  	_ =	swait.ge [sflag:s26], $0x2800  }
0x66: {  	[sflag:s26] =	ssyncset.done $0x0  }
0x67: {  	[sflag:s26] =	ssyncadd.s32 $0xFFFFD800  }
.Ltmp0:
0x68: {  	_ =	swait.ge [sflag:s26], $0x2800;
	(pc) =	sbr.rel @p0 .LBB2_2-.Ltmp0, $4  }
0x69: {  	[sflag:s26] =	ssyncset.done $0x0  }
0x6a: {  	s5 =	sadd.s32 $0x50, s23;
	[sflag:s26] =	ssyncadd.s32 $0xFFFFD800  }
0x6b: {  	[tilespmem:s22], [sflag:$0x2] =	stream.indirect.gather [hbm4b:s1+s19], $0x80, s5, s19, $0xb8;
	[tilespmem:$0xC800] =	vst v63  }
0x6c: {  	s30 =	sadd.s32 $0x50, s29;
	s23 =	sadd.s32 $0xA0, s23;
	s29 =	sadd.s32 $0xA0, s29  }
0x6d: {  	[tilespmem:s24], [sflag:$0x2] =	stream.indirect.gather [hbm4b:s3+s19], $0x80, s30, s19, $0xb8;
	[tilespmem:$0xC800] =	vst v63  }
0x6e: {  	_ =	swait.ge [sflag:s17], $0x2800  }
0x6f: {  	[sflag:s17] =	ssyncset.done $0x0  }
0x70: {  	[sflag:s17] =	ssyncadd.s32 $0xFFFFD800  }
0x71: {  	_ =	swait.ge [sflag:s17], $0x2800  }
0x72: {  	[sflag:s17] =	ssyncset.done $0x0  }
0x73: {  	[sflag:s17] =	ssyncadd.s32 $0xFFFFD800  }
0x74: {  	[hbm4b:s10+s4] =	stream.linear.scatter [tilespmem:s20], [sflag:$0x3], $0x2800, $0x38;
	[tilespmem:$0xC800] =	vst v63  }
0x75: {  	_ = 	snop  }
0x76: {  	[hbm4b:s11+s4] =	stream.linear.scatter [tilespmem:s21], [sflag:$0x3], $0x2800, $0x38;
	[tilespmem:$0xC800] =	vst v63  }
0x77: {  	_ =	swait.ge [sflag:s18], $0x2800  }
0x78: {  	[sflag:s18] =	ssyncset.done $0x0  }
0x79: {  	[sflag:s18] =	ssyncadd.s32 $0xFFFFD800  }
0x7a: {  	_ =	swait.ge [sflag:s18], $0x2800  }
0x7b: {  	[sflag:s18] =	ssyncset.done $0x0  }
0x7c: {  	[sflag:s18] =	ssyncadd.s32 $0xFFFFD800  }
0x7d: {  	[hbm4b:s12+s4] =	stream.linear.scatter [tilespmem:s22], [sflag:$0x4], $0x2800, $0x38;
	[tilespmem:$0xC800] =	vst v63  }
0x7e: {  	_ = 	snop  }
0x7f: {  	[hbm4b:s13+s4] =	stream.linear.scatter [tilespmem:s24], [sflag:$0x4], $0x2800, $0x38;
	[tilespmem:$0xC800] =	vst v63  }
0x80: {  	_ =	swait.ge [sflag:s25], $0x2800  }
0x81: {  	[sflag:s25] =	ssyncset.done $0x0  }
0x82: {  	[sflag:s25] =	ssyncadd.s32 $0xFFFFD800  }
0x83: {  	_ =	swait.ge [sflag:s25], $0x2800  }
0x84: {  	[sflag:s25] =	ssyncset.done $0x0  }
0x85: {  	[sflag:s25] =	ssyncadd.s32 $0xFFFFD800  }
0x86: {  	_ =	swait.ge [sflag:s26], $0x2800  }
0x87: {  	[sflag:s26] =	ssyncset.done $0x0  }
0x88: {  	[sflag:s26] =	ssyncadd.s32 $0xFFFFD800  }
0x89: {  	_ =	swait.ge [sflag:s26], $0x2800  }
0x8a: {  	[sflag:s26] =	ssyncset.done $0x0  }
0x8b: {  	s0 =	simm.s32 $0x1360;
	[sflag:s26] =	ssyncadd.s32 $0xFFFFD800  }
0x8c: {  	[tilespmem:s20], [sflag:$0x1] =	stream.indirect.gather [hbm4b:s1+s28], $0x80, s0, s28, $0xb8;
	[tilespmem:$0xC800] =	vst v63  }
0x8d: {  	s30 =	simm.s32 $0x2760  }
0x8e: {  	[tilespmem:s21], [sflag:$0x1] =	stream.indirect.gather [hbm4b:s3+s28], $0x80, s30, s28, $0xb8;
	[tilespmem:$0xC800] =	vst v63  }
0x8f: {  	_ =	swait.ge [sflag:s17], $0x1400  }
0x90: {  	[sflag:s17] =	ssyncset.done $0x0  }
0x91: {  	[sflag:s17] =	ssyncadd.s32 $0xFFFFEC00  }
0x92: {  	_ =	swait.ge [sflag:s17], $0x1400  }
0x93: {  	[sflag:s17] =	ssyncset.done $0x0  }
0x94: {  	[sflag:s17] =	ssyncadd.s32 $0xFFFFEC00  }
0x95: {  	[hbm4b:s7+s4] =	stream.linear.scatter [tilespmem:s20], [sflag:$0x5], $0x1400, $0x38;
	[tilespmem:$0xC800] =	vst v63  }
0x96: {  	s2 =	sadd.s32 $0x1, s2;
	_ =	swait.ge [sflag:s31], $0x1400  }
0x97: {  	p0 =	sne.s32 s2, s9;
	[sflag:s31] =	ssyncset.done $0x0  }
.Ltmp1:
0x98: {  	[sflag:s31] =	ssyncadd.s32 $0xFFFFEC00;
	(pc) =	sbr.rel @p0 .LBB2_1-.Ltmp1, $4  }
0x99: {  	[hbm4b:s8+s4] =	stream.linear.scatter [tilespmem:s21], [sflag:$0x5], $0x1400, $0x38;
	[tilespmem:$0xC800] =	vst v63  }
0x9a: {  	_ =	swait.ge [sflag:s31], $0x1400  }
0x9b: {  	[sflag:s31] =	ssyncset.done $0x0  }
0x9c: {  	[sflag:s31] =	ssyncadd.s32 $0xFFFFEC00  }
0x9d: {  	_ =	sfence.sel $0x180000  }
0x9e: {  	[bflag:$0x0] =	sbarrier.arrive $0xFFFF  }
0x9f: {  	_ =	strace $0x90000047  }
0xa0: {  	s0 =	stileid.u32;
	[bflag:$0x2] =	sbarrier.arrive $0xFFFF  }
0xa1: {  	p0 =	sne.s32 s0, $0x0;
	s0 =	rddreg [dreg:$0x3]  }
0xa2: {  	s0 =	sadd.s32 @!p0 $0x100000, s0  }
0xa3: {  	[sflag:s0] =	ssyncadd.tile.s32 @!p0 $0x1;
	_ =	shalt  }
.Lfunc_end2:
_tile_overlayer_lowered:
.L_overlay_start_2:
0xa4: {  	(tag) =	ssettag $0x2  }
0xa5: {  	s0 =	rddreg [dreg:$0x0];
	s2 =	stileid.u32  }
0xa6: {  	s1 =	rddreg [dreg:$0x1];
	p0 =	sne.s32 s2, $0x0  }
0xa7: {  	s3 =	rddreg [dreg:$0x2];
	[bflag:$0x3] =	sbarrier.arrive $0xFFFF;
	s2 =	simm.s32 @!p0 $0x1C05  }
0xa8: {  	[timem:s3], [sflag:s2] =	dma.local @!p0 [hbm:s0], s1  }
0xa9: {  	s0 =	simm.s32 @!p0 $0x5  }
0xaa: {  	_ =	swait.ge @!p0 [sflag:s0], s1  }
0xab: {  	s1 =	ssub.s32 @!p0 $0x0, s1;
	[sflag:s0] =	ssyncset.done @!p0 $0x0  }
0xac: {  	[sflag:s0] =	ssyncadd.s32 @!p0 s1  }
0xad: {  	[bflag:$0x3] =	sbarrier.arrive $0xFFFF  }
0xae: {  	_ =	shalt  }

// kernel: kernel.18.cloned.1.call-start
scs
__scs_entry_jumppad:
0x0: {  	(pc) =	sbr.rel $0x88, $3  }
0x1: {  	(tag) =	ssettag $0x0;
	lr =	simm.s32 $0x1  }
0x2: {  	[smem:$0x3F94] =	sst lr;
	_ =	strace $0xD0000000  }
0x3: {  	_ = 	snop  }
0x4: {  	_ = 	snop  }
0x5: {  	_ = 	snop  }
0x6: {  	_ = 	snop  }
0x7: {  	_ = 	snop  }
__scs_overlays_trampoline_lowered:
0x8: {  	[smem:$0x3FA3] =	sst s0  }
0x9: {  	[smem:$0x3FA4] =	sst s1  }
0xa: {  	[smem:$0x3FA5] =	sst s2  }
0xb: {  	[smem:$0x3FA6] =	sst s3  }
0xc: {  	[smem:$0x3FA7] =	sst s4  }
0xd: {  	[smem:$0x3FA8] =	sst s5  }
0xe: {  	[smem:$0x3FA9] =	sst s6  }
0xf: {  	[smem:$0x3FAA] =	sst s7  }
0x10: {  	[smem:$0x3FAB] =	sst s8  }
0x11: {  	[smem:$0x3FAC] =	sst s9;
	s0 =	simm.s32 @!p0 $0x0  }
0x12: {  	s1 =	sld [smem:$0x3F92];
	s0 =	simm.s32 @p0 $0x1  }
0x13: {  	[smem:$0x3FAD] =	sst s0;
	s0 =	simm.s32 @!p1 $0x0  }
0x14: {  	s2 =	sld [smem:$0x3F91];
	s0 =	simm.s32 @p1 $0x1  }
0x15: {  	[smem:$0x3FAE] =	sst s0;
	s0 =	simm.s32 @!p2 $0x0  }
0x16: {  	s3 =	sld [smem:$0x3FDB];
	s0 =	simm.s32 @p2 $0x1  }
0x17: {  	s4 =	simm.s32 $0x1BF5;
	[smem:$0x3FB0] =	sst s0  }
0x18: {  	s0 =	sld [smem:$0x3F93];
	_ =	swait.ge [sflag:s4], $0x0  }
0x19: {  	s7 =	sld [smem:$0x3F94]  }
0x1a: {  	s8 =	sadd.s32 $0xFFFFE003, lr  }
0x1b: {  	s9 =	sadd.s32 $0xFFFFFEF7, lr;
	s5 =	simm.s32 $0xFFFFFFFF;
	p2 =	slt.u32 s8, $0xFFFFF086  }
0x1c: {  	p1 =	slt.u32 s9, $0xF7A;
	s5 =	simm.s32 @!p2 $0x0  }
0x1d: {  	s5 =	simm.s32 @p1 $0x1;
	p0 =	seq.s32 s7, s2  }
0x1e: {  	s7 =	smul.u32 @!p0 $0xF7A, s2;
	p2 =	seq.s32 @!p0 s5, $0x0  }
0x1f: {  	s9 =	smul.u32 $0xF7A, s1;
	s8 =	simm.s32 @!p0 $0x1BF5;
	p2 =	por !p2, p0  }
0x20: {  	[sflag:s8] =	ssyncset.s32 @!p0 $0xFFFFF086;
	s6 =	sadd.s32 @!p0 s3, s7;
	s7 =	simm.s32 @!p0 $0x108  }
0x21: {  	s3 =	sadd.s32 s3, s9;
	s6 =	sadd.s32 @!p0 $0x88, s6;
	s7 =	simm.s32 @p2 $0x1082  }
0x22: {  	[simem:s7], [sflag:s8] =	dma.local @!p0 [hbm:s6], $0xF7A  }
0x23: {  	s9 =	sor.u32 $0xD0000000, s2;
	s6 =	simm.s32 $0x108;
	_ =	swait.ge @!p0 [sflag:s8], $0x0  }
0x24: {  	s3 =	sadd.s32 $0x88, s3;
	s6 =	simm.s32 @!p1 $0x1082;
	[sflag:s4] =	ssyncset.s32 $0xFFFFF086  }
0x25: {  	[simem:s6], [sflag:s4] =	dma.local [hbm:s3], $0xF7A  }
0x26: {  	[smem:$0x3F94] =	sst s1;
	(tag) =	ssettag s2;
	_ =	strace s9  }
0x27: {  	s1 =	sld [smem:$0x3FA4]  }
0x28: {  	s2 =	sld [smem:$0x3FA5]  }
0x29: {  	s4 =	sld [smem:$0x3FA7]  }
0x2a: {  	p0 =	seq.s32 s5, $0x0;
	s5 =	sld [smem:$0x3FA8]  }
0x2b: {  	s6 =	sld [smem:$0x3FA9]  }
0x2c: {  	s7 =	sld [smem:$0x3FAA]  }
0x2d: {  	s3 =	simm.s32 $0x108;
	s8 =	sld [smem:$0x3FAB]  }
0x2e: {  	s3 =	simm.s32 @!p0 $0x1082;
	s9 =	sld [smem:$0x3FAC]  }
0x2f: {  	lr =	sadd.s32 s0, s3;
	s0 =	sld [smem:$0x3FA3]  }
0x30: {  	s3 =	sld [smem:$0x3FA6]  }
0x31: {  	[smem:$0x3FAF] =	sst s10  }
0x32: {  	s10 =	sld [smem:$0x3FAD];
	_ =	sdelay $0x3  }
0x33: {  	p0 =	seq.s32 s10, $0x1;
	s10 =	sld [smem:$0x3FAF];
	_ =	sdelay $0x3  }
0x34: {  	[smem:$0x3FAF] =	sst s10  }
0x35: {  	s10 =	sld [smem:$0x3FAE];
	_ =	sdelay $0x3  }
0x36: {  	p1 =	seq.s32 s10, $0x1;
	s10 =	sld [smem:$0x3FAF];
	_ =	sdelay $0x3  }
0x37: {  	[smem:$0x3FAF] =	sst s10  }
0x38: {  	s10 =	sld [smem:$0x3FB0]  }
0x39: {  	_ = 	snop;
	(pc) =	sbr.ind lr, $3  }
0x3a: {  	_ = 	snop  }
0x3b: {  	_ = 	snop  }
0x3c: {  	p2 =	seq.s32 s10, $0x1;
	s10 =	sld [smem:$0x3FAF]  }
0x3d: {  	_ =	shalt  }
0x3e: {  	_ =	shalt  }
0x3f: {  	_ =	shalt  }
0x40: {  	_ =	shalt  }
0x41: {  	_ =	shalt  }
0x42: {  	_ =	shalt  }
0x43: {  	_ =	shalt  }
0x44: {  	_ =	shalt  }
0x45: {  	_ =	shalt  }
0x46: {  	_ =	shalt  }
0x47: {  	_ =	shalt  }
0x48: {  	_ =	shalt  }
0x49: {  	_ =	shalt  }
0x4a: {  	_ =	shalt  }
0x4b: {  	_ =	shalt  }
0x4c: {  	_ =	shalt  }
0x4d: {  	_ =	shalt  }
0x4e: {  	_ =	shalt  }
0x4f: {  	_ =	shalt  }
0x50: {  	_ =	shalt  }
0x51: {  	_ =	shalt  }
0x52: {  	_ =	shalt  }
0x53: {  	_ =	shalt  }
0x54: {  	_ =	shalt  }
0x55: {  	_ =	shalt  }
0x56: {  	_ =	shalt  }
0x57: {  	_ =	shalt  }
0x58: {  	_ =	shalt  }
0x59: {  	_ =	shalt  }
0x5a: {  	_ =	shalt  }
0x5b: {  	_ =	shalt  }
0x5c: {  	_ =	shalt  }
0x5d: {  	_ =	shalt  }
0x5e: {  	_ =	shalt  }
0x5f: {  	_ =	shalt  }
0x60: {  	_ =	shalt  }
0x61: {  	_ =	shalt  }
0x62: {  	_ =	shalt  }
0x63: {  	_ =	shalt  }
0x64: {  	_ =	shalt  }
0x65: {  	_ =	shalt  }
0x66: {  	_ =	shalt  }
0x67: {  	_ =	shalt  }
0x68: {  	_ =	shalt  }
0x69: {  	_ =	shalt  }
0x6a: {  	_ =	shalt  }
0x6b: {  	_ =	shalt  }
0x6c: {  	_ =	shalt  }
0x6d: {  	_ =	shalt  }
0x6e: {  	_ =	shalt  }
0x6f: {  	_ =	shalt  }
0x70: {  	_ =	shalt  }
0x71: {  	_ =	shalt  }
0x72: {  	_ =	shalt  }
0x73: {  	_ =	shalt  }
0x74: {  	_ =	shalt  }
0x75: {  	_ =	shalt  }
0x76: {  	_ =	shalt  }
0x77: {  	_ =	shalt  }
0x78: {  	_ =	shalt  }
0x79: {  	_ =	shalt  }
0x7a: {  	_ =	shalt  }
0x7b: {  	_ =	shalt  }
0x7c: {  	_ =	shalt  }
0x7d: {  	_ =	shalt  }
0x7e: {  	_ =	shalt  }
0x7f: {  	_ =	shalt  }
0x80: {  	_ =	shalt  }
0x81: {  	_ =	shalt  }
0x82: {  	_ =	shalt  }
0x83: {  	_ =	shalt  }
0x84: {  	_ =	shalt  }
0x85: {  	_ =	shalt  }
0x86: {  	_ =	shalt  }
0x87: {  	_ =	shalt  }
.Lfunc_end0:
.L_simem_size_0:
called_computation.3_lowered:
.L_overlay_start_0:
0x88: {  	s2 =	sld [smem:$0x3FD9]  }
0x89: {  	s3 =	sld [smem:$0x3FFE];
	_ =	sdelay $0x1  }
0x8a: {  	s1 =	srdreg.scid  }
0x8b: {  	s0 =	sand.u32 $0x1, s1  }
0x8c: {  	s17 =	sshll.u32 s0, $0xA;
	s2 =	sadd.s32 s3, s2  }
0x8d: {  	s2 =	sadd.s32 s2, s17  }
0x8e: {  	[smem:$0x3FBB] =	sst s2  }
0x8f: {  	_ = 	snop  }
0x90: {  	(tm) =	ssettm $0x1  }
0x91: {  	s18 =	sld [smem:$0x3FFB];
	_ =	sdelay $0x3  }
0x92: {  	_ =	strace s18  }
0x93: {  	s2 =	sld [smem:$0x3FFC];
	_ =	sdelay $0x3  }
0x94: {  	_ =	strace s2  }
0x95: {  	s2 =	sld [smem:$0x3FFD];
	_ =	sdelay $0x3  }
0x96: {  	_ =	strace s2  }
0x97: {  	_ =	strace $0x8FFFFFFF  }
0x98: {  	s19 =	sld [smem:$0x3FDB];
	_ =	sdelay $0x1  }
0x99: {  	s20 =	simm.s32 $_scs_section_size  }
0x9a: {  	s4 =	simm.s32 $_size__tile_overlayer_lowered;
	s5 =	simm.s32 $_tile_overlayer_lowered  }
0x9b: {  	s6 =	simm.s32 $0x1BFF;
	s21 =	sshll.u32 s5, $0x1;
	s3 =	sadd.s32 s20, s19  }
0x9c: {  	s22 =	simm.s32 $0x0;
	s4 =	sshll.u32 s4, $0x1;
	s5 =	sadd.s32 s21, s3  }
0x9d: {  	[timem:s22], [sflag:s6] =	dma.local [hbm:s5], s4  }
0x9e: {  	_ =	swait.ge [sflag:s6], s4  }
0x9f: {  	s4 =	ssub.s32 $0x0, s4;
	[sflag:s6] =	ssyncset.done $0x0  }
0xa0: {  	[sflag:s6] =	ssyncadd.s32 s4;
	_ =	sdelay $0x1  }
0xa1: {  	s23 =	simm.s32 $0x1B8B  }
0xa2: {  	_ =	swait.ge [sflag:s23], $0x1  }
0xa3: {  	[sflag:s23] =	ssyncset.done $0x0  }
0xa4: {  	[sflag:s23] =	ssyncadd.s32 $0xFFFFFFFF  }
0xa5: {  	s4 =	sld [smem:$0x0]  }
0xa6: {  	s5 =	sand.u32 $0xFFFFFFFE, s1  }
0xa7: {  	p0 =	sne.s32 s1, s5  }
0xa8: {  	s5 =	sshll.u32 @p0 s5, $0xE  }
0xa9: {  	s5 =	sadd.s32 @p0 $0x11B8D, s5;
	s6 =	sshll.u32 @p0 s4, $0x11  }
0xaa: {  	s5 =	sor.u32 @p0 s6, s5  }
0xab: {  	[sflag:s5] =	ssyncadd.remote.s32 @p0 $0x1;
	_ =	sdelay $0x1  }
0xac: {  	s5 =	simm.s32 @p0 $0x1B8D  }
0xad: {  	_ =	swait.eq @p0 [sflag:s5], $0x1  }
0xae: {  	[sflag:s5] =	ssyncadd.s32 @p0 $0xFFFFFFFF  }
0xaf: {  	s6 =	sshll.u32 @!p0 s1, $0xE  }
0xb0: {  	s6 =	sor.u32 @!p0 $0x4000, s6;
	s5 =	simm.s32 @!p0 $0x1B8D  }
0xb1: {  	s4 =	sshll.u32 @!p0 s4, $0x11;
	s6 =	sadd.s32 @!p0 $0x11B8D, s6;
	_ =	swait.eq @!p0 [sflag:s5], $0x1  }
0xb2: {  	s4 =	sor.u32 @!p0 s4, s6;
	[sflag:s5] =	ssyncadd.s32 @!p0 $0xFFFFFFFF  }
0xb3: {  	s25 =	simm.s32 $0x1B8E;
	s24 =	sld [smem:$0x3FFE];
	[sflag:s4] =	ssyncadd.remote.s32 @!p0 $0x1  }
0xb4: {  	s26 =	simm.s32 $execute0_lowered;
	[smem:$0x3FD2] =	sst s25  }
0xb5: {  	s5 =	sshll.u32 s26, $0x1;
	_ =	strace $0x8000004C;
	[dreg:$0x1] =	wrdreg $0xFFFFFFFF  }
0xb6: {  	s28 =	simm.s32 $_size_execute0_lowered;
	s3 =	sadd.s32 s3, s5;
	[dreg:$0x0] =	wrdreg $0x0  }
0xb7: {  	s5 =	sshll.u32 s28, $0x1;
	[dreg:$0x2] =	wrdreg s3  }
0xb8: {  	[dreg:$0x3] =	wrdreg s5  }
0xb9: {  	[dreg:$0x4] =	wrdreg $0xC0  }
0xba: {  	_ =	task [dreg:s22], $0x5FFFF  }
0xbb: {  	[dreg:$0x1] =	wrdreg $0xFFFFFFFF  }
0xbc: {  	[dreg:$0x0] =	wrdreg $0x60  }
0xbd: {  	[dreg:$0x2] =	wrdreg s24  }
0xbe: {  	[dreg:$0x3] =	wrdreg $0x0  }
0xbf: {  	[dreg:$0x4] =	wrdreg $0x138800  }
0xc0: {  	[dreg:$0x5] =	wrdreg $0xA  }
0xc1: {  	_ =	task.clear_ibuf [dreg:s22], $0x6FFFF;
	_ =	strace $0x9000004C  }
0xc2: {  	s29 =	simm.s32 $0xA;
	_ =	strace $0x8000004E  }
0xc3: {  	_ =	swait.ge [sflag:s29], $0x1  }
0xc4: {  	[sflag:s29] =	ssyncadd.s32 $0xFFFFFFFF  }
0xc5: {  	_ =	strace $0x9000004E  }
0xc6: {  	_ =	sfence  }
0xc7: {  	s30 =	sld [smem:$0x0];
	_ =	sdelay $0x2  }
0xc8: {  	s31 =	sshll.u32 s1, $0xD;
	s1 =	sshrl.u32 s1, $0x2  }
0xc9: {  	s4 =	sand.u32 $0x4000, s31;
	s1 =	sadd.s32 s1, s30  }
0xca: {  	s0 =	sor.u32 s4, s0;
	s1 =	sshll.u32 s1, $0x11  }
0xcb: {  	s0 =	sor.u32 s1, s0  }
0xcc: {  	s0 =	sadd.s32 $0x8F2B, s0  }
0xcd: {  	[sflag:s0] =	ssyncadd.remote.s32 $0x1  }
0xce: {  	_ =	sfence.sel $0xFFFF  }
0xcf: {  	[dreg:$0x0] =	wrdreg $0xFFFFFFFF;
	(pc) =	sbr.abs _section_cstart, $3  }
0xd0: {  	[dreg:$0x1] =	wrdreg $0xFFFFFFFF  }
0xd1: {  	_ =	task.clear_ibuf [dreg:s22], $0x2FFFF;
	_ =	strace $0x9FFFFFFF  }
0xd2: {  	(tm) =	ssettm $0x7FFFFFFF  }
0xd3: {  	_ =	shalt  }
tec
execute0_lowered:
.L_overlay_start_1:
0x0: {  	(tag) =	ssettag $0x1  }
0x1: {  	s0 =	srdreg.scid  }
0x2: {  	s4 =	rddreg [dreg:$0x0];
	s19 =	stileid.u32  }
0x3: {  	s1 =	rddreg [dreg:$0x1];
	s23 =	smul.u32 $0x271, s19  }
0x4: {  	s3 =	simm.s32 $0x0;
	s0 =	sand.u32 $0x1, s0;
	s30 =	smul.u32 $0x1388, s19  }
0x5: {  	s29 =	simm.s32 $0x0;
	[smem:$0x7FF] =	sst s3;
	s10 =	smul.u32 $0x27100, s0  }
0x6: {  	s7 =	sadd.s32 $0xC4DA00, s4;
	s2 =	sshll.u32 s0, $0x4;
	s11 =	smul.u32 $0x4E20, s0  }
0x7: {  	s12 =	ssub.s32 $0x2, s0;
	s0 =	smul.u32 $0x13880, s0;
	s5 =	sor.u32 s19, s2  }
0x8: {  	s8 =	sadd.s32 $0x18800, s4;
	s2 =	rddreg [dreg:$0x2];
	s6 =	smul.u32 $0x1388, s5  }
0x9: {  	s22 =	sshrl.u32 s12, $0x1;
	s15 =	sadd.s32 $0x177, s23;
	s14 =	smul.u32 $0x13880, s5  }
0xa: {  	s16 =	sadd.s32 $0x1F4, s23;
	s13 =	sadd.s32 s10, s4;
	s5 =	smul.u32 $0x2710, s5  }
0xb: {  	s12 =	ssub.s32 s12, s22;
	s0 =	sadd.s32 s30, s0;
	s30 =	smul.u32 $0x4E200, s19  }
0xc: {  	s18 =	sadd.s32 $0x78, s0;
	s0 =	sadd.s32 $0x50, s0;
	s9 =	sshrl.u32 s6, $0x3  }
0xd: {  	s24 =	sadd.s32 s7, s14;
	s25 =	sadd.s32 $0x28, s6;
	s5 =	sadd.s32 s8, s5  }
0xe: {  	s14 =	sadd.s32 $0xFA, s23;
	s6 =	sadd.s32 $0x1360, s6;
	s20 =	sshrl.u32 s18, $0x3  }
0xf: {  	s0 =	sshrl.u32 s0, $0x3;
	s9 =	sadd.s32 s9, s4;
	[dreg:$0x4] =	wrdreg s24  }
0x10: {  	s4 =	sadd.s32 s11, s4;
	[dreg:$0x5] =	wrdreg s5;
	s26 =	sshll.u32 s25, $0x4  }
0x11: {  	s11 =	sshll.u32 s25, $0x1;
	s17 =	sshll.u32 s6, $0x4;
	s6 =	sshll.u32 s6, $0x1  }
0x12: {  	s21 =	sshll.u32 s0, $0x4;
	s0 =	sshll.u32 s0, $0x7;
	s22 =	sshll.u32 s14, $0x1  }
0x13: {  	s5 =	sadd.s32 s7, s26;
	s28 =	sadd.s32 s8, s11;
	s4 =	sadd.s32 $0x9DCA00, s4  }
0x14: {  	s10 =	sadd.s32 s7, s17;
	s6 =	sadd.s32 s8, s6;
	[dreg:$0x6] =	wrdreg s5  }
0x15: {  	s17 =	smul.u32 $0x4E2, s19;
	s11 =	sadd.s32 s21, s8;
	[dreg:$0x7] =	wrdreg s28  }
0x16: {  	s0 =	sadd.s32 s0, s7;
	s21 =	sadd.s32 $0x9E6800, s13;
	[dreg:$0x8] =	wrdreg s10  }
0x17: {  	s5 =	sadd.s32 $0x7D, s23;
	[dreg:$0x9] =	wrdreg s6;
	s10 =	sshll.u32 s20, $0x4  }
0x18: {  	s6 =	sshll.u32 s20, $0x7;
	[dreg:$0xb] =	wrdreg s0;
	s23 =	sshll.u32 s15, $0x1  }
0x19: {  	s26 =	sadd.s32 s22, s4;
	s28 =	sshll.u32 s16, $0x1;
	s20 =	sshll.u32 s14, $0x4  }
0x1a: {  	s22 =	smul.u32 $0x2710, s19;
	s18 =	sshll.u32 s5, $0x1;
	s10 =	sadd.s32 s10, s8  }
0x1b: {  	s6 =	sadd.s32 s6, s7;
	s24 =	sadd.s32 s17, s4;
	[dreg:$0xe] =	wrdreg s26  }
0x1c: {  	s0 =	sadd.s32 s23, s4;
	s7 =	sadd.s32 $0xE800, s9;
	s8 =	smul.u32 $0x9C40, s19  }
0x1d: {  	s9 =	smax.u32 s12, $0x1;
	s13 =	sshll.u32 s5, $0x7;
	[dreg:$0xa] =	wrdreg s6  }
0x1e: {  	s17 =	sshll.u32 s14, $0x7;
	s26 =	sshll.u32 s16, $0x7;
	[dreg:$0xc] =	wrdreg s24  }
0x1f: {  	s19 =	simm.s32 $0x1E168;
	s25 =	sadd.s32 s18, s4;
	[dreg:$0xf] =	wrdreg s0  }
0x20: {  	s0 =	sadd.s32 s28, s4;
	s31 =	sadd.s32 s13, s1;
	s18 =	sshll.u32 s5, $0x4  }
0x21: {  	s28 =	sshll.u32 s15, $0x4;
	s14 =	sadd.s32 s26, s1;
	[dreg:$0xd] =	wrdreg s25  }
0x22: {  	s6 =	sadd.s32 s20, s2;
	s26 =	simm.s32 $0x2;
	[dreg:$0x10] =	wrdreg s0  }
0x23: {  	s0 =	sshrl.u32 s30, $0x2;
	s12 =	sshrl.u32 s8, $0x2;
	s25 =	sshll.u32 s15, $0x7  }
0x24: {  	s30 =	sshll.u32 s16, $0x4;
	_ =	strace $0x8000004D;
	[dreg:$0x11] =	wrdreg s7  }
0x25: {  	s5 =	sadd.s32 s18, s2;
	s15 =	simm.s32 $0x15F90;
	[dreg:$0x12] =	wrdreg s9  }
0x26: {  	s16 =	simm.s32 $0x3;
	s23 =	sadd.s32 s0, s1;
	[dreg:$0x13] =	wrdreg s18  }
0x27: {  	s24 =	sadd.s32 s12, s2;
	s0 =	sadd.s32 s17, s1;
	[dreg:$0x15] =	wrdreg s20  }
0x28: {  	s4 =	sadd.s32 s25, s1;
	[dreg:$0x17] =	wrdreg s28;
	s7 =	sadd.s32 s28, s2  }
0x29: {  	[dreg:$0x18] =	wrdreg s30;
	s8 =	sadd.s32 s30, s2;
	s9 =	simm.s32 $0x1  }
0x2a: {  	s17 =	simm.s32 $0x19E10;
	s18 =	simm.s32 $0x1B968;
	[dreg:$0x14] =	wrdreg s0  }
0x2b: {  	s20 =	simm.s32 $0x1CD68;
	[dreg:$0x16] =	wrdreg s4;
	s0 =	sadd.s32 s22, s21  }
0x2c: {  	v0 =	vimm.f32 $0.0e+00;
	s22 =	simm.s32 $0x1E3E8;
	s4 =	simm.s32 $0x28;
	[dreg:$0x19] =	wrdreg s0  }
.LBB2_1:
0x2d: {  	s0 =	rddreg [dreg:$0x11];
	s12 =	simm.s32 $0x1A5E0  }
0x2e: {  	[tilespmem:s12], [sflag:$0x1] =	stream.linear.gather [hbm4b:s0+s3], $0x1388, $0x38;
	[tilespmem:$0x1E668] =	vst v63  }
0x2f: {  	_ =	swait.ge [sflag:s9], $0x1388  }
0x30: {  	[sflag:s9] =	ssyncset.done $0x0  }
0x31: {  	s0 =	simm.s32 $0x15FD0;
	[sflag:s9] =	ssyncadd.s32 $0xFFFFEC78  }
0x32: {  	[tilespmem:s0+$0xFFFFFFD0] =	vst v0  }
0x33: {  	[tilespmem:s0+$0xFFFFFFE0] =	vst v0  }
0x34: {  	[tilespmem:s0+$0xFFFFFFF0] =	vst v0  }
0x35: {  	[tilespmem:s0+$0x0] =	vst v0  }
0x36: {  	[tilespmem:s0+$0x10] =	vst v0  }
0x37: {  	[tilespmem:s0+$0x20] =	vst v0  }
0x38: {  	[tilespmem:s0+$0x30] =	vst v0  }
0x39: {  	s13 =	simm.s32 $0x0;
	s12 =	simm.s32 $0x40;
	[tilespmem:s0+$0xFFFFFFC0] =	vst v0  }
.LBB2_2:
0x3a: {  	p0 =	seq.s32 s12, $0x1F00;
	[tilespmem:s13+$0x19E10] =	vst v0;
	s0 =	sadd.s32 $0x80, s0  }
0x3b: {  	[tilespmem:s0+$0xFFFFFFD0] =	vst v0  }
0x3c: {  	[tilespmem:s0+$0xFFFFFFE0] =	vst v0  }
0x3d: {  	[tilespmem:s0+$0xFFFFFFF0] =	vst v0  }
.Ltmp0:
0x3e: {  	[tilespmem:s0+$0x0] =	vst v0;
	(pc) =	sbr.rel @!p0 .LBB2_2-.Ltmp0, $4  }
0x3f: {  	[tilespmem:s0+$0x10] =	vst v0  }
0x40: {  	[tilespmem:s0+$0x20] =	vst v0  }
0x41: {  	[tilespmem:s0+$0x30] =	vst v0  }
0x42: {  	s13 =	sshra.s32 s12, $0x2;
	s12 =	sadd.s32 $0x40, s12;
	[tilespmem:s0+$0xFFFFFFC0] =	vst v0  }
0x43: {  	[tilespmem:s13+$0x19E10] =	vst v0  }
0x44: {  	[spmem:s23] =	stream.linear.scatter [tilespmem:s15], [sflag:$0x3], $0x3E80, $0x38;
	[tilespmem:$0x1E668] =	vst v63  }
0x45: {  	_ =	swait.ge [sflag:s16], $0x3E80  }
0x46: {  	[sflag:s16] =	ssyncset.done $0x0  }
0x47: {  	[sflag:s16] =	ssyncadd.s32 $0xFFFFC180  }
0x48: {  	[spmem:s24] =	stream.linear.scatter [tilespmem:s17], [sflag:$0x3], $0x7D0, $0x38;
	[tilespmem:$0x1E668] =	vst v63  }
0x49: {  	_ =	swait.ge [sflag:s16], $0x7D0  }
0x4a: {  	[sflag:s16] =	ssyncset.done $0x0  }
0x4b: {  	[sflag:s16] =	ssyncadd.s32 $0xFFFFF830  }
0x4c: {  	[spmem:s31] =	stream.linear.scatter [tilespmem:s15], [sflag:$0x3], $0x3E80, $0x38;
	[tilespmem:$0x1E668] =	vst v63  }
0x4d: {  	_ =	swait.ge [sflag:s16], $0x3E80  }
0x4e: {  	[sflag:s16] =	ssyncset.done $0x0  }
0x4f: {  	[sflag:s16] =	ssyncadd.s32 $0xFFFFC180  }
0x50: {  	[spmem:s5] =	stream.linear.scatter [tilespmem:s17], [sflag:$0x3], $0x7D0, $0x38;
	[tilespmem:$0x1E668] =	vst v63  }
0x51: {  	_ =	swait.ge [sflag:s16], $0x7D0  }
0x52: {  	[sflag:s16] =	ssyncset.done $0x0  }
0x53: {  	s0 =	rddreg [dreg:$0x14];
	[sflag:s16] =	ssyncadd.s32 $0xFFFFF830  }
0x54: {  	[spmem:s0] =	stream.linear.scatter [tilespmem:s15], [sflag:$0x3], $0x3E80, $0x38;
	[tilespmem:$0x1E668] =	vst v63  }
0x55: {  	_ =	swait.ge [sflag:s16], $0x3E80  }
0x56: {  	[sflag:s16] =	ssyncset.done $0x0  }
0x57: {  	[sflag:s16] =	ssyncadd.s32 $0xFFFFC180  }
0x58: {  	[spmem:s6] =	stream.linear.scatter [tilespmem:s17], [sflag:$0x3], $0x7D0, $0x38;
	[tilespmem:$0x1E668] =	vst v63  }
0x59: {  	_ =	swait.ge [sflag:s16], $0x7D0  }
0x5a: {  	[sflag:s16] =	ssyncset.done $0x0  }
0x5b: {  	s13 =	rddreg [dreg:$0x16];
	[sflag:s16] =	ssyncadd.s32 $0xFFFFF830  }
0x5c: {  	[spmem:s13] =	stream.linear.scatter [tilespmem:s15], [sflag:$0x3], $0x3E80, $0x38;
	[tilespmem:$0x1E668] =	vst v63  }
0x5d: {  	_ =	swait.ge [sflag:s16], $0x3E80  }
0x5e: {  	[sflag:s16] =	ssyncset.done $0x0  }
0x5f: {  	[sflag:s16] =	ssyncadd.s32 $0xFFFFC180  }
0x60: {  	[spmem:s7] =	stream.linear.scatter [tilespmem:s17], [sflag:$0x3], $0x7D0, $0x38;
	[tilespmem:$0x1E668] =	vst v63  }
0x61: {  	_ =	swait.ge [sflag:s16], $0x7D0  }
0x62: {  	[sflag:s16] =	ssyncset.done $0x0  }
0x63: {  	[sflag:s16] =	ssyncadd.s32 $0xFFFFF830  }
0x64: {  	[spmem:s14] =	stream.linear.scatter [tilespmem:s15], [sflag:$0x3], $0x3E80, $0x38;
	[tilespmem:$0x1E668] =	vst v63  }
0x65: {  	_ =	swait.ge [sflag:s16], $0x3E80  }
0x66: {  	[sflag:s16] =	ssyncset.done $0x0  }
0x67: {  	[sflag:s16] =	ssyncadd.s32 $0xFFFFC180  }
0x68: {  	[spmem:s8] =	stream.linear.scatter [tilespmem:s17], [sflag:$0x3], $0x7D0, $0x38;
	[tilespmem:$0x1E668] =	vst v63  }
0x69: {  	_ =	swait.ge [sflag:s16], $0x7D0  }
0x6a: {  	[sflag:s16] =	ssyncset.done $0x0  }
0x6b: {  	[sflag:s16] =	ssyncadd.s32 $0xFFFFF830  }
0x6c: {  	[bflag:$0x0] =	sbarrier.arrive $0xFFFF  }
0x6d: {  	s0 =	simm.s32 $0x0;
	s12 =	rddreg [dreg:$0x4]  }
0x6e: {  	[tilespmem:s18], [sflag:$0x1] =	stream.linear.gather [hbm4b:s12+s0], $0x1400, $0x38;
	[tilespmem:$0x1E668] =	vst v63  }
0x6f: {  	s25 =	rddreg [dreg:$0x5]  }
0x70: {  	[tilespmem:s19], [sflag:$0x1] =	stream.linear.gather [hbm4b:s25+s0], $0x280, $0x38;
	[tilespmem:$0x1E668] =	vst v63  }
0x71: {  	s13 =	rddreg [dreg:$0x6]  }
0x72: {  	[tilespmem:s20], [sflag:$0x2] =	stream.linear.gather [hbm4b:s13+s0], $0x1400, $0x38;
	[tilespmem:$0x1E668] =	vst v63  }
0x73: {  	s25 =	rddreg [dreg:$0x7]  }
0x74: {  	[tilespmem:s22], [sflag:$0x2] =	stream.linear.gather [hbm4b:s25+s0], $0x280, $0x38;
	[tilespmem:$0x1E668] =	vst v63  }
0x75: {  	_ =	swait.ge [sflag:s9], $0x1400  }
0x76: {  	[sflag:s9] =	ssyncset.done $0x0  }
0x77: {  	[sflag:s9] =	ssyncadd.s32 $0xFFFFEC00  }
0x78: {  	_ =	swait.ge [sflag:s9], $0x280  }
0x79: {  	[sflag:s9] =	ssyncset.done $0x0  }
0x7a: {  	s13 =	simm.s32 $0x1A5E0;
	[sflag:s9] =	ssyncadd.s32 $0xFFFFFD80  }
0x7b: {  	[spmem:s1] =	stream.indirect.scatter.add.f32 [tilespmem:s18], [sflag:$0x3], $0x80, s13, s4, $0xb8;
	[tilespmem:$0x1E668] =	vst v63  }
0x7c: {  	_ =	swait.ge [sflag:s16], $0x1400  }
0x7d: {  	[sflag:s16] =	ssyncset.done $0x0  }
0x7e: {  	[sflag:s16] =	ssyncadd.s32 $0xFFFFEC00  }
0x7f: {  	[spmem:s2] =	stream.indirect.scatter.add.f32 [tilespmem:s19], [sflag:$0x3], $0x10, s13, s4, $0xb8;
	[tilespmem:$0x1E668] =	vst v63  }
0x80: {  	_ =	swait.ge [sflag:s16], $0x280  }
0x81: {  	[sflag:s16] =	ssyncset.done $0x0  }
0x82: {  	s13 =	rddreg [dreg:$0xb];
	[sflag:s16] =	ssyncadd.s32 $0xFFFFFD80  }
0x83: {  	[tilespmem:s18], [sflag:$0x1] =	stream.linear.gather [hbm4b:s13+s3], $0x1400, $0x38;
	[tilespmem:$0x1E668] =	vst v63  }
0x84: {  	s25 =	smov.u32 s23;
	s23 =	sadd.s32 $0x0, s11  }
0x85: {  	[tilespmem:s19], [sflag:$0x1] =	stream.linear.gather [hbm4b:s23+s3], $0x280, $0x38;
	[tilespmem:$0x1E668] =	vst v63  }
0x86: {  	_ =	swait.ge [sflag:s26], $0x1400  }
0x87: {  	[sflag:s26] =	ssyncset.done $0x0  }
0x88: {  	[sflag:s26] =	ssyncadd.s32 $0xFFFFEC00  }
0x89: {  	_ =	swait.ge [sflag:s26], $0x280  }
0x8a: {  	[sflag:s26] =	ssyncset.done $0x0  }
0x8b: {  	s0 =	simm.s32 $0x1A608;
	[sflag:s26] =	ssyncadd.s32 $0xFFFFFD80  }
0x8c: {  	[spmem:s1] =	stream.indirect.scatter.add.f32 [tilespmem:s20], [sflag:$0x3], $0x80, s0, s4, $0xb8;
	[tilespmem:$0x1E668] =	vst v63  }
0x8d: {  	_ =	swait.ge [sflag:s16], $0x1400  }
0x8e: {  	[sflag:s16] =	ssyncset.done $0x0  }
0x8f: {  	s28 =	smov.u32 s24;
	s30 =	smov.u32 s31;
	[sflag:s16] =	ssyncadd.s32 $0xFFFFEC00  }
0x90: {  	[spmem:s2] =	stream.indirect.scatter.add.f32 [tilespmem:s22], [sflag:$0x3], $0x10, s0, s4, $0xb8;
	[tilespmem:$0x1E668] =	vst v63  }
0x91: {  	s31 =	simm.s32 $0xA0;
	s13 =	sadd.s32 $0x500, s13;
	_ =	swait.ge [sflag:s16], $0x280  }
0x92: {  	s23 =	sadd.s32 $0x0, s10;
	[sflag:s16] =	ssyncset.done $0x0;
	s24 =	rddreg [dreg:$0xa]  }
0x93: {  	s0 =	simm.s32 $0x1A658;
	[sflag:s16] =	ssyncadd.s32 $0xFFFFFD80;
	s12 =	sadd.s32 $0x500, s24  }
0x94: {  	[tilespmem:s20], [sflag:$0x2] =	stream.linear.gather [hbm4b:s24+s3], $0x1400, $0x38;
	[tilespmem:$0x1E668] =	vst v63  }
.LBB2_4:
0x95: {  	[tilespmem:s22], [sflag:$0x2] =	stream.linear.gather [hbm4b:s23+s3], $0x280, $0x38;
	[tilespmem:$0x1E668] =	vst v63  }
0x96: {  	s23 =	smov.u32 s31  }
0x97: {  	p0 =	sne.s32 s31, $0x2580;
	s31 =	sadd.s32 $0xA0, s31;
	_ =	swait.ge [sflag:s9], $0x1400  }
0x98: {  	[sflag:s9] =	ssyncset.done $0x0  }
0x99: {  	[sflag:s9] =	ssyncadd.s32 $0xFFFFEC00  }
0x9a: {  	_ =	swait.ge [sflag:s9], $0x280  }
0x9b: {  	[sflag:s9] =	ssyncset.done $0x0  }
0x9c: {  	s24 =	sadd.s32 $0xFFFFFFD8, s0;
	[sflag:s9] =	ssyncadd.s32 $0xFFFFFD80  }
0x9d: {  	[spmem:s1] =	stream.indirect.scatter.add.f32 [tilespmem:s18], [sflag:$0x3], $0x80, s24, s4, $0xb8;
	[tilespmem:$0x1E668] =	vst v63  }
0x9e: {  	_ =	swait.ge [sflag:s16], $0x1400  }
0x9f: {  	[sflag:s16] =	ssyncset.done $0x0  }
0xa0: {  	[sflag:s16] =	ssyncadd.s32 $0xFFFFEC00  }
0xa1: {  	[spmem:s2] =	stream.indirect.scatter.add.f32 [tilespmem:s19], [sflag:$0x3], $0x10, s24, s4, $0xb8;
	[tilespmem:$0x1E668] =	vst v63  }
0xa2: {  	_ =	swait.ge [sflag:s16], $0x280  }
0xa3: {  	[sflag:s16] =	ssyncset.done $0x0  }
0xa4: {  	[sflag:s16] =	ssyncadd.s32 $0xFFFFFD80  }
0xa5: {  	[tilespmem:s18], [sflag:$0x1] =	stream.linear.gather [hbm4b:s13+s3], $0x1400, $0x38;
	[tilespmem:$0x1E668] =	vst v63  }
0xa6: {  	s24 =	sadd.s32 s23, s11  }
0xa7: {  	[tilespmem:s19], [sflag:$0x1] =	stream.linear.gather [hbm4b:s24+s3], $0x280, $0x38;
	[tilespmem:$0x1E668] =	vst v63  }
0xa8: {  	_ =	swait.ge [sflag:s26], $0x1400  }
0xa9: {  	[sflag:s26] =	ssyncset.done $0x0  }
0xaa: {  	[sflag:s26] =	ssyncadd.s32 $0xFFFFEC00  }
0xab: {  	_ =	swait.ge [sflag:s26], $0x280  }
0xac: {  	[sflag:s26] =	ssyncset.done $0x0  }
0xad: {  	[sflag:s26] =	ssyncadd.s32 $0xFFFFFD80  }
0xae: {  	[spmem:s1] =	stream.indirect.scatter.add.f32 [tilespmem:s20], [sflag:$0x3], $0x80, s0, s4, $0xb8;
	[tilespmem:$0x1E668] =	vst v63  }
0xaf: {  	_ =	swait.ge [sflag:s16], $0x1400  }
0xb0: {  	[sflag:s16] =	ssyncset.done $0x0  }
0xb1: {  	[sflag:s16] =	ssyncadd.s32 $0xFFFFEC00  }
0xb2: {  	[spmem:s2] =	stream.indirect.scatter.add.f32 [tilespmem:s22], [sflag:$0x3], $0x10, s0, s4, $0xb8;
	[tilespmem:$0x1E668] =	vst v63  }
.Ltmp1:
0xb3: {  	_ =	swait.ge [sflag:s16], $0x280;
	(pc) =	sbr.rel @p0 .LBB2_4-.Ltmp1, $4  }
0xb4: {  	[sflag:s16] =	ssyncset.done $0x0  }
0xb5: {  	s0 =	sadd.s32 $0x50, s0;
	[sflag:s16] =	ssyncadd.s32 $0xFFFFFD80  }
0xb6: {  	[tilespmem:s20], [sflag:$0x2] =	stream.linear.gather [hbm4b:s12+s3], $0x1400, $0x38;
	[tilespmem:$0x1E668] =	vst v63  }
0xb7: {  	s23 =	sadd.s32 s23, s10;
	s13 =	sadd.s32 $0x500, s13;
	s12 =	sadd.s32 $0x500, s12  }
0xb8: {  	[tilespmem:s22], [sflag:$0x2] =	stream.linear.gather [hbm4b:s23+s3], $0x280, $0x38;
	[tilespmem:$0x1E668] =	vst v63  }
0xb9: {  	_ =	swait.ge [sflag:s9], $0x1400  }
0xba: {  	[sflag:s9] =	ssyncset.done $0x0  }
0xbb: {  	[sflag:s9] =	ssyncadd.s32 $0xFFFFEC00  }
0xbc: {  	_ =	swait.ge [sflag:s9], $0x280  }
0xbd: {  	[sflag:s9] =	ssyncset.done $0x0  }
0xbe: {  	s0 =	simm.s32 $0x1B8F0;
	[sflag:s9] =	ssyncadd.s32 $0xFFFFFD80  }
0xbf: {  	[spmem:s1] =	stream.indirect.scatter.add.f32 [tilespmem:s18], [sflag:$0x3], $0x80, s0, s4, $0xb8;
	[tilespmem:$0x1E668] =	vst v63  }
0xc0: {  	_ =	swait.ge [sflag:s16], $0x1400  }
0xc1: {  	[sflag:s16] =	ssyncset.done $0x0  }
0xc2: {  	[sflag:s16] =	ssyncadd.s32 $0xFFFFEC00  }
0xc3: {  	[spmem:s2] =	stream.indirect.scatter.add.f32 [tilespmem:s19], [sflag:$0x3], $0x10, s0, s4, $0xb8;
	[tilespmem:$0x1E668] =	vst v63  }
0xc4: {  	_ =	swait.ge [sflag:s16], $0x280  }
0xc5: {  	[sflag:s16] =	ssyncset.done $0x0  }
0xc6: {  	s12 =	rddreg [dreg:$0x8];
	[sflag:s16] =	ssyncadd.s32 $0xFFFFFD80  }
0xc7: {  	[tilespmem:s18], [sflag:$0x1] =	stream.linear.gather [hbm4b:s12+s3], $0x1400, $0x38;
	[tilespmem:$0x1E668] =	vst v63  }
0xc8: {  	s13 =	rddreg [dreg:$0x9]  }
0xc9: {  	[tilespmem:s19], [sflag:$0x1] =	stream.linear.gather [hbm4b:s13+s3], $0x280, $0x38;
	[tilespmem:$0x1E668] =	vst v63  }
0xca: {  	_ =	swait.ge [sflag:s26], $0x1400  }
0xcb: {  	[sflag:s26] =	ssyncset.done $0x0  }
0xcc: {  	[sflag:s26] =	ssyncadd.s32 $0xFFFFEC00  }
0xcd: {  	_ =	swait.ge [sflag:s26], $0x280  }
0xce: {  	[sflag:s26] =	ssyncset.done $0x0  }
0xcf: {  	s23 =	simm.s32 $0x1B918;
	[sflag:s26] =	ssyncadd.s32 $0xFFFFFD80  }
0xd0: {  	[spmem:s1] =	stream.indirect.scatter.add.f32 [tilespmem:s20], [sflag:$0x3], $0x80, s23, s4, $0xb8;
	[tilespmem:$0x1E668] =	vst v63  }
0xd1: {  	_ =	swait.ge [sflag:s16], $0x1400  }
0xd2: {  	[sflag:s16] =	ssyncset.done $0x0  }
0xd3: {  	[sflag:s16] =	ssyncadd.s32 $0xFFFFEC00  }
0xd4: {  	[spmem:s2] =	stream.indirect.scatter.add.f32 [tilespmem:s22], [sflag:$0x3], $0x10, s23, s4, $0xb8;
	[tilespmem:$0x1E668] =	vst v63  }
0xd5: {  	_ =	swait.ge [sflag:s16], $0x280  }
0xd6: {  	[sflag:s16] =	ssyncset.done $0x0  }
0xd7: {  	[sflag:s16] =	ssyncadd.s32 $0xFFFFFD80  }
0xd8: {  	_ =	swait.ge [sflag:s9], $0x1400  }
0xd9: {  	[sflag:s9] =	ssyncset.done $0x0  }
0xda: {  	[sflag:s9] =	ssyncadd.s32 $0xFFFFEC00  }
0xdb: {  	_ =	swait.ge [sflag:s9], $0x280  }
0xdc: {  	[sflag:s9] =	ssyncset.done $0x0  }
0xdd: {  	s24 =	simm.s32 $0x1B940;
	[sflag:s9] =	ssyncadd.s32 $0xFFFFFD80  }
0xde: {  	[spmem:s1] =	stream.indirect.scatter.add.f32 [tilespmem:s18], [sflag:$0x3], $0x80, s24, s4, $0xb8;
	[tilespmem:$0x1E668] =	vst v63  }
0xdf: {  	_ =	swait.ge [sflag:s16], $0x1400  }
0xe0: {  	[sflag:s16] =	ssyncset.done $0x0  }
0xe1: {  	[sflag:s16] =	ssyncadd.s32 $0xFFFFEC00  }
0xe2: {  	[spmem:s2] =	stream.indirect.scatter.add.f32 [tilespmem:s19], [sflag:$0x3], $0x10, s24, s4, $0xb8;
	[tilespmem:$0x1E668] =	vst v63  }
0xe3: {  	_ =	swait.ge [sflag:s16], $0x280  }
0xe4: {  	[sflag:s16] =	ssyncset.done $0x0  }
0xe5: {  	s12 =	stileid.u32;
	[sflag:s16] =	ssyncadd.s32 $0xFFFFFD80  }
0xe6: {  	s0 =	sshll.u32 s12, $0x6;
	[bflag:$0x0] =	sbarrier.arrive $0xFFFF  }
0xe7: {  	s12 =	sshrl.u32 s25, $0x3;
	s0 =	sor.u32 $0x1C03, s0;
	s13 =	rddreg [dreg:$0x19]  }
0xe8: {  	[hbm:s13], [sflag:s0] =	dma.local [spmem:s12], $0x7D0  }
0xe9: {  	_ =	swait.ge [sflag:s16], $0x7D0  }
0xea: {  	s23 =	smov.u32 s25;
	[sflag:s16] =	ssyncset.done $0x0  }
0xeb: {  	s13 =	sshrl.u32 s28, $0x3;
	s25 =	rddreg [dreg:$0xc];
	[sflag:s16] =	ssyncadd.s32 $0xFFFFF830  }
0xec: {  	[hbm:s25], [sflag:s0] =	dma.local [spmem:s13], $0xFA  }
0xed: {  	s31 =	smov.u32 s30;
	_ =	swait.ge [sflag:s16], $0xFA  }
0xee: {  	s24 =	smov.u32 s28;
	[sflag:s16] =	ssyncset.done $0x0;
	s28 =	rddreg [dreg:$0x13]  }
0xef: {  	s30 =	sshrl.u32 s30, $0x3;
	[sflag:s16] =	ssyncadd.s32 $0xFFFFFF06;
	s12 =	sadd.s32 s28, s21  }
0xf0: {  	[hbm:s12], [sflag:s0] =	dma.local [spmem:s30], $0x7D0  }
0xf1: {  	_ =	swait.ge [sflag:s16], $0x7D0  }
0xf2: {  	[sflag:s16] =	ssyncset.done $0x0  }
0xf3: {  	s13 =	sshrl.u32 s5, $0x3;
	s25 =	rddreg [dreg:$0xd];
	[sflag:s16] =	ssyncadd.s32 $0xFFFFF830  }
0xf4: {  	[hbm:s25], [sflag:s0] =	dma.local [spmem:s13], $0xFA  }
0xf5: {  	_ =	swait.ge [sflag:s16], $0xFA  }
0xf6: {  	s28 =	rddreg [dreg:$0x15]  }
0xf7: {  	[sflag:s16] =	ssyncset.done $0x0;
	s30 =	rddreg [dreg:$0x14]  }
0xf8: {  	[sflag:s16] =	ssyncadd.s32 $0xFFFFFF06;
	s12 =	sadd.s32 s28, s21;
	s13 =	sshrl.u32 s30, $0x3  }
0xf9: {  	[hbm:s12], [sflag:s0] =	dma.local [spmem:s13], $0x7D0  }
0xfa: {  	_ =	swait.ge [sflag:s16], $0x7D0  }
0xfb: {  	[sflag:s16] =	ssyncset.done $0x0  }
0xfc: {  	s13 =	sshrl.u32 s6, $0x3;
	s25 =	rddreg [dreg:$0xe];
	[sflag:s16] =	ssyncadd.s32 $0xFFFFF830  }
0xfd: {  	[hbm:s25], [sflag:s0] =	dma.local [spmem:s13], $0xFA  }
0xfe: {  	_ =	swait.ge [sflag:s16], $0xFA  }
0xff: {  	s28 =	rddreg [dreg:$0x17]  }
0x100: {  	[sflag:s16] =	ssyncset.done $0x0;
	s30 =	rddreg [dreg:$0x16]  }
0x101: {  	[sflag:s16] =	ssyncadd.s32 $0xFFFFFF06;
	s12 =	sadd.s32 s28, s21;
	s13 =	sshrl.u32 s30, $0x3  }
0x102: {  	[hbm:s12], [sflag:s0] =	dma.local [spmem:s13], $0x7D0  }
0x103: {  	_ =	swait.ge [sflag:s16], $0x7D0  }
0x104: {  	[sflag:s16] =	ssyncset.done $0x0  }
0x105: {  	s13 =	sshrl.u32 s7, $0x3;
	s25 =	rddreg [dreg:$0xf];
	[sflag:s16] =	ssyncadd.s32 $0xFFFFF830  }
0x106: {  	[hbm:s25], [sflag:s0] =	dma.local [spmem:s13], $0xFA  }
0x107: {  	_ =	swait.ge [sflag:s16], $0xFA  }
0x108: {  	[sflag:s16] =	ssyncset.done $0x0;
	s28 =	rddreg [dreg:$0x18]  }
0x109: {  	s30 =	sshrl.u32 s14, $0x3;
	[sflag:s16] =	ssyncadd.s32 $0xFFFFFF06;
	s12 =	sadd.s32 s28, s21  }
0x10a: {  	[hbm:s12], [sflag:s0] =	dma.local [spmem:s30], $0x7D0  }
0x10b: {  	_ =	swait.ge [sflag:s16], $0x7D0  }
0x10c: {  	[sflag:s16] =	ssyncset.done $0x0  }
0x10d: {  	s25 =	sshrl.u32 s8, $0x3;
	s28 =	rddreg [dreg:$0x10];
	[sflag:s16] =	ssyncadd.s32 $0xFFFFF830  }
0x10e: {  	[hbm:s28], [sflag:s0] =	dma.local [spmem:s25], $0xFA  }
0x10f: {  	_ =	swait.ge [sflag:s16], $0xFA  }
0x110: {  	s29 =	sadd.s32 $0x1, s29;
	s30 =	rddreg [dreg:$0x12]  }
0x111: {  	p0 =	sne.s32 s29, s30  }
.Ltmp2:
0x112: {  	_ = 	snop;
	(pc) =	sbr.rel @p0 .LBB2_1-.Ltmp2, $3  }
0x113: {  	_ =	sdelay $0x1  }
0x114: {  	[sflag:s16] =	ssyncset.done $0x0  }
0x115: {  	[sflag:s16] =	ssyncadd.s32 $0xFFFFFF06  }
0x116: {  	_ =	sfence.sel $0x180000  }
0x117: {  	[bflag:$0x0] =	sbarrier.arrive $0xFFFF  }
0x118: {  	_ =	strace $0x9000004D  }
0x119: {  	s0 =	stileid.u32;
	[bflag:$0x2] =	sbarrier.arrive $0xFFFF  }
0x11a: {  	p0 =	sne.s32 s0, $0x0;
	s0 =	rddreg [dreg:$0x3]  }
0x11b: {  	s0 =	sadd.s32 @!p0 $0x100000, s0  }
0x11c: {  	[sflag:s0] =	ssyncadd.tile.s32 @!p0 $0x1;
	_ =	shalt  }
.Lfunc_end2:
_tile_overlayer_lowered:
.L_overlay_start_2:
0x11d: {  	(tag) =	ssettag $0x2  }
0x11e: {  	s0 =	rddreg [dreg:$0x0];
	s2 =	stileid.u32  }
0x11f: {  	s1 =	rddreg [dreg:$0x1];
	p0 =	sne.s32 s2, $0x0  }
0x120: {  	s3 =	rddreg [dreg:$0x2];
	[bflag:$0x3] =	sbarrier.arrive $0xFFFF;
	s2 =	simm.s32 @!p0 $0x1C03  }
0x121: {  	[timem:s3], [sflag:s2] =	dma.local @!p0 [hbm:s0], s1  }
0x122: {  	s0 =	simm.s32 @!p0 $0x3  }
0x123: {  	_ =	swait.ge @!p0 [sflag:s0], s1  }
0x124: {  	s1 =	ssub.s32 @!p0 $0x0, s1;
	[sflag:s0] =	ssyncset.done @!p0 $0x0  }
0x125: {  	[sflag:s0] =	ssyncadd.s32 @!p0 s1  }
0x126: {  	[bflag:$0x3] =	sbarrier.arrive $0xFFFF  }
0x127: {  	_ =	shalt  }

// kernel: kernel.9.cloned.1.call-start
scs
__scs_entry_jumppad:
0x0: {  	(pc) =	sbr.rel $0x88, $3  }
0x1: {  	(tag) =	ssettag $0x0;
	lr =	simm.s32 $0x1  }
0x2: {  	[smem:$0x3F94] =	sst lr;
	_ =	strace $0xD0000000  }
0x3: {  	_ = 	snop  }
0x4: {  	_ = 	snop  }
0x5: {  	_ = 	snop  }
0x6: {  	_ = 	snop  }
0x7: {  	_ = 	snop  }
__scs_overlays_trampoline_lowered:
0x8: {  	[smem:$0x3FA3] =	sst s0  }
0x9: {  	[smem:$0x3FA4] =	sst s1  }
0xa: {  	[smem:$0x3FA5] =	sst s2  }
0xb: {  	[smem:$0x3FA6] =	sst s3  }
0xc: {  	[smem:$0x3FA7] =	sst s4  }
0xd: {  	[smem:$0x3FA8] =	sst s5  }
0xe: {  	[smem:$0x3FA9] =	sst s6  }
0xf: {  	[smem:$0x3FAA] =	sst s7  }
0x10: {  	[smem:$0x3FAB] =	sst s8  }
0x11: {  	[smem:$0x3FAC] =	sst s9;
	s0 =	simm.s32 @!p0 $0x0  }
0x12: {  	s1 =	sld [smem:$0x3F92];
	s0 =	simm.s32 @p0 $0x1  }
0x13: {  	[smem:$0x3FAD] =	sst s0;
	s0 =	simm.s32 @!p1 $0x0  }
0x14: {  	s2 =	sld [smem:$0x3F91];
	s0 =	simm.s32 @p1 $0x1  }
0x15: {  	[smem:$0x3FAE] =	sst s0;
	s0 =	simm.s32 @!p2 $0x0  }
0x16: {  	s3 =	sld [smem:$0x3FDB];
	s0 =	simm.s32 @p2 $0x1  }
0x17: {  	s4 =	simm.s32 $0x1BF5;
	[smem:$0x3FB0] =	sst s0  }
0x18: {  	s0 =	sld [smem:$0x3F93];
	_ =	swait.ge [sflag:s4], $0x0  }
0x19: {  	s7 =	sld [smem:$0x3F94]  }
0x1a: {  	s8 =	sadd.s32 $0xFFFFE003, lr  }
0x1b: {  	s9 =	sadd.s32 $0xFFFFFEF7, lr;
	s5 =	simm.s32 $0xFFFFFFFF;
	p2 =	slt.u32 s8, $0xFFFFF086  }
0x1c: {  	p1 =	slt.u32 s9, $0xF7A;
	s5 =	simm.s32 @!p2 $0x0  }
0x1d: {  	s5 =	simm.s32 @p1 $0x1;
	p0 =	seq.s32 s7, s2  }
0x1e: {  	s7 =	smul.u32 @!p0 $0xF7A, s2;
	p2 =	seq.s32 @!p0 s5, $0x0  }
0x1f: {  	s9 =	smul.u32 $0xF7A, s1;
	s8 =	simm.s32 @!p0 $0x1BF5;
	p2 =	por !p2, p0  }
0x20: {  	[sflag:s8] =	ssyncset.s32 @!p0 $0xFFFFF086;
	s6 =	sadd.s32 @!p0 s3, s7;
	s7 =	simm.s32 @!p0 $0x108  }
0x21: {  	s3 =	sadd.s32 s3, s9;
	s6 =	sadd.s32 @!p0 $0x88, s6;
	s7 =	simm.s32 @p2 $0x1082  }
0x22: {  	[simem:s7], [sflag:s8] =	dma.local @!p0 [hbm:s6], $0xF7A  }
0x23: {  	s9 =	sor.u32 $0xD0000000, s2;
	s6 =	simm.s32 $0x108;
	_ =	swait.ge @!p0 [sflag:s8], $0x0  }
0x24: {  	s3 =	sadd.s32 $0x88, s3;
	s6 =	simm.s32 @!p1 $0x1082;
	[sflag:s4] =	ssyncset.s32 $0xFFFFF086  }
0x25: {  	[simem:s6], [sflag:s4] =	dma.local [hbm:s3], $0xF7A  }
0x26: {  	[smem:$0x3F94] =	sst s1;
	(tag) =	ssettag s2;
	_ =	strace s9  }
0x27: {  	s1 =	sld [smem:$0x3FA4]  }
0x28: {  	s2 =	sld [smem:$0x3FA5]  }
0x29: {  	s4 =	sld [smem:$0x3FA7]  }
0x2a: {  	p0 =	seq.s32 s5, $0x0;
	s5 =	sld [smem:$0x3FA8]  }
0x2b: {  	s6 =	sld [smem:$0x3FA9]  }
0x2c: {  	s7 =	sld [smem:$0x3FAA]  }
0x2d: {  	s3 =	simm.s32 $0x108;
	s8 =	sld [smem:$0x3FAB]  }
0x2e: {  	s3 =	simm.s32 @!p0 $0x1082;
	s9 =	sld [smem:$0x3FAC]  }
0x2f: {  	lr =	sadd.s32 s0, s3;
	s0 =	sld [smem:$0x3FA3]  }
0x30: {  	s3 =	sld [smem:$0x3FA6]  }
0x31: {  	[smem:$0x3FAF] =	sst s10  }
0x32: {  	s10 =	sld [smem:$0x3FAD];
	_ =	sdelay $0x3  }
0x33: {  	p0 =	seq.s32 s10, $0x1;
	s10 =	sld [smem:$0x3FAF];
	_ =	sdelay $0x3  }
0x34: {  	[smem:$0x3FAF] =	sst s10  }
0x35: {  	s10 =	sld [smem:$0x3FAE];
	_ =	sdelay $0x3  }
0x36: {  	p1 =	seq.s32 s10, $0x1;
	s10 =	sld [smem:$0x3FAF];
	_ =	sdelay $0x3  }
0x37: {  	[smem:$0x3FAF] =	sst s10  }
0x38: {  	s10 =	sld [smem:$0x3FB0]  }
0x39: {  	_ = 	snop;
	(pc) =	sbr.ind lr, $3  }
0x3a: {  	_ = 	snop  }
0x3b: {  	_ = 	snop  }
0x3c: {  	p2 =	seq.s32 s10, $0x1;
	s10 =	sld [smem:$0x3FAF]  }
0x3d: {  	_ =	shalt  }
0x3e: {  	_ =	shalt  }
0x3f: {  	_ =	shalt  }
0x40: {  	_ =	shalt  }
0x41: {  	_ =	shalt  }
0x42: {  	_ =	shalt  }
0x43: {  	_ =	shalt  }
0x44: {  	_ =	shalt  }
0x45: {  	_ =	shalt  }
0x46: {  	_ =	shalt  }
0x47: {  	_ =	shalt  }
0x48: {  	_ =	shalt  }
0x49: {  	_ =	shalt  }
0x4a: {  	_ =	shalt  }
0x4b: {  	_ =	shalt  }
0x4c: {  	_ =	shalt  }
0x4d: {  	_ =	shalt  }
0x4e: {  	_ =	shalt  }
0x4f: {  	_ =	shalt  }
0x50: {  	_ =	shalt  }
0x51: {  	_ =	shalt  }
0x52: {  	_ =	shalt  }
0x53: {  	_ =	shalt  }
0x54: {  	_ =	shalt  }
0x55: {  	_ =	shalt  }
0x56: {  	_ =	shalt  }
0x57: {  	_ =	shalt  }
0x58: {  	_ =	shalt  }
0x59: {  	_ =	shalt  }
0x5a: {  	_ =	shalt  }
0x5b: {  	_ =	shalt  }
0x5c: {  	_ =	shalt  }
0x5d: {  	_ =	shalt  }
0x5e: {  	_ =	shalt  }
0x5f: {  	_ =	shalt  }
0x60: {  	_ =	shalt  }
0x61: {  	_ =	shalt  }
0x62: {  	_ =	shalt  }
0x63: {  	_ =	shalt  }
0x64: {  	_ =	shalt  }
0x65: {  	_ =	shalt  }
0x66: {  	_ =	shalt  }
0x67: {  	_ =	shalt  }
0x68: {  	_ =	shalt  }
0x69: {  	_ =	shalt  }
0x6a: {  	_ =	shalt  }
0x6b: {  	_ =	shalt  }
0x6c: {  	_ =	shalt  }
0x6d: {  	_ =	shalt  }
0x6e: {  	_ =	shalt  }
0x6f: {  	_ =	shalt  }
0x70: {  	_ =	shalt  }
0x71: {  	_ =	shalt  }
0x72: {  	_ =	shalt  }
0x73: {  	_ =	shalt  }
0x74: {  	_ =	shalt  }
0x75: {  	_ =	shalt  }
0x76: {  	_ =	shalt  }
0x77: {  	_ =	shalt  }
0x78: {  	_ =	shalt  }
0x79: {  	_ =	shalt  }
0x7a: {  	_ =	shalt  }
0x7b: {  	_ =	shalt  }
0x7c: {  	_ =	shalt  }
0x7d: {  	_ =	shalt  }
0x7e: {  	_ =	shalt  }
0x7f: {  	_ =	shalt  }
0x80: {  	_ =	shalt  }
0x81: {  	_ =	shalt  }
0x82: {  	_ =	shalt  }
0x83: {  	_ =	shalt  }
0x84: {  	_ =	shalt  }
0x85: {  	_ =	shalt  }
0x86: {  	_ =	shalt  }
0x87: {  	_ =	shalt  }
.Lfunc_end0:
.L_simem_size_0:
called_computation_lowered:
.L_overlay_start_0:
0x88: {  	s2 =	sld [smem:$0x3FD9]  }
0x89: {  	s3 =	sld [smem:$0x3FFE];
	_ =	sdelay $0x1  }
0x8a: {  	s1 =	srdreg.scid  }
0x8b: {  	s0 =	sand.u32 $0x1, s1  }
0x8c: {  	s17 =	sshll.u32 s0, $0xA;
	s2 =	sadd.s32 s3, s2  }
0x8d: {  	s2 =	sadd.s32 s2, s17  }
0x8e: {  	[smem:$0x3FBB] =	sst s2  }
0x8f: {  	_ = 	snop  }
0x90: {  	s18 =	sld [smem:$0x3FC8]  }
0x91: {  	s4 =	sld [smem:$0x3FD0];
	(tm) =	ssettm $0x1  }
0x92: {  	s19 =	sld [smem:$0x3FFB];
	_ =	sdelay $0x3  }
0x93: {  	_ =	strace s19  }
0x94: {  	s2 =	sld [smem:$0x3FFC];
	_ =	sdelay $0x3  }
0x95: {  	_ =	strace s2  }
0x96: {  	s2 =	sld [smem:$0x3FFD];
	_ =	sdelay $0x3  }
0x97: {  	_ =	strace s2  }
0x98: {  	_ =	strace $0x8FFFFFFF  }
0x99: {  	s20 =	sld [smem:$0x3FDB];
	_ =	sdelay $0x1  }
0x9a: {  	s5 =	simm.s32 $_scs_section_size  }
0x9b: {  	s6 =	simm.s32 $_size__tile_overlayer_lowered;
	s7 =	simm.s32 $_tile_overlayer_lowered  }
0x9c: {  	s8 =	simm.s32 $0x1BFF;
	s21 =	sshll.u32 s7, $0x1;
	s5 =	sadd.s32 s5, s20  }
0x9d: {  	s22 =	simm.s32 $0x0;
	s6 =	sshll.u32 s6, $0x1;
	s7 =	sadd.s32 s21, s5  }
0x9e: {  	[timem:s22], [sflag:s8] =	dma.local [hbm:s7], s6  }
0x9f: {  	_ =	swait.ge [sflag:s8], s6  }
0xa0: {  	s6 =	ssub.s32 $0x0, s6;
	[sflag:s8] =	ssyncset.done $0x0  }
0xa1: {  	[sflag:s8] =	ssyncadd.s32 s6;
	_ =	sdelay $0x1  }
0xa2: {  	s23 =	simm.s32 $0x1B8B  }
0xa3: {  	_ =	swait.ge [sflag:s23], $0x1  }
0xa4: {  	[sflag:s23] =	ssyncset.done $0x0  }
0xa5: {  	[sflag:s23] =	ssyncadd.s32 $0xFFFFFFFF  }
0xa6: {  	s6 =	sld [smem:$0x0]  }
0xa7: {  	s7 =	sand.u32 $0xFFFFFFFE, s1  }
0xa8: {  	p0 =	sne.s32 s1, s7  }
0xa9: {  	s7 =	sshll.u32 @p0 s7, $0xE  }
0xaa: {  	s7 =	sadd.s32 @p0 $0x11B8D, s7;
	s8 =	sshll.u32 @p0 s6, $0x11  }
0xab: {  	s7 =	sor.u32 @p0 s8, s7  }
0xac: {  	[sflag:s7] =	ssyncadd.remote.s32 @p0 $0x1;
	_ =	sdelay $0x1  }
0xad: {  	s7 =	simm.s32 @p0 $0x1B8D  }
0xae: {  	_ =	swait.eq @p0 [sflag:s7], $0x1  }
0xaf: {  	[sflag:s7] =	ssyncadd.s32 @p0 $0xFFFFFFFF  }
0xb0: {  	s8 =	sshll.u32 @!p0 s1, $0xE  }
0xb1: {  	s8 =	sor.u32 @!p0 $0x4000, s8;
	s7 =	simm.s32 @!p0 $0x1B8D  }
0xb2: {  	s6 =	sshll.u32 @!p0 s6, $0x11;
	s8 =	sadd.s32 @!p0 $0x11B8D, s8;
	_ =	swait.eq @!p0 [sflag:s7], $0x1  }
0xb3: {  	s6 =	sor.u32 @!p0 s6, s8;
	[sflag:s7] =	ssyncadd.s32 @!p0 $0xFFFFFFFF  }
0xb4: {  	s25 =	simm.s32 $0x1B8E;
	s24 =	sld [smem:$0x3FFE];
	[sflag:s6] =	ssyncadd.remote.s32 @!p0 $0x1  }
0xb5: {  	s26 =	simm.s32 $execute0_lowered;
	[smem:$0x3FD2] =	sst s25  }
0xb6: {  	s7 =	sshll.u32 s26, $0x1;
	_ =	strace $0x80000049;
	[dreg:$0x1] =	wrdreg $0xFFFFFFFF  }
0xb7: {  	s28 =	simm.s32 $_size_execute0_lowered;
	s5 =	sadd.s32 s5, s7;
	[dreg:$0x0] =	wrdreg $0x0  }
0xb8: {  	s7 =	sshll.u32 s28, $0x1;
	[dreg:$0x2] =	wrdreg s5  }
0xb9: {  	[dreg:$0x3] =	wrdreg s7  }
0xba: {  	[dreg:$0x4] =	wrdreg $0xC0  }
0xbb: {  	_ =	task [dreg:s22], $0x5FFFF  }
0xbc: {  	[dreg:$0x1] =	wrdreg $0xFFFFFFFF  }
0xbd: {  	[dreg:$0x0] =	wrdreg $0x60  }
0xbe: {  	[dreg:$0x2] =	wrdreg s18  }
0xbf: {  	[dreg:$0x3] =	wrdreg s4  }
0xc0: {  	[dreg:$0x4] =	wrdreg s24  }
0xc1: {  	[dreg:$0x5] =	wrdreg $0x9  }
0xc2: {  	_ =	task.clear_ibuf [dreg:s22], $0x6FFFF;
	_ =	strace $0x90000049  }
0xc3: {  	s29 =	simm.s32 $0x9;
	_ =	strace $0x8000004B  }
0xc4: {  	_ =	swait.ge [sflag:s29], $0x1  }
0xc5: {  	[sflag:s29] =	ssyncadd.s32 $0xFFFFFFFF  }
0xc6: {  	_ =	strace $0x9000004B  }
0xc7: {  	_ =	sfence  }
0xc8: {  	s30 =	sld [smem:$0x0];
	_ =	sdelay $0x2  }
0xc9: {  	s31 =	sshll.u32 s1, $0xD;
	s1 =	sshrl.u32 s1, $0x2  }
0xca: {  	s4 =	sand.u32 $0x4000, s31;
	s1 =	sadd.s32 s1, s30  }
0xcb: {  	s0 =	sor.u32 s4, s0;
	s1 =	sshll.u32 s1, $0x11  }
0xcc: {  	s0 =	sor.u32 s1, s0  }
0xcd: {  	s0 =	sadd.s32 $0x8F2B, s0  }
0xce: {  	[sflag:s0] =	ssyncadd.remote.s32 $0x1  }
0xcf: {  	_ =	sfence.sel $0xFFFF  }
0xd0: {  	[dreg:$0x0] =	wrdreg $0xFFFFFFFF;
	(pc) =	sbr.abs _section_cstart, $3  }
0xd1: {  	[dreg:$0x1] =	wrdreg $0xFFFFFFFF  }
0xd2: {  	_ =	task.clear_ibuf [dreg:s22], $0x2FFFF;
	_ =	strace $0x9FFFFFFF  }
0xd3: {  	(tm) =	ssettm $0x7FFFFFFF  }
tec
execute0_lowered:
.L_overlay_start_1:
0x0: {  	(tag) =	ssettag $0x1  }
0x1: {  	s1 =	rddreg [dreg:$0x0]  }
0x2: {  	s0 =	srdreg.scid;
	s3 =	rddreg [dreg:$0x1]  }
0x3: {  	s13 =	stileid.u32;
	s5 =	rddreg [dreg:$0x2];
	s4 =	simm.s32 $0x0  }
0x4: {  	s17 =	simm.s32 $0x1;
	s18 =	simm.s32 $0x2;
	s19 =	simm.s32 $0x50  }
0x5: {  	s20 =	simm.s32 $0x2800;
	s21 =	simm.s32 $0x7800;
	s22 =	simm.s32 $0x5000  }
0x6: {  	s24 =	simm.s32 $0xA000;
	s28 =	simm.s32 $0x28;
	s0 =	sand.u32 $0x1, s0  }
0x7: {  	s31 =	simm.s32 $0x5;
	s16 =	smul.u32 $0x13880, s13;
	s2 =	sshll.u32 s0, $0x4  }
0x8: {  	s8 =	ssub.s32 $0x2, s0;
	s0 =	smul.u32 $0x138800, s0;
	s2 =	sor.u32 s13, s2  }
0x9: {  	[smem:$0x7FF] =	sst s4;
	s14 =	sadd.s32 $0x4FA800, s5;
	s6 =	smul.u32 $0x1388, s2  }
0xa: {  	s15 =	sadd.s32 $0x76B800, s5;
	s25 =	sshrl.u32 s8, $0x1;
	s7 =	smul.u32 $0x9C400, s2  }
0xb: {  	_ =	strace $0x8000004A;
	s9 =	ssub.s32 s8, s25;
	s2 =	smul.u32 $0x13880, s2  }
0xc: {  	s30 =	sadd.s32 s0, s14;
	s0 =	sadd.s32 s0, s15;
	s25 =	simm.s32 $0x3  }
0xd: {  	s9 =	smax.u32 s9, $0x1;
	s6 =	sshrl.u32 s6, $0x3;
	s7 =	sshrl.u32 s7, $0x3  }
0xe: {  	s11 =	sadd.s32 $0x12C00, s2;
	s2 =	sadd.s32 $0x13100, s2;
	s6 =	sadd.s32 s6, s5  }
0xf: {  	s26 =	sadd.s32 $0x13600, s7;
	s10 =	sadd.s32 s14, s11;
	s11 =	sadd.s32 s15, s11  }
0x10: {  	s12 =	sadd.s32 s14, s2;
	s13 =	sadd.s32 s15, s2;
	s2 =	simm.s32 $0x0  }
0x11: {  	s29 =	sadd.s32 $0x13800, s6;
	s6 =	sadd.s32 $0x9800, s6;
	s7 =	sadd.s32 s14, s26  }
0x12: {  	s8 =	sadd.s32 s15, s26;
	s14 =	sadd.s32 s16, s30;
	s15 =	sadd.s32 s16, s0  }
0x13: {  	s16 =	simm.s32 $0x1400;
	s26 =	simm.s32 $0x4;
	[dreg:$0x4] =	wrdreg s29  }
.LBB2_1:
0x14: {  	s0 =	rddreg [dreg:$0x4]  }
0x15: {  	[tilespmem:s4], [sflag:$0x1] =	stream.linear.gather [hbm4b:s0+s4], $0x1388, $0x38;
	[tilespmem:$0xC800] =	vst v63  }
0x16: {  	_ = 	snop  }
0x17: {  	[tilespmem:s16], [sflag:$0x2] =	stream.linear.gather [hbm4b:s6+s4], $0x1388, $0x38;
	[tilespmem:$0xC800] =	vst v63  }
0x18: {  	_ =	swait.ge [sflag:s17], $0x1388  }
0x19: {  	[sflag:s17] =	ssyncset.done $0x0  }
0x1a: {  	[sflag:s17] =	ssyncadd.s32 $0xFFFFEC78  }
0x1b: {  	_ =	swait.ge [sflag:s18], $0x1388  }
0x1c: {  	[sflag:s18] =	ssyncset.done $0x0  }
0x1d: {  	[sflag:s18] =	ssyncadd.s32 $0xFFFFEC78  }
0x1e: {  	[tilespmem:s20], [sflag:$0x1] =	stream.indirect.gather [hbm4b:s1+s19], $0x80, s4, s19, $0xb8;
	[tilespmem:$0xC800] =	vst v63  }
0x1f: {  	_ = 	snop  }
0x20: {  	[tilespmem:s21], [sflag:$0x1] =	stream.indirect.gather [hbm4b:s3+s19], $0x80, s16, s19, $0xb8;
	[tilespmem:$0xC800] =	vst v63  }
0x21: {  	_ = 	snop  }
0x22: {  	[tilespmem:s22], [sflag:$0x2] =	stream.indirect.gather [hbm4b:s1+s19], $0x80, s19, s19, $0xb8;
	[tilespmem:$0xC800] =	vst v63  }
0x23: {  	s23 =	simm.s32 $0x1450  }
0x24: {  	[tilespmem:s24], [sflag:$0x2] =	stream.indirect.gather [hbm4b:s3+s19], $0x80, s23, s19, $0xb8;
	[tilespmem:$0xC800] =	vst v63  }
0x25: {  	_ =	swait.ge [sflag:s17], $0x2800  }
0x26: {  	[sflag:s17] =	ssyncset.done $0x0  }
0x27: {  	[sflag:s17] =	ssyncadd.s32 $0xFFFFD800  }
0x28: {  	_ =	swait.ge [sflag:s17], $0x2800  }
0x29: {  	[sflag:s17] =	ssyncset.done $0x0  }
0x2a: {  	s5 =	sadd.s32 $0x0, s14;
	[sflag:s17] =	ssyncadd.s32 $0xFFFFD800  }
0x2b: {  	[hbm4b:s5+s4] =	stream.linear.scatter [tilespmem:s20], [sflag:$0x3], $0x2800, $0x38;
	[tilespmem:$0xC800] =	vst v63  }
0x2c: {  	s23 =	sadd.s32 $0x0, s15  }
0x2d: {  	[hbm4b:s23+s4] =	stream.linear.scatter [tilespmem:s21], [sflag:$0x3], $0x2800, $0x38;
	[tilespmem:$0xC800] =	vst v63  }
0x2e: {  	_ =	swait.ge [sflag:s18], $0x2800  }
0x2f: {  	[sflag:s18] =	ssyncset.done $0x0  }
0x30: {  	[sflag:s18] =	ssyncadd.s32 $0xFFFFD800  }
0x31: {  	_ =	swait.ge [sflag:s18], $0x2800  }
0x32: {  	[sflag:s18] =	ssyncset.done $0x0  }
0x33: {  	s0 =	sadd.s32 $0x500, s5;
	[sflag:s18] =	ssyncadd.s32 $0xFFFFD800  }
0x34: {  	[hbm4b:s0+s4] =	stream.linear.scatter [tilespmem:s22], [sflag:$0x4], $0x2800, $0x38;
	[tilespmem:$0xC800] =	vst v63  }
0x35: {  	s5 =	sadd.s32 $0x500, s23  }
0x36: {  	[hbm4b:s5+s4] =	stream.linear.scatter [tilespmem:s24], [sflag:$0x4], $0x2800, $0x38;
	[tilespmem:$0xC800] =	vst v63  }
0x37: {  	_ =	swait.ge [sflag:s25], $0x2800  }
0x38: {  	[sflag:s25] =	ssyncset.done $0x0  }
0x39: {  	[sflag:s25] =	ssyncadd.s32 $0xFFFFD800  }
0x3a: {  	_ =	swait.ge [sflag:s25], $0x2800  }
0x3b: {  	[sflag:s25] =	ssyncset.done $0x0  }
0x3c: {  	s23 =	simm.s32 $0xA0;
	[sflag:s25] =	ssyncadd.s32 $0xFFFFD800  }
0x3d: {  	[tilespmem:s20], [sflag:$0x1] =	stream.indirect.gather [hbm4b:s1+s19], $0x80, s23, s19, $0xb8;
	[tilespmem:$0xC800] =	vst v63  }
0x3e: {  	s5 =	simm.s32 $0x14A0  }
0x3f: {  	[tilespmem:s21], [sflag:$0x1] =	stream.indirect.gather [hbm4b:s3+s19], $0x80, s5, s19, $0xb8;
	[tilespmem:$0xC800] =	vst v63  }
0x40: {  	_ =	swait.ge [sflag:s26], $0x2800  }
0x41: {  	[sflag:s26] =	ssyncset.done $0x0  }
0x42: {  	[sflag:s26] =	ssyncadd.s32 $0xFFFFD800  }
0x43: {  	_ =	swait.ge [sflag:s26], $0x2800  }
0x44: {  	[sflag:s26] =	ssyncset.done $0x0  }
0x45: {  	s30 =	simm.s32 $0x14F0;
	s23 =	simm.s32 $0xF0;
	[sflag:s26] =	ssyncadd.s32 $0xFFFFD800  }
0x46: {  	[tilespmem:s22], [sflag:$0x2] =	stream.indirect.gather [hbm4b:s1+s19], $0x80, s23, s19, $0xb8;
	[tilespmem:$0xC800] =	vst v63  }
0x47: {  	s29 =	simm.s32 $0x1540;
	s0 =	simm.s32 $0xA00;
	s23 =	simm.s32 $0x140  }
.LBB2_2:
0x48: {  	[tilespmem:s24], [sflag:$0x2] =	stream.indirect.gather [hbm4b:s3+s19], $0x80, s30, s19, $0xb8;
	[tilespmem:$0xC800] =	vst v63  }
0x49: {  	s30 =	smov.u32 s0  }
0x4a: {  	p0 =	sne.s32 s0, $0x12200;
	s0 =	sadd.s32 $0xA00, s0;
	_ =	swait.ge [sflag:s17], $0x2800  }
0x4b: {  	[sflag:s17] =	ssyncset.done $0x0  }
0x4c: {  	[sflag:s17] =	ssyncadd.s32 $0xFFFFD800  }
0x4d: {  	_ =	swait.ge [sflag:s17], $0x2800  }
0x4e: {  	[sflag:s17] =	ssyncset.done $0x0  }
0x4f: {  	s5 =	sadd.s32 s30, s14;
	[sflag:s17] =	ssyncadd.s32 $0xFFFFD800  }
0x50: {  	[hbm4b:s5+s4] =	stream.linear.scatter [tilespmem:s20], [sflag:$0x3], $0x2800, $0x38;
	[tilespmem:$0xC800] =	vst v63  }
0x51: {  	s30 =	sadd.s32 s30, s15  }
0x52: {  	[hbm4b:s30+s4] =	stream.linear.scatter [tilespmem:s21], [sflag:$0x3], $0x2800, $0x38;
	[tilespmem:$0xC800] =	vst v63  }
0x53: {  	_ =	swait.ge [sflag:s18], $0x2800  }
0x54: {  	[sflag:s18] =	ssyncset.done $0x0  }
0x55: {  	[sflag:s18] =	ssyncadd.s32 $0xFFFFD800  }
0x56: {  	_ =	swait.ge [sflag:s18], $0x2800  }
0x57: {  	[sflag:s18] =	ssyncset.done $0x0  }
0x58: {  	s5 =	sadd.s32 $0x500, s5;
	[sflag:s18] =	ssyncadd.s32 $0xFFFFD800  }
0x59: {  	[hbm4b:s5+s4] =	stream.linear.scatter [tilespmem:s22], [sflag:$0x4], $0x2800, $0x38;
	[tilespmem:$0xC800] =	vst v63  }
0x5a: {  	s5 =	sadd.s32 $0x500, s30  }
0x5b: {  	[hbm4b:s5+s4] =	stream.linear.scatter [tilespmem:s24], [sflag:$0x4], $0x2800, $0x38;
	[tilespmem:$0xC800] =	vst v63  }
0x5c: {  	_ =	swait.ge [sflag:s25], $0x2800  }
0x5d: {  	[sflag:s25] =	ssyncset.done $0x0  }
0x5e: {  	[sflag:s25] =	ssyncadd.s32 $0xFFFFD800  }
0x5f: {  	_ =	swait.ge [sflag:s25], $0x2800  }
0x60: {  	[sflag:s25] =	ssyncset.done $0x0  }
0x61: {  	[sflag:s25] =	ssyncadd.s32 $0xFFFFD800  }
0x62: {  	[tilespmem:s20], [sflag:$0x1] =	stream.indirect.gather [hbm4b:s1+s19], $0x80, s23, s19, $0xb8;
	[tilespmem:$0xC800] =	vst v63  }
0x63: {  	_ = 	snop  }
0x64: {  	[tilespmem:s21], [sflag:$0x1] =	stream.indirect.gather [hbm4b:s3+s19], $0x80, s29, s19, $0xb8;
	[tilespmem:$0xC800] =	vst v63  }
0x65: {  	_ =	swait.ge [sflag:s26], $0x2800  }
0x66: {  	[sflag:s26] =	ssyncset.done $0x0  }
0x67: {  	[sflag:s26] =	ssyncadd.s32 $0xFFFFD800  }
.Ltmp0:
0x68: {  	_ =	swait.ge [sflag:s26], $0x2800;
	(pc) =	sbr.rel @p0 .LBB2_2-.Ltmp0, $4  }
0x69: {  	[sflag:s26] =	ssyncset.done $0x0  }
0x6a: {  	s5 =	sadd.s32 $0x50, s23;
	[sflag:s26] =	ssyncadd.s32 $0xFFFFD800  }
0x6b: {  	[tilespmem:s22], [sflag:$0x2] =	stream.indirect.gather [hbm4b:s1+s19], $0x80, s5, s19, $0xb8;
	[tilespmem:$0xC800] =	vst v63  }
0x6c: {  	s30 =	sadd.s32 $0x50, s29;
	s23 =	sadd.s32 $0xA0, s23;
	s29 =	sadd.s32 $0xA0, s29  }
0x6d: {  	[tilespmem:s24], [sflag:$0x2] =	stream.indirect.gather [hbm4b:s3+s19], $0x80, s30, s19, $0xb8;
	[tilespmem:$0xC800] =	vst v63  }
0x6e: {  	_ =	swait.ge [sflag:s17], $0x2800  }
0x6f: {  	[sflag:s17] =	ssyncset.done $0x0  }
0x70: {  	[sflag:s17] =	ssyncadd.s32 $0xFFFFD800  }
0x71: {  	_ =	swait.ge [sflag:s17], $0x2800  }
0x72: {  	[sflag:s17] =	ssyncset.done $0x0  }
0x73: {  	[sflag:s17] =	ssyncadd.s32 $0xFFFFD800  }
0x74: {  	[hbm4b:s10+s4] =	stream.linear.scatter [tilespmem:s20], [sflag:$0x3], $0x2800, $0x38;
	[tilespmem:$0xC800] =	vst v63  }
0x75: {  	_ = 	snop  }
0x76: {  	[hbm4b:s11+s4] =	stream.linear.scatter [tilespmem:s21], [sflag:$0x3], $0x2800, $0x38;
	[tilespmem:$0xC800] =	vst v63  }
0x77: {  	_ =	swait.ge [sflag:s18], $0x2800  }
0x78: {  	[sflag:s18] =	ssyncset.done $0x0  }
0x79: {  	[sflag:s18] =	ssyncadd.s32 $0xFFFFD800  }
0x7a: {  	_ =	swait.ge [sflag:s18], $0x2800  }
0x7b: {  	[sflag:s18] =	ssyncset.done $0x0  }
0x7c: {  	[sflag:s18] =	ssyncadd.s32 $0xFFFFD800  }
0x7d: {  	[hbm4b:s12+s4] =	stream.linear.scatter [tilespmem:s22], [sflag:$0x4], $0x2800, $0x38;
	[tilespmem:$0xC800] =	vst v63  }
0x7e: {  	_ = 	snop  }
0x7f: {  	[hbm4b:s13+s4] =	stream.linear.scatter [tilespmem:s24], [sflag:$0x4], $0x2800, $0x38;
	[tilespmem:$0xC800] =	vst v63  }
0x80: {  	_ =	swait.ge [sflag:s25], $0x2800  }
0x81: {  	[sflag:s25] =	ssyncset.done $0x0  }
0x82: {  	[sflag:s25] =	ssyncadd.s32 $0xFFFFD800  }
0x83: {  	_ =	swait.ge [sflag:s25], $0x2800  }
0x84: {  	[sflag:s25] =	ssyncset.done $0x0  }
0x85: {  	[sflag:s25] =	ssyncadd.s32 $0xFFFFD800  }
0x86: {  	_ =	swait.ge [sflag:s26], $0x2800  }
0x87: {  	[sflag:s26] =	ssyncset.done $0x0  }
0x88: {  	[sflag:s26] =	ssyncadd.s32 $0xFFFFD800  }
0x89: {  	_ =	swait.ge [sflag:s26], $0x2800  }
0x8a: {  	[sflag:s26] =	ssyncset.done $0x0  }
0x8b: {  	s0 =	simm.s32 $0x1360;
	[sflag:s26] =	ssyncadd.s32 $0xFFFFD800  }
0x8c: {  	[tilespmem:s20], [sflag:$0x1] =	stream.indirect.gather [hbm4b:s1+s28], $0x80, s0, s28, $0xb8;
	[tilespmem:$0xC800] =	vst v63  }
0x8d: {  	s30 =	simm.s32 $0x2760  }
0x8e: {  	[tilespmem:s21], [sflag:$0x1] =	stream.indirect.gather [hbm4b:s3+s28], $0x80, s30, s28, $0xb8;
	[tilespmem:$0xC800] =	vst v63  }
0x8f: {  	_ =	swait.ge [sflag:s17], $0x1400  }
0x90: {  	[sflag:s17] =	ssyncset.done $0x0  }
0x91: {  	[sflag:s17] =	ssyncadd.s32 $0xFFFFEC00  }
0x92: {  	_ =	swait.ge [sflag:s17], $0x1400  }
0x93: {  	[sflag:s17] =	ssyncset.done $0x0  }
0x94: {  	[sflag:s17] =	ssyncadd.s32 $0xFFFFEC00  }
0x95: {  	[hbm4b:s7+s4] =	stream.linear.scatter [tilespmem:s20], [sflag:$0x5], $0x1400, $0x38;
	[tilespmem:$0xC800] =	vst v63  }
0x96: {  	s2 =	sadd.s32 $0x1, s2;
	_ =	swait.ge [sflag:s31], $0x1400  }
0x97: {  	p0 =	sne.s32 s2, s9;
	[sflag:s31] =	ssyncset.done $0x0  }
.Ltmp1:
0x98: {  	[sflag:s31] =	ssyncadd.s32 $0xFFFFEC00;
	(pc) =	sbr.rel @p0 .LBB2_1-.Ltmp1, $4  }
0x99: {  	[hbm4b:s8+s4] =	stream.linear.scatter [tilespmem:s21], [sflag:$0x5], $0x1400, $0x38;
	[tilespmem:$0xC800] =	vst v63  }
0x9a: {  	_ =	swait.ge [sflag:s31], $0x1400  }
0x9b: {  	[sflag:s31] =	ssyncset.done $0x0  }
0x9c: {  	[sflag:s31] =	ssyncadd.s32 $0xFFFFEC00  }
0x9d: {  	_ =	sfence.sel $0x180000  }
0x9e: {  	[bflag:$0x0] =	sbarrier.arrive $0xFFFF  }
0x9f: {  	_ =	strace $0x9000004A  }
0xa0: {  	s0 =	stileid.u32;
	[bflag:$0x2] =	sbarrier.arrive $0xFFFF  }
0xa1: {  	p0 =	sne.s32 s0, $0x0;
	s0 =	rddreg [dreg:$0x3]  }
0xa2: {  	s0 =	sadd.s32 @!p0 $0x100000, s0  }
0xa3: {  	[sflag:s0] =	ssyncadd.tile.s32 @!p0 $0x1;
	_ =	shalt  }
.Lfunc_end2:
_tile_overlayer_lowered:
.L_overlay_start_2:
0xa4: {  	(tag) =	ssettag $0x2  }
0xa5: {  	s0 =	rddreg [dreg:$0x0];
	s2 =	stileid.u32  }
0xa6: {  	s1 =	rddreg [dreg:$0x1];
	p0 =	sne.s32 s2, $0x0  }
0xa7: {  	s3 =	rddreg [dreg:$0x2];
	[bflag:$0x3] =	sbarrier.arrive $0xFFFF;
	s2 =	simm.s32 @!p0 $0x1C05  }
0xa8: {  	[timem:s3], [sflag:s2] =	dma.local @!p0 [hbm:s0], s1  }
0xa9: {  	s0 =	simm.s32 @!p0 $0x5  }
0xaa: {  	_ =	swait.ge @!p0 [sflag:s0], s1  }
0xab: {  	s1 =	ssub.s32 @!p0 $0x0, s1;
	[sflag:s0] =	ssyncset.done @!p0 $0x0  }
0xac: {  	[sflag:s0] =	ssyncadd.s32 @!p0 s1  }
0xad: {  	[bflag:$0x3] =	sbarrier.arrive $0xFFFF  }
0xae: {  	_ =	shalt  }

</sc_bundles>
